<compile_context>
chip_gen: v7x
topology: tpu7x:2x2x1
jax: 0.10.2.dev20260603
libtpu: 0.0.44.dev20260713+nightly
codegen_flags: <defaults>
</compile_context>

<pallas_src>
import functools

import jax
import jax.numpy as jnp
from jax import lax
from jax.experimental import pallas as pl
from jax.experimental.pallas import tpu as pltpu
from jax.experimental.pallas import tpu_sc as plsc

_NUM_CORES = 2
_NUM_SUBCORES = 16
_NW = _NUM_CORES * _NUM_SUBCORES
_L = 16
_ZPAD = 64


@functools.cache
def _build_encoder(n, c_dim):
  n_pad = -(-n // 128) * 128
  chunk = 128
  for c in (1664, 2048, 1024, 512, 256, 128):
    if n_pad % c == 0:
      chunk = c
      break
  groups = chunk // _L
  nchunks = n_pad // chunk
  kmax = -(-nchunks // _NW)

  mesh = plsc.VectorSubcoreMesh(
      core_axis_name="c", subcore_axis_name="s",
      num_cores=_NUM_CORES, num_subcores=_NUM_SUBCORES)

  @functools.partial(
      pl.kernel,
      out_type=jax.ShapeDtypeStruct((c_dim, n), jnp.float32),
      mesh=mesh,
      compiler_params=pltpu.CompilerParams(
          needs_layout_passes=False, disable_bounds_checks=True),
      scratch_types=[
          pltpu.VMEM((2 * _L,), jnp.int32),
          pltpu.VMEM((2 * _L,), jnp.float32),
      ] + [
          pltpu.VMEM((_ZPAD,), jnp.float32) for _ in range(c_dim)
      ] + [
          pltpu.VMEM((chunk,), jnp.int32),
          pltpu.VMEM((chunk,), jnp.int32),
          pltpu.VMEM((c_dim, chunk), jnp.float32),
          pltpu.VMEM((c_dim, chunk), jnp.float32),
          pltpu.SemaphoreType.DMA,
          pltpu.SemaphoreType.DMA,
          pltpu.SemaphoreType.DMA,
          pltpu.SemaphoreType.DMA,
      ],
  )
  def encode(z_hbm, zs_hbm, out_hbm, zs_i, zs_f, *rest):
    col_tabs = rest[:c_dim]
    (z_b0, z_b1, out_b0, out_b1,
     zsem0, zsem1, osem0, osem1) = rest[c_dim:]
    wid = lax.axis_index("s") * _NUM_CORES + lax.axis_index("c")
    iota = lax.iota(jnp.int32, _L)

    _OFF = 8
    for half in range(2):
      zs_i[pl.ds(half * _L, _L)] = jnp.full((_L,), 1 << 30, jnp.int32)
    pltpu.sync_copy(zs_hbm, zs_i.at[pl.ds(_OFF, c_dim)])
    for half in range(2):
      sl = pl.ds(half * _L, _L)
      zs_f[sl] = zs_i[sl].astype(jnp.float32)

    for g in range(_ZPAD // _L):
      z = g * _L + iota
      j = jnp.zeros((_L,), jnp.int32)
      for cc in range(c_dim):
        zs_cc = plsc.load_gather(
            zs_i, [jnp.full((_L,), _OFF + cc, jnp.int32)])
        j = j + jnp.where(zs_cc < z, 1, 0)
      j = jnp.minimum(j, c_dim - 1)
      lo = jnp.maximum(j - 1, 0)
      hi = j
      z_f = z.astype(jnp.float32)
      zs_lo = plsc.load_gather(zs_f, [lo + _OFF])
      zs_hi = plsc.load_gather(zs_f, [hi + _OFF])
      exact = plsc.load_gather(zs_i, [hi + _OFF]) == z
      denom = jnp.maximum(zs_hi - zs_lo, 1.0)
      w_lo = (zs_hi - z_f) / denom
      w_hi = (z_f - zs_lo) / denom
      col0 = jnp.where(exact, hi, lo)
      val0 = jnp.where(exact, 1.0, w_lo)
      val1 = jnp.where(exact, 0.0, w_hi)
      zeros_v = jnp.zeros((_L,), jnp.float32)
      sl = pl.ds(g * _L, _L)
      for t in range(c_dim):
        col_tabs[t][sl] = (jnp.where(col0 == t, val0, zeros_v)
                           + jnp.where(hi == t, val1, zeros_v))

    def compute_chunk(z_buf, out_buf):
      @plsc.parallel_loop(0, groups, unroll=4)
      def _groups(g):
        off = g * _L
        z = jnp.clip(z_buf[pl.ds(off, _L)], 0, _ZPAD - 1)
        for t in range(c_dim):
          out_buf[t, pl.ds(off, _L)] = plsc.load_gather(col_tabs[t], [z])

    bufs = ((z_b0, out_b0, zsem0, osem0), (z_b1, out_b1, zsem1, osem1))

    def start_z(k, z_buf, zsem):
      cidx = wid + k * _NW

      @pl.when(cidx < nchunks)
      def _():
        pltpu.async_copy(z_hbm.at[pl.ds(cidx * chunk, chunk)], z_buf, zsem)

    for b, (z_buf, _o, zsem, _os) in enumerate(bufs):
      start_z(b, z_buf, zsem)

    def do_pair(kk, carry):
      for b, (z_buf, out_buf, zsem, osem) in enumerate(bufs):
        k = kk * 2 + b
        cidx = wid + k * _NW

        @pl.when(cidx < nchunks)
        def _body(k=k, z_buf=z_buf, out_buf=out_buf, zsem=zsem, osem=osem):
          pltpu.make_async_copy(
              z_hbm.at[pl.ds(0, chunk)], z_buf, zsem).wait()

          @pl.when(k >= 2)
          def _drain():
            pltpu.make_async_copy(
                out_buf, out_hbm.at[:, pl.ds(0, chunk)], osem).wait()

          compute_chunk(z_buf, out_buf)
          pltpu.async_copy(
              out_buf, out_hbm.at[:, pl.ds(cidx * chunk, chunk)], osem)
          start_z(k + 2, z_buf, zsem)

      return carry

    lax.fori_loop(0, (kmax + 1) // 2, do_pair, 0, unroll=False)

    for b, (z_buf, out_buf, zsem, osem) in enumerate(bufs):
      @pl.when(wid + b * _NW < nchunks)
      def _final(z_buf=z_buf, out_buf=out_buf, osem=osem):
        pltpu.make_async_copy(
            out_buf, out_hbm.at[:, pl.ds(0, chunk)], osem).wait()

  return encode


def kernel(atomic_numbers, zs):
  n = atomic_numbers.shape[0]
  c_dim = zs.shape[0]
  encode = _build_encoder(n, c_dim)
  out_t = encode(atomic_numbers.astype(jnp.int32), zs.astype(jnp.int32))
  return out_t.T

# --- scband reference (transcript-rebuilt; emitter-appended) ---
"""Pipeline reference for scband-node-encoder-with-interpolation-7052336300122 (READ-ONLY COPY).

The authoritative reference and input builder live on the scoring server;
editing this copy changes nothing except your own understanding.
"""

import jax, jax.numpy as jnp
import numpy as np

ZS = [0, 1, 5, 6, 7, 8, 9, 14, 15, 16, 17, 35, 53]
N = 1000000


def setup_inputs(seed: int = 0) -> dict:
    key = jax.random.key(seed)
    atomic_numbers = jax.random.randint(key, (N,), 0, 54, dtype=jnp.int32)
    zs = jnp.array(ZS, dtype=jnp.int32)
    return {"atomic_numbers": atomic_numbers, "zs": zs}


def reference(atomic_numbers, zs):
    # Vectorized, faithful translation of the per-element loop:
    # if z in zs -> one-hot at zs.index(z)
    # else -> find first j with z < zs[j]; put (zs[j]-z)/d at j-1 and (z-zs[j-1])/d at j
    n = atomic_numbers.shape[0]
    C = zs.shape[0]
    z = atomic_numbers.astype(jnp.int32)
    # first index j with zs[j] >= z  (zs sorted unique)
    j = jnp.searchsorted(zs, z, side='left')
    j = jnp.clip(j, 0, C - 1)
    exact = zs[j] == z
    lo = jnp.clip(j - 1, 0, C - 1)
    hi = j
    zs_f = zs.astype(jnp.float32)
    z_f = z.astype(jnp.float32)
    denom = jnp.maximum((zs_f[hi] - zs_f[lo]), 1.0)  # guard only hit when exact
    w_lo = (zs_f[hi] - z_f) / denom
    w_hi = (z_f - zs_f[lo]) / denom
    rows = jnp.arange(n)
    encoded = jnp.zeros((n, C), dtype=jnp.float32)
    col0 = jnp.where(exact, hi, lo)
    val0 = jnp.where(exact, 1.0, w_lo)
    encoded = encoded.at[rows, col0].set(val0)
    encoded = encoded.at[rows, hi].add(jnp.where(exact, 0.0, w_hi))
    return encoded

if __name__ == "__main__":
    import jax
    _d = setup_inputs()
    print(jax.jit(kernel)(*tuple(_d.values())))

</pallas_src>

<mosaic_0001>
#map = affine_map<(d0, d1) -> (0)>
#map1 = affine_map<(d0, d1) -> (0, 0)>
module attributes {stable_mosaic.version = 14 : i64} {
  func.func @encode(%arg0: i32, %arg1: i32, %arg2: memref<1000000xi32, #tpu.memory_space<hbm>>, %arg3: memref<13xi32, #tpu.memory_space<hbm>>, %arg4: memref<13x1000000xf32, #tpu.memory_space<hbm>>, %arg5: memref<32xi32, #tpu.memory_space<vmem>>, %arg6: memref<32xf32, #tpu.memory_space<vmem>>, %arg7: memref<64xf32, #tpu.memory_space<vmem>>, %arg8: memref<64xf32, #tpu.memory_space<vmem>>, %arg9: memref<64xf32, #tpu.memory_space<vmem>>, %arg10: memref<64xf32, #tpu.memory_space<vmem>>, %arg11: memref<64xf32, #tpu.memory_space<vmem>>, %arg12: memref<64xf32, #tpu.memory_space<vmem>>, %arg13: memref<64xf32, #tpu.memory_space<vmem>>, %arg14: memref<64xf32, #tpu.memory_space<vmem>>, %arg15: memref<64xf32, #tpu.memory_space<vmem>>, %arg16: memref<64xf32, #tpu.memory_space<vmem>>, %arg17: memref<64xf32, #tpu.memory_space<vmem>>, %arg18: memref<64xf32, #tpu.memory_space<vmem>>, %arg19: memref<64xf32, #tpu.memory_space<vmem>>, %arg20: memref<1664xi32, #tpu.memory_space<vmem>>, %arg21: memref<1664xi32, #tpu.memory_space<vmem>>, %arg22: memref<13x1664xf32, #tpu.memory_space<vmem>>, %arg23: memref<13x1664xf32, #tpu.memory_space<vmem>>, %arg24: memref<!tpu.dma_semaphore, #tpu.memory_space<semaphore_mem>>, %arg25: memref<!tpu.dma_semaphore, #tpu.memory_space<semaphore_mem>>, %arg26: memref<!tpu.dma_semaphore, #tpu.memory_space<semaphore_mem>>, %arg27: memref<!tpu.dma_semaphore, #tpu.memory_space<semaphore_mem>>) attributes {dimension_semantics = [#tpu.dimension_semantics<core_parallel>, #tpu.dimension_semantics<subcore_parallel>], iteration_bounds = array<i64: 2, 16>, scalar_prefetch = 0 : i64, scratch_operands = 23 : i64, tpu.core_type = #tpu.core_type<sc_vector_subcore>, window_params = [{transform_indices = #map}, {transform_indices = #map}, {transform_indices = #map1}]} {
    %mul3A = arith.constant 2 : i32
    %mul3A_0 = arith.muli %arg1, %mul3A : i32
    %add3A = arith.addi %mul3A_0, %arg0 : i32
    %iota3A = tpu.iota {dimensions = array<i32: 0>} : vector<16xi32>
    %broadcast_in_dim3A = arith.constant 1073741824 : i32
    %broadcast_in_dim3A_1 = vector.broadcast %broadcast_in_dim3A : i32 to vector<16xi32>
    %swap3A = arith.constant 0 : index
    %swap3A_2 = tpu.vector_load %arg5[%swap3A] {strides = array<i32>} : memref<32xi32, #tpu.memory_space<vmem>>, vector<16xi32>,
    tpu.vector_store %arg5[%swap3A], %broadcast_in_dim3A_1 {strides = array<i32>} : memref<32xi32, #tpu.memory_space<vmem>>, vector<16xi32>,
    %broadcast_in_dim3A_3 = arith.constant 1073741824 : i32
    %broadcast_in_dim3A_4 = vector.broadcast %broadcast_in_dim3A_3 : i32 to vector<16xi32>
    %swap3A_5 = arith.constant 16 : index
    %swap3A_6 = tpu.vector_load %arg5[%swap3A_5] {strides = array<i32>} : memref<32xi32, #tpu.memory_space<vmem>>, vector<16xi32>,
    tpu.vector_store %arg5[%swap3A_5], %broadcast_in_dim3A_4 {strides = array<i32>} : memref<32xi32, #tpu.memory_space<vmem>>, vector<16xi32>,
    "tpu.region"() ({
      %run_scoped3A = tpu.sem_alloc : memref<!tpu.dma_semaphore, #tpu.memory_space<semaphore_mem>>
      %dma_start3A = arith.constant 8 : i32
      %dma_start3A_1310 = tpu.memref_slice %arg5[%dma_start3A] : memref<32xi32, #tpu.memory_space<vmem>> -> memref<13xi32, #tpu.memory_space<vmem>>
      %dma_start3A_1311 = arith.constant 8 : i32
      %dma_start3A_1312 = tpu.memref_slice %arg5[%dma_start3A_1311] : memref<32xi32, #tpu.memory_space<vmem>> -> memref<13xi32, #tpu.memory_space<vmem>>
      tpu.enqueue_dma source(%arg3 : memref<13xi32, #tpu.memory_space<hbm>>) target(%dma_start3A_1312 : memref<13xi32, #tpu.memory_space<vmem>>) target_semaphore(%run_scoped3A : memref<!tpu.dma_semaphore, #tpu.memory_space<semaphore_mem>>)
      %dma_wait3A = arith.constant 8 : i32
      %dma_wait3A_1313 = tpu.memref_slice %arg5[%dma_wait3A] : memref<32xi32, #tpu.memory_space<vmem>> -> memref<13xi32, #tpu.memory_space<vmem>>
      %dma_wait3A_1314 = arith.constant 8 : i32
      %dma_wait3A_1315 = tpu.memref_slice %arg5[%dma_wait3A_1314] : memref<32xi32, #tpu.memory_space<vmem>> -> memref<13xi32, #tpu.memory_space<vmem>>
      tpu.wait_dma2 semaphore(%run_scoped3A : memref<!tpu.dma_semaphore, #tpu.memory_space<semaphore_mem>>) src(%arg3 : memref<13xi32, #tpu.memory_space<hbm>>) dst(%dma_wait3A_1315 : memref<13xi32, #tpu.memory_space<vmem>>)
      tpu.yield
    }) : () -> ()
    %get3A = arith.constant 0 : index
    %get3A_7 = tpu.vector_load %arg5[%get3A] {strides = array<i32>} : memref<32xi32, #tpu.memory_space<vmem>>, vector<16xi32>,
    %convert_element_type3A = arith.sitofp %get3A_7 : vector<16xi32> to vector<16xf32>
    %swap3A_8 = arith.constant 0 : index
    %swap3A_9 = tpu.vector_load %arg6[%swap3A_8] {strides = array<i32>} : memref<32xf32, #tpu.memory_space<vmem>>, vector<16xf32>,
    tpu.vector_store %arg6[%swap3A_8], %convert_element_type3A {strides = array<i32>} : memref<32xf32, #tpu.memory_space<vmem>>, vector<16xf32>,
    %get3A_10 = arith.constant 16 : index
    %get3A_11 = tpu.vector_load %arg5[%get3A_10] {strides = array<i32>} : memref<32xi32, #tpu.memory_space<vmem>>, vector<16xi32>,
    %convert_element_type3A_12 = arith.sitofp %get3A_11 : vector<16xi32> to vector<16xf32>
    %swap3A_13 = arith.constant 16 : index
    %swap3A_14 = tpu.vector_load %arg6[%swap3A_13] {strides = array<i32>} : memref<32xf32, #tpu.memory_space<vmem>>, vector<16xf32>,
    tpu.vector_store %arg6[%swap3A_13], %convert_element_type3A_12 {strides = array<i32>} : memref<32xf32, #tpu.memory_space<vmem>>, vector<16xf32>,
    %add3A_15 = arith.constant 0 : i32
    %add3A_16 = vector.broadcast %add3A_15 : i32 to vector<16xi32>
    %add3A_17 = arith.addi %add3A_16, %iota3A : vector<16xi32>
    %broadcast_in_dim3A_18 = arith.constant 0 : i32
    %broadcast_in_dim3A_19 = vector.broadcast %broadcast_in_dim3A_18 : i32 to vector<16xi32>
    %broadcast_in_dim3A_20 = arith.constant 8 : i32
    %broadcast_in_dim3A_21 = vector.broadcast %broadcast_in_dim3A_20 : i32 to vector<16xi32>
    %gather3A = tpu.vector_load_idx %arg5[%broadcast_in_dim3A_21] : memref<32xi32, #tpu.memory_space<vmem>>[vector<16xi32>], vector<16xi32>,
    %lt3A = arith.cmpi slt, %gather3A, %add3A_17 : vector<16xi32>
    %jit3A = arith.constant 1 : i32
    %jit3A_22 = arith.constant 0 : i32
    %broadcast_in_dim3A_23 = vector.broadcast %jit3A : i32 to vector<16xi32>
    %broadcast_in_dim3A_24 = vector.broadcast %jit3A_22 : i32 to vector<16xi32>
    %select_n3A = arith.select %lt3A, %broadcast_in_dim3A_23, %broadcast_in_dim3A_24 : vector<16xi1>, vector<16xi32>
    %add3A_25 = arith.addi %broadcast_in_dim3A_19, %select_n3A : vector<16xi32>
    %broadcast_in_dim3A_26 = arith.constant 9 : i32
    %broadcast_in_dim3A_27 = vector.broadcast %broadcast_in_dim3A_26 : i32 to vector<16xi32>
    %gather3A_28 = tpu.vector_load_idx %arg5[%broadcast_in_dim3A_27] : memref<32xi32, #tpu.memory_space<vmem>>[vector<16xi32>], vector<16xi32>,
    %lt3A_29 = arith.cmpi slt, %gather3A_28, %add3A_17 : vector<16xi32>
    %jit3A_30 = arith.constant 1 : i32
    %jit3A_31 = arith.constant 0 : i32
    %broadcast_in_dim3A_32 = vector.broadcast %jit3A_30 : i32 to vector<16xi32>
    %broadcast_in_dim3A_33 = vector.broadcast %jit3A_31 : i32 to vector<16xi32>
    %select_n3A_34 = arith.select %lt3A_29, %broadcast_in_dim3A_32, %broadcast_in_dim3A_33 : vector<16xi1>, vector<16xi32>
    %add3A_35 = arith.addi %add3A_25, %select_n3A_34 : vector<16xi32>
    %broadcast_in_dim3A_36 = arith.constant 10 : i32
    %broadcast_in_dim3A_37 = vector.broadcast %broadcast_in_dim3A_36 : i32 to vector<16xi32>
    %gather3A_38 = tpu.vector_load_idx %arg5[%broadcast_in_dim3A_37] : memref<32xi32, #tpu.memory_space<vmem>>[vector<16xi32>], vector<16xi32>,
    %lt3A_39 = arith.cmpi slt, %gather3A_38, %add3A_17 : vector<16xi32>
    %jit3A_40 = arith.constant 1 : i32
    %jit3A_41 = arith.constant 0 : i32
    %broadcast_in_dim3A_42 = vector.broadcast %jit3A_40 : i32 to vector<16xi32>
    %broadcast_in_dim3A_43 = vector.broadcast %jit3A_41 : i32 to vector<16xi32>
    %select_n3A_44 = arith.select %lt3A_39, %broadcast_in_dim3A_42, %broadcast_in_dim3A_43 : vector<16xi1>, vector<16xi32>
    %add3A_45 = arith.addi %add3A_35, %select_n3A_44 : vector<16xi32>
    %broadcast_in_dim3A_46 = arith.constant 11 : i32
    %broadcast_in_dim3A_47 = vector.broadcast %broadcast_in_dim3A_46 : i32 to vector<16xi32>
    %gather3A_48 = tpu.vector_load_idx %arg5[%broadcast_in_dim3A_47] : memref<32xi32, #tpu.memory_space<vmem>>[vector<16xi32>], vector<16xi32>,
    %lt3A_49 = arith.cmpi slt, %gather3A_48, %add3A_17 : vector<16xi32>
    %jit3A_50 = arith.constant 1 : i32
    %jit3A_51 = arith.constant 0 : i32
    %broadcast_in_dim3A_52 = vector.broadcast %jit3A_50 : i32 to vector<16xi32>
    %broadcast_in_dim3A_53 = vector.broadcast %jit3A_51 : i32 to vector<16xi32>
    %select_n3A_54 = arith.select %lt3A_49, %broadcast_in_dim3A_52, %broadcast_in_dim3A_53 : vector<16xi1>, vector<16xi32>
    %add3A_55 = arith.addi %add3A_45, %select_n3A_54 : vector<16xi32>
    %broadcast_in_dim3A_56 = arith.constant 12 : i32
    %broadcast_in_dim3A_57 = vector.broadcast %broadcast_in_dim3A_56 : i32 to vector<16xi32>
    %gather3A_58 = tpu.vector_load_idx %arg5[%broadcast_in_dim3A_57] : memref<32xi32, #tpu.memory_space<vmem>>[vector<16xi32>], vector<16xi32>,
    %lt3A_59 = arith.cmpi slt, %gather3A_58, %add3A_17 : vector<16xi32>
    %jit3A_60 = arith.constant 1 : i32
    %jit3A_61 = arith.constant 0 : i32
    %broadcast_in_dim3A_62 = vector.broadcast %jit3A_60 : i32 to vector<16xi32>
    %broadcast_in_dim3A_63 = vector.broadcast %jit3A_61 : i32 to vector<16xi32>
    %select_n3A_64 = arith.select %lt3A_59, %broadcast_in_dim3A_62, %broadcast_in_dim3A_63 : vector<16xi1>, vector<16xi32>
    %add3A_65 = arith.addi %add3A_55, %select_n3A_64 : vector<16xi32>
    %broadcast_in_dim3A_66 = arith.constant 13 : i32
    %broadcast_in_dim3A_67 = vector.broadcast %broadcast_in_dim3A_66 : i32 to vector<16xi32>
    %gather3A_68 = tpu.vector_load_idx %arg5[%broadcast_in_dim3A_67] : memref<32xi32, #tpu.memory_space<vmem>>[vector<16xi32>], vector<16xi32>,
    %lt3A_69 = arith.cmpi slt, %gather3A_68, %add3A_17 : vector<16xi32>
    %jit3A_70 = arith.constant 1 : i32
    %jit3A_71 = arith.constant 0 : i32
    %broadcast_in_dim3A_72 = vector.broadcast %jit3A_70 : i32 to vector<16xi32>
    %broadcast_in_dim3A_73 = vector.broadcast %jit3A_71 : i32 to vector<16xi32>
    %select_n3A_74 = arith.select %lt3A_69, %broadcast_in_dim3A_72, %broadcast_in_dim3A_73 : vector<16xi1>, vector<16xi32>
    %add3A_75 = arith.addi %add3A_65, %select_n3A_74 : vector<16xi32>
    %broadcast_in_dim3A_76 = arith.constant 14 : i32
    %broadcast_in_dim3A_77 = vector.broadcast %broadcast_in_dim3A_76 : i32 to vector<16xi32>
    %gather3A_78 = tpu.vector_load_idx %arg5[%broadcast_in_dim3A_77] : memref<32xi32, #tpu.memory_space<vmem>>[vector<16xi32>], vector<16xi32>,
    %lt3A_79 = arith.cmpi slt, %gather3A_78, %add3A_17 : vector<16xi32>
    %jit3A_80 = arith.constant 1 : i32
    %jit3A_81 = arith.constant 0 : i32
    %broadcast_in_dim3A_82 = vector.broadcast %jit3A_80 : i32 to vector<16xi32>
    %broadcast_in_dim3A_83 = vector.broadcast %jit3A_81 : i32 to vector<16xi32>
    %select_n3A_84 = arith.select %lt3A_79, %broadcast_in_dim3A_82, %broadcast_in_dim3A_83 : vector<16xi1>, vector<16xi32>
    %add3A_85 = arith.addi %add3A_75, %select_n3A_84 : vector<16xi32>
    %broadcast_in_dim3A_86 = arith.constant 15 : i32
    %broadcast_in_dim3A_87 = vector.broadcast %broadcast_in_dim3A_86 : i32 to vector<16xi32>
    %gather3A_88 = tpu.vector_load_idx %arg5[%broadcast_in_dim3A_87] : memref<32xi32, #tpu.memory_space<vmem>>[vector<16xi32>], vector<16xi32>,
    %lt3A_89 = arith.cmpi slt, %gather3A_88, %add3A_17 : vector<16xi32>
    %jit3A_90 = arith.constant 1 : i32
    %jit3A_91 = arith.constant 0 : i32
    %broadcast_in_dim3A_92 = vector.broadcast %jit3A_90 : i32 to vector<16xi32>
    %broadcast_in_dim3A_93 = vector.broadcast %jit3A_91 : i32 to vector<16xi32>
    %select_n3A_94 = arith.select %lt3A_89, %broadcast_in_dim3A_92, %broadcast_in_dim3A_93 : vector<16xi1>, vector<16xi32>
    %add3A_95 = arith.addi %add3A_85, %select_n3A_94 : vector<16xi32>
    %broadcast_in_dim3A_96 = arith.constant 16 : i32
    %broadcast_in_dim3A_97 = vector.broadcast %broadcast_in_dim3A_96 : i32 to vector<16xi32>
    %gather3A_98 = tpu.vector_load_idx %arg5[%broadcast_in_dim3A_97] : memref<32xi32, #tpu.memory_space<vmem>>[vector<16xi32>], vector<16xi32>,
    %lt3A_99 = arith.cmpi slt, %gather3A_98, %add3A_17 : vector<16xi32>
    %jit3A_100 = arith.constant 1 : i32
    %jit3A_101 = arith.constant 0 : i32
    %broadcast_in_dim3A_102 = vector.broadcast %jit3A_100 : i32 to vector<16xi32>
    %broadcast_in_dim3A_103 = vector.broadcast %jit3A_101 : i32 to vector<16xi32>
    %select_n3A_104 = arith.select %lt3A_99, %broadcast_in_dim3A_102, %broadcast_in_dim3A_103 : vector<16xi1>, vector<16xi32>
    %add3A_105 = arith.addi %add3A_95, %select_n3A_104 : vector<16xi32>
    %broadcast_in_dim3A_106 = arith.constant 17 : i32
    %broadcast_in_dim3A_107 = vector.broadcast %broadcast_in_dim3A_106 : i32 to vector<16xi32>
    %gather3A_108 = tpu.vector_load_idx %arg5[%broadcast_in_dim3A_107] : memref<32xi32, #tpu.memory_space<vmem>>[vector<16xi32>], vector<16xi32>,
    %lt3A_109 = arith.cmpi slt, %gather3A_108, %add3A_17 : vector<16xi32>
    %jit3A_110 = arith.constant 1 : i32
    %jit3A_111 = arith.constant 0 : i32
    %broadcast_in_dim3A_112 = vector.broadcast %jit3A_110 : i32 to vector<16xi32>
    %broadcast_in_dim3A_113 = vector.broadcast %jit3A_111 : i32 to vector<16xi32>
    %select_n3A_114 = arith.select %lt3A_109, %broadcast_in_dim3A_112, %broadcast_in_dim3A_113 : vector<16xi1>, vector<16xi32>
    %add3A_115 = arith.addi %add3A_105, %select_n3A_114 : vector<16xi32>
    %broadcast_in_dim3A_116 = arith.constant 18 : i32
    %broadcast_in_dim3A_117 = vector.broadcast %broadcast_in_dim3A_116 : i32 to vector<16xi32>
    %gather3A_118 = tpu.vector_load_idx %arg5[%broadcast_in_dim3A_117] : memref<32xi32, #tpu.memory_space<vmem>>[vector<16xi32>], vector<16xi32>,
    %lt3A_119 = arith.cmpi slt, %gather3A_118, %add3A_17 : vector<16xi32>
    %jit3A_120 = arith.constant 1 : i32
    %jit3A_121 = arith.constant 0 : i32
    %broadcast_in_dim3A_122 = vector.broadcast %jit3A_120 : i32 to vector<16xi32>
    %broadcast_in_dim3A_123 = vector.broadcast %jit3A_121 : i32 to vector<16xi32>
    %select_n3A_124 = arith.select %lt3A_119, %broadcast_in_dim3A_122, %broadcast_in_dim3A_123 : vector<16xi1>, vector<16xi32>
    %add3A_125 = arith.addi %add3A_115, %select_n3A_124 : vector<16xi32>
    %broadcast_in_dim3A_126 = arith.constant 19 : i32
    %broadcast_in_dim3A_127 = vector.broadcast %broadcast_in_dim3A_126 : i32 to vector<16xi32>
    %gather3A_128 = tpu.vector_load_idx %arg5[%broadcast_in_dim3A_127] : memref<32xi32, #tpu.memory_space<vmem>>[vector<16xi32>], vector<16xi32>,
    %lt3A_129 = arith.cmpi slt, %gather3A_128, %add3A_17 : vector<16xi32>
    %jit3A_130 = arith.constant 1 : i32
    %jit3A_131 = arith.constant 0 : i32
    %broadcast_in_dim3A_132 = vector.broadcast %jit3A_130 : i32 to vector<16xi32>
    %broadcast_in_dim3A_133 = vector.broadcast %jit3A_131 : i32 to vector<16xi32>
    %select_n3A_134 = arith.select %lt3A_129, %broadcast_in_dim3A_132, %broadcast_in_dim3A_133 : vector<16xi1>, vector<16xi32>
    %add3A_135 = arith.addi %add3A_125, %select_n3A_134 : vector<16xi32>
    %broadcast_in_dim3A_136 = arith.constant 20 : i32
    %broadcast_in_dim3A_137 = vector.broadcast %broadcast_in_dim3A_136 : i32 to vector<16xi32>
    %gather3A_138 = tpu.vector_load_idx %arg5[%broadcast_in_dim3A_137] : memref<32xi32, #tpu.memory_space<vmem>>[vector<16xi32>], vector<16xi32>,
    %lt3A_139 = arith.cmpi slt, %gather3A_138, %add3A_17 : vector<16xi32>
    %jit3A_140 = arith.constant 1 : i32
    %jit3A_141 = arith.constant 0 : i32
    %broadcast_in_dim3A_142 = vector.broadcast %jit3A_140 : i32 to vector<16xi32>
    %broadcast_in_dim3A_143 = vector.broadcast %jit3A_141 : i32 to vector<16xi32>
    %select_n3A_144 = arith.select %lt3A_139, %broadcast_in_dim3A_142, %broadcast_in_dim3A_143 : vector<16xi1>, vector<16xi32>
    %add3A_145 = arith.addi %add3A_135, %select_n3A_144 : vector<16xi32>
    %min3A = arith.constant 12 : i32
    %min3A_146 = vector.broadcast %min3A : i32 to vector<16xi32>
    %min3A_147 = arith.minsi %add3A_145, %min3A_146 : vector<16xi32>
    %sub3A = arith.constant 1 : i32
    %sub3A_148 = vector.broadcast %sub3A : i32 to vector<16xi32>
    %sub3A_149 = arith.subi %min3A_147, %sub3A_148 : vector<16xi32>
    %max3A = arith.constant 0 : i32
    %max3A_150 = vector.broadcast %max3A : i32 to vector<16xi32>
    %max3A_151 = arith.maxsi %sub3A_149, %max3A_150 : vector<16xi32>
    %convert_element_type3A_152 = arith.sitofp %add3A_17 : vector<16xi32> to vector<16xf32>
    %add3A_153 = arith.constant 8 : i32
    %add3A_154 = vector.broadcast %add3A_153 : i32 to vector<16xi32>
    %add3A_155 = arith.addi %max3A_151, %add3A_154 : vector<16xi32>
    %gather3A_156 = tpu.vector_load_idx %arg6[%add3A_155] : memref<32xf32, #tpu.memory_space<vmem>>[vector<16xi32>], vector<16xf32>,
    %add3A_157 = arith.constant 8 : i32
    %add3A_158 = vector.broadcast %add3A_157 : i32 to vector<16xi32>
    %add3A_159 = arith.addi %min3A_147, %add3A_158 : vector<16xi32>
    %gather3A_160 = tpu.vector_load_idx %arg6[%add3A_159] : memref<32xf32, #tpu.memory_space<vmem>>[vector<16xi32>], vector<16xf32>,
    %add3A_161 = arith.constant 8 : i32
    %add3A_162 = vector.broadcast %add3A_161 : i32 to vector<16xi32>
    %add3A_163 = arith.addi %min3A_147, %add3A_162 : vector<16xi32>
    %gather3A_164 = tpu.vector_load_idx %arg5[%add3A_163] : memref<32xi32, #tpu.memory_space<vmem>>[vector<16xi32>], vector<16xi32>,
    %eq3A = arith.cmpi eq, %gather3A_164, %add3A_17 : vector<16xi32>
    %sub3A_165 = arith.subf %gather3A_160, %gather3A_156 : vector<16xf32>
    %max3A_166 = arith.constant 1.000000e+00 : f32
    %max3A_167 = vector.broadcast %max3A_166 : f32 to vector<16xf32>
    %max3A_168 = arith.maximumf %sub3A_165, %max3A_167 : vector<16xf32>
    %sub3A_169 = arith.subf %gather3A_160, %convert_element_type3A_152 : vector<16xf32>
    %div3A = arith.divf %sub3A_169, %max3A_168 : vector<16xf32>
    %sub3A_170 = arith.subf %convert_element_type3A_152, %gather3A_156 : vector<16xf32>
    %div3A_171 = arith.divf %sub3A_170, %max3A_168 : vector<16xf32>
    %select_n3A_172 = arith.select %eq3A, %min3A_147, %max3A_151 : vector<16xi1>, vector<16xi32>
    %jit3A_173 = arith.constant 1.000000e+00 : f32
    %broadcast_in_dim3A_174 = vector.broadcast %jit3A_173 : f32 to vector<16xf32>
    %select_n3A_175 = arith.select %eq3A, %broadcast_in_dim3A_174, %div3A : vector<16xi1>, vector<16xf32>
    %jit3A_176 = arith.constant 0.000000e+00 : f32
    %broadcast_in_dim3A_177 = vector.broadcast %jit3A_176 : f32 to vector<16xf32>
    %select_n3A_178 = arith.select %eq3A, %broadcast_in_dim3A_177, %div3A_171 : vector<16xi1>, vector<16xf32>
    %broadcast_in_dim3A_179 = arith.constant 0.000000e+00 : f32
    %broadcast_in_dim3A_180 = vector.broadcast %broadcast_in_dim3A_179 : f32 to vector<16xf32>
    %eq3A_181 = arith.constant 0 : i32
    %eq3A_182 = vector.broadcast %eq3A_181 : i32 to vector<16xi32>
    %eq3A_183 = arith.cmpi eq, %select_n3A_172, %eq3A_182 : vector<16xi32>
    %select_n3A_184 = arith.select %eq3A_183, %select_n3A_175, %broadcast_in_dim3A_180 : vector<16xi1>, vector<16xf32>
    %eq3A_185 = arith.constant 0 : i32
    %eq3A_186 = vector.broadcast %eq3A_185 : i32 to vector<16xi32>
    %eq3A_187 = arith.cmpi eq, %min3A_147, %eq3A_186 : vector<16xi32>
    %select_n3A_188 = arith.select %eq3A_187, %select_n3A_178, %broadcast_in_dim3A_180 : vector<16xi1>, vector<16xf32>
    %add3A_189 = arith.addf %select_n3A_184, %select_n3A_188 : vector<16xf32>
    %swap3A_190 = arith.constant 0 : index
    %swap3A_191 = tpu.vector_load %arg7[%swap3A_190] {strides = array<i32>} : memref<64xf32, #tpu.memory_space<vmem>>, vector<16xf32>,
    tpu.vector_store %arg7[%swap3A_190], %add3A_189 {strides = array<i32>} : memref<64xf32, #tpu.memory_space<vmem>>, vector<16xf32>,
    %eq3A_192 = arith.constant 1 : i32
    %eq3A_193 = vector.broadcast %eq3A_192 : i32 to vector<16xi32>
    %eq3A_194 = arith.cmpi eq, %select_n3A_172, %eq3A_193 : vector<16xi32>
    %select_n3A_195 = arith.select %eq3A_194, %select_n3A_175, %broadcast_in_dim3A_180 : vector<16xi1>, vector<16xf32>
    %eq3A_196 = arith.constant 1 : i32
    %eq3A_197 = vector.broadcast %eq3A_196 : i32 to vector<16xi32>
    %eq3A_198 = arith.cmpi eq, %min3A_147, %eq3A_197 : vector<16xi32>
    %select_n3A_199 = arith.select %eq3A_198, %select_n3A_178, %broadcast_in_dim3A_180 : vector<16xi1>, vector<16xf32>
    %add3A_200 = arith.addf %select_n3A_195, %select_n3A_199 : vector<16xf32>
    %swap3A_201 = arith.constant 0 : index
    %swap3A_202 = tpu.vector_load %arg8[%swap3A_201] {strides = array<i32>} : memref<64xf32, #tpu.memory_space<vmem>>, vector<16xf32>,
    tpu.vector_store %arg8[%swap3A_201], %add3A_200 {strides = array<i32>} : memref<64xf32, #tpu.memory_space<vmem>>, vector<16xf32>,
    %eq3A_203 = arith.constant 2 : i32
    %eq3A_204 = vector.broadcast %eq3A_203 : i32 to vector<16xi32>
    %eq3A_205 = arith.cmpi eq, %select_n3A_172, %eq3A_204 : vector<16xi32>
    %select_n3A_206 = arith.select %eq3A_205, %select_n3A_175, %broadcast_in_dim3A_180 : vector<16xi1>, vector<16xf32>
    %eq3A_207 = arith.constant 2 : i32
    %eq3A_208 = vector.broadcast %eq3A_207 : i32 to vector<16xi32>
    %eq3A_209 = arith.cmpi eq, %min3A_147, %eq3A_208 : vector<16xi32>
    %select_n3A_210 = arith.select %eq3A_209, %select_n3A_178, %broadcast_in_dim3A_180 : vector<16xi1>, vector<16xf32>
    %add3A_211 = arith.addf %select_n3A_206, %select_n3A_210 : vector<16xf32>
    %swap3A_212 = arith.constant 0 : index
    %swap3A_213 = tpu.vector_load %arg9[%swap3A_212] {strides = array<i32>} : memref<64xf32, #tpu.memory_space<vmem>>, vector<16xf32>,
    tpu.vector_store %arg9[%swap3A_212], %add3A_211 {strides = array<i32>} : memref<64xf32, #tpu.memory_space<vmem>>, vector<16xf32>,
    %eq3A_214 = arith.constant 3 : i32
    %eq3A_215 = vector.broadcast %eq3A_214 : i32 to vector<16xi32>
    %eq3A_216 = arith.cmpi eq, %select_n3A_172, %eq3A_215 : vector<16xi32>
    %select_n3A_217 = arith.select %eq3A_216, %select_n3A_175, %broadcast_in_dim3A_180 : vector<16xi1>, vector<16xf32>
    %eq3A_218 = arith.constant 3 : i32
    %eq3A_219 = vector.broadcast %eq3A_218 : i32 to vector<16xi32>
    %eq3A_220 = arith.cmpi eq, %min3A_147, %eq3A_219 : vector<16xi32>
    %select_n3A_221 = arith.select %eq3A_220, %select_n3A_178, %broadcast_in_dim3A_180 : vector<16xi1>, vector<16xf32>
    %add3A_222 = arith.addf %select_n3A_217, %select_n3A_221 : vector<16xf32>
    %swap3A_223 = arith.constant 0 : index
    %swap3A_224 = tpu.vector_load %arg10[%swap3A_223] {strides = array<i32>} : memref<64xf32, #tpu.memory_space<vmem>>, vector<16xf32>,
    tpu.vector_store %arg10[%swap3A_223], %add3A_222 {strides = array<i32>} : memref<64xf32, #tpu.memory_space<vmem>>, vector<16xf32>,
    %eq3A_225 = arith.constant 4 : i32
    %eq3A_226 = vector.broadcast %eq3A_225 : i32 to vector<16xi32>
    %eq3A_227 = arith.cmpi eq, %select_n3A_172, %eq3A_226 : vector<16xi32>
    %select_n3A_228 = arith.select %eq3A_227, %select_n3A_175, %broadcast_in_dim3A_180 : vector<16xi1>, vector<16xf32>
    %eq3A_229 = arith.constant 4 : i32
    %eq3A_230 = vector.broadcast %eq3A_229 : i32 to vector<16xi32>
    %eq3A_231 = arith.cmpi eq, %min3A_147, %eq3A_230 : vector<16xi32>
    %select_n3A_232 = arith.select %eq3A_231, %select_n3A_178, %broadcast_in_dim3A_180 : vector<16xi1>, vector<16xf32>
    %add3A_233 = arith.addf %select_n3A_228, %select_n3A_232 : vector<16xf32>
    %swap3A_234 = arith.constant 0 : index
    %swap3A_235 = tpu.vector_load %arg11[%swap3A_234] {strides = array<i32>} : memref<64xf32, #tpu.memory_space<vmem>>, vector<16xf32>,
    tpu.vector_store %arg11[%swap3A_234], %add3A_233 {strides = array<i32>} : memref<64xf32, #tpu.memory_space<vmem>>, vector<16xf32>,
    %eq3A_236 = arith.constant 5 : i32
    %eq3A_237 = vector.broadcast %eq3A_236 : i32 to vector<16xi32>
    %eq3A_238 = arith.cmpi eq, %select_n3A_172, %eq3A_237 : vector<16xi32>
    %select_n3A_239 = arith.select %eq3A_238, %select_n3A_175, %broadcast_in_dim3A_180 : vector<16xi1>, vector<16xf32>
    %eq3A_240 = arith.constant 5 : i32
    %eq3A_241 = vector.broadcast %eq3A_240 : i32 to vector<16xi32>
    %eq3A_242 = arith.cmpi eq, %min3A_147, %eq3A_241 : vector<16xi32>
    %select_n3A_243 = arith.select %eq3A_242, %select_n3A_178, %broadcast_in_dim3A_180 : vector<16xi1>, vector<16xf32>
    %add3A_244 = arith.addf %select_n3A_239, %select_n3A_243 : vector<16xf32>
    %swap3A_245 = arith.constant 0 : index
    %swap3A_246 = tpu.vector_load %arg12[%swap3A_245] {strides = array<i32>} : memref<64xf32, #tpu.memory_space<vmem>>, vector<16xf32>,
    tpu.vector_store %arg12[%swap3A_245], %add3A_244 {strides = array<i32>} : memref<64xf32, #tpu.memory_space<vmem>>, vector<16xf32>,
    %eq3A_247 = arith.constant 6 : i32
    %eq3A_248 = vector.broadcast %eq3A_247 : i32 to vector<16xi32>
    %eq3A_249 = arith.cmpi eq, %select_n3A_172, %eq3A_248 : vector<16xi32>
    %select_n3A_250 = arith.select %eq3A_249, %select_n3A_175, %broadcast_in_dim3A_180 : vector<16xi1>, vector<16xf32>
    %eq3A_251 = arith.constant 6 : i32
    %eq3A_252 = vector.broadcast %eq3A_251 : i32 to vector<16xi32>
    %eq3A_253 = arith.cmpi eq, %min3A_147, %eq3A_252 : vector<16xi32>
    %select_n3A_254 = arith.select %eq3A_253, %select_n3A_178, %broadcast_in_dim3A_180 : vector<16xi1>, vector<16xf32>
    %add3A_255 = arith.addf %select_n3A_250, %select_n3A_254 : vector<16xf32>
    %swap3A_256 = arith.constant 0 : index
    %swap3A_257 = tpu.vector_load %arg13[%swap3A_256] {strides = array<i32>} : memref<64xf32, #tpu.memory_space<vmem>>, vector<16xf32>,
    tpu.vector_store %arg13[%swap3A_256], %add3A_255 {strides = array<i32>} : memref<64xf32, #tpu.memory_space<vmem>>, vector<16xf32>,
    %eq3A_258 = arith.constant 7 : i32
    %eq3A_259 = vector.broadcast %eq3A_258 : i32 to vector<16xi32>
    %eq3A_260 = arith.cmpi eq, %select_n3A_172, %eq3A_259 : vector<16xi32>
    %select_n3A_261 = arith.select %eq3A_260, %select_n3A_175, %broadcast_in_dim3A_180 : vector<16xi1>, vector<16xf32>
    %eq3A_262 = arith.constant 7 : i32
    %eq3A_263 = vector.broadcast %eq3A_262 : i32 to vector<16xi32>
    %eq3A_264 = arith.cmpi eq, %min3A_147, %eq3A_263 : vector<16xi32>
    %select_n3A_265 = arith.select %eq3A_264, %select_n3A_178, %broadcast_in_dim3A_180 : vector<16xi1>, vector<16xf32>
    %add3A_266 = arith.addf %select_n3A_261, %select_n3A_265 : vector<16xf32>
    %swap3A_267 = arith.constant 0 : index
    %swap3A_268 = tpu.vector_load %arg14[%swap3A_267] {strides = array<i32>} : memref<64xf32, #tpu.memory_space<vmem>>, vector<16xf32>,
    tpu.vector_store %arg14[%swap3A_267], %add3A_266 {strides = array<i32>} : memref<64xf32, #tpu.memory_space<vmem>>, vector<16xf32>,
    %eq3A_269 = arith.constant 8 : i32
    %eq3A_270 = vector.broadcast %eq3A_269 : i32 to vector<16xi32>
    %eq3A_271 = arith.cmpi eq, %select_n3A_172, %eq3A_270 : vector<16xi32>
    %select_n3A_272 = arith.select %eq3A_271, %select_n3A_175, %broadcast_in_dim3A_180 : vector<16xi1>, vector<16xf32>
    %eq3A_273 = arith.constant 8 : i32
    %eq3A_274 = vector.broadcast %eq3A_273 : i32 to vector<16xi32>
    %eq3A_275 = arith.cmpi eq, %min3A_147, %eq3A_274 : vector<16xi32>
    %select_n3A_276 = arith.select %eq3A_275, %select_n3A_178, %broadcast_in_dim3A_180 : vector<16xi1>, vector<16xf32>
    %add3A_277 = arith.addf %select_n3A_272, %select_n3A_276 : vector<16xf32>
    %swap3A_278 = arith.constant 0 : index
    %swap3A_279 = tpu.vector_load %arg15[%swap3A_278] {strides = array<i32>} : memref<64xf32, #tpu.memory_space<vmem>>, vector<16xf32>,
    tpu.vector_store %arg15[%swap3A_278], %add3A_277 {strides = array<i32>} : memref<64xf32, #tpu.memory_space<vmem>>, vector<16xf32>,
    %eq3A_280 = arith.constant 9 : i32
    %eq3A_281 = vector.broadcast %eq3A_280 : i32 to vector<16xi32>
    %eq3A_282 = arith.cmpi eq, %select_n3A_172, %eq3A_281 : vector<16xi32>
    %select_n3A_283 = arith.select %eq3A_282, %select_n3A_175, %broadcast_in_dim3A_180 : vector<16xi1>, vector<16xf32>
    %eq3A_284 = arith.constant 9 : i32
    %eq3A_285 = vector.broadcast %eq3A_284 : i32 to vector<16xi32>
    %eq3A_286 = arith.cmpi eq, %min3A_147, %eq3A_285 : vector<16xi32>
    %select_n3A_287 = arith.select %eq3A_286, %select_n3A_178, %broadcast_in_dim3A_180 : vector<16xi1>, vector<16xf32>
    %add3A_288 = arith.addf %select_n3A_283, %select_n3A_287 : vector<16xf32>
    %swap3A_289 = arith.constant 0 : index
    %swap3A_290 = tpu.vector_load %arg16[%swap3A_289] {strides = array<i32>} : memref<64xf32, #tpu.memory_space<vmem>>, vector<16xf32>,
    tpu.vector_store %arg16[%swap3A_289], %add3A_288 {strides = array<i32>} : memref<64xf32, #tpu.memory_space<vmem>>, vector<16xf32>,
    %eq3A_291 = arith.constant 10 : i32
    %eq3A_292 = vector.broadcast %eq3A_291 : i32 to vector<16xi32>
    %eq3A_293 = arith.cmpi eq, %select_n3A_172, %eq3A_292 : vector<16xi32>
    %select_n3A_294 = arith.select %eq3A_293, %select_n3A_175, %broadcast_in_dim3A_180 : vector<16xi1>, vector<16xf32>
    %eq3A_295 = arith.constant 10 : i32
    %eq3A_296 = vector.broadcast %eq3A_295 : i32 to vector<16xi32>
    %eq3A_297 = arith.cmpi eq, %min3A_147, %eq3A_296 : vector<16xi32>
    %select_n3A_298 = arith.select %eq3A_297, %select_n3A_178, %broadcast_in_dim3A_180 : vector<16xi1>, vector<16xf32>
    %add3A_299 = arith.addf %select_n3A_294, %select_n3A_298 : vector<16xf32>
    %swap3A_300 = arith.constant 0 : index
    %swap3A_301 = tpu.vector_load %arg17[%swap3A_300] {strides = array<i32>} : memref<64xf32, #tpu.memory_space<vmem>>, vector<16xf32>,
    tpu.vector_store %arg17[%swap3A_300], %add3A_299 {strides = array<i32>} : memref<64xf32, #tpu.memory_space<vmem>>, vector<16xf32>,
    %eq3A_302 = arith.constant 11 : i32
    %eq3A_303 = vector.broadcast %eq3A_302 : i32 to vector<16xi32>
    %eq3A_304 = arith.cmpi eq, %select_n3A_172, %eq3A_303 : vector<16xi32>
    %select_n3A_305 = arith.select %eq3A_304, %select_n3A_175, %broadcast_in_dim3A_180 : vector<16xi1>, vector<16xf32>
    %eq3A_306 = arith.constant 11 : i32
    %eq3A_307 = vector.broadcast %eq3A_306 : i32 to vector<16xi32>
    %eq3A_308 = arith.cmpi eq, %min3A_147, %eq3A_307 : vector<16xi32>
    %select_n3A_309 = arith.select %eq3A_308, %select_n3A_178, %broadcast_in_dim3A_180 : vector<16xi1>, vector<16xf32>
    %add3A_310 = arith.addf %select_n3A_305, %select_n3A_309 : vector<16xf32>
    %swap3A_311 = arith.constant 0 : index
    %swap3A_312 = tpu.vector_load %arg18[%swap3A_311] {strides = array<i32>} : memref<64xf32, #tpu.memory_space<vmem>>, vector<16xf32>,
    tpu.vector_store %arg18[%swap3A_311], %add3A_310 {strides = array<i32>} : memref<64xf32, #tpu.memory_space<vmem>>, vector<16xf32>,
    %eq3A_313 = arith.constant 12 : i32
    %eq3A_314 = vector.broadcast %eq3A_313 : i32 to vector<16xi32>
    %eq3A_315 = arith.cmpi eq, %select_n3A_172, %eq3A_314 : vector<16xi32>
    %select_n3A_316 = arith.select %eq3A_315, %select_n3A_175, %broadcast_in_dim3A_180 : vector<16xi1>, vector<16xf32>
    %eq3A_317 = arith.constant 12 : i32
    %eq3A_318 = vector.broadcast %eq3A_317 : i32 to vector<16xi32>
    %eq3A_319 = arith.cmpi eq, %min3A_147, %eq3A_318 : vector<16xi32>
    %select_n3A_320 = arith.select %eq3A_319, %select_n3A_178, %broadcast_in_dim3A_180 : vector<16xi1>, vector<16xf32>
    %add3A_321 = arith.addf %select_n3A_316, %select_n3A_320 : vector<16xf32>
    %swap3A_322 = arith.constant 0 : index
    %swap3A_323 = tpu.vector_load %arg19[%swap3A_322] {strides = array<i32>} : memref<64xf32, #tpu.memory_space<vmem>>, vector<16xf32>,
    tpu.vector_store %arg19[%swap3A_322], %add3A_321 {strides = array<i32>} : memref<64xf32, #tpu.memory_space<vmem>>, vector<16xf32>,
    %add3A_324 = arith.constant 16 : i32
    %add3A_325 = vector.broadcast %add3A_324 : i32 to vector<16xi32>
    %add3A_326 = arith.addi %add3A_325, %iota3A : vector<16xi32>
    %broadcast_in_dim3A_327 = arith.constant 0 : i32
    %broadcast_in_dim3A_328 = vector.broadcast %broadcast_in_dim3A_327 : i32 to vector<16xi32>
    %broadcast_in_dim3A_329 = arith.constant 8 : i32
    %broadcast_in_dim3A_330 = vector.broadcast %broadcast_in_dim3A_329 : i32 to vector<16xi32>
    %gather3A_331 = tpu.vector_load_idx %arg5[%broadcast_in_dim3A_330] : memref<32xi32, #tpu.memory_space<vmem>>[vector<16xi32>], vector<16xi32>,
    %lt3A_332 = arith.cmpi slt, %gather3A_331, %add3A_326 : vector<16xi32>
    %jit3A_333 = arith.constant 1 : i32
    %jit3A_334 = arith.constant 0 : i32
    %broadcast_in_dim3A_335 = vector.broadcast %jit3A_333 : i32 to vector<16xi32>
    %broadcast_in_dim3A_336 = vector.broadcast %jit3A_334 : i32 to vector<16xi32>
    %select_n3A_337 = arith.select %lt3A_332, %broadcast_in_dim3A_335, %broadcast_in_dim3A_336 : vector<16xi1>, vector<16xi32>
    %add3A_338 = arith.addi %broadcast_in_dim3A_328, %select_n3A_337 : vector<16xi32>
    %broadcast_in_dim3A_339 = arith.constant 9 : i32
    %broadcast_in_dim3A_340 = vector.broadcast %broadcast_in_dim3A_339 : i32 to vector<16xi32>
    %gather3A_341 = tpu.vector_load_idx %arg5[%broadcast_in_dim3A_340] : memref<32xi32, #tpu.memory_space<vmem>>[vector<16xi32>], vector<16xi32>,
    %lt3A_342 = arith.cmpi slt, %gather3A_341, %add3A_326 : vector<16xi32>
    %jit3A_343 = arith.constant 1 : i32
    %jit3A_344 = arith.constant 0 : i32
    %broadcast_in_dim3A_345 = vector.broadcast %jit3A_343 : i32 to vector<16xi32>
    %broadcast_in_dim3A_346 = vector.broadcast %jit3A_344 : i32 to vector<16xi32>
    %select_n3A_347 = arith.select %lt3A_342, %broadcast_in_dim3A_345, %broadcast_in_dim3A_346 : vector<16xi1>, vector<16xi32>
    %add3A_348 = arith.addi %add3A_338, %select_n3A_347 : vector<16xi32>
    %broadcast_in_dim3A_349 = arith.constant 10 : i32
    %broadcast_in_dim3A_350 = vector.broadcast %broadcast_in_dim3A_349 : i32 to vector<16xi32>
    %gather3A_351 = tpu.vector_load_idx %arg5[%broadcast_in_dim3A_350] : memref<32xi32, #tpu.memory_space<vmem>>[vector<16xi32>], vector<16xi32>,
    %lt3A_352 = arith.cmpi slt, %gather3A_351, %add3A_326 : vector<16xi32>
    %jit3A_353 = arith.constant 1 : i32
    %jit3A_354 = arith.constant 0 : i32
    %broadcast_in_dim3A_355 = vector.broadcast %jit3A_353 : i32 to vector<16xi32>
    %broadcast_in_dim3A_356 = vector.broadcast %jit3A_354 : i32 to vector<16xi32>
    %select_n3A_357 = arith.select %lt3A_352, %broadcast_in_dim3A_355, %broadcast_in_dim3A_356 : vector<16xi1>, vector<16xi32>
    %add3A_358 = arith.addi %add3A_348, %select_n3A_357 : vector<16xi32>
    %broadcast_in_dim3A_359 = arith.constant 11 : i32
    %broadcast_in_dim3A_360 = vector.broadcast %broadcast_in_dim3A_359 : i32 to vector<16xi32>
    %gather3A_361 = tpu.vector_load_idx %arg5[%broadcast_in_dim3A_360] : memref<32xi32, #tpu.memory_space<vmem>>[vector<16xi32>], vector<16xi32>,
    %lt3A_362 = arith.cmpi slt, %gather3A_361, %add3A_326 : vector<16xi32>
    %jit3A_363 = arith.constant 1 : i32
    %jit3A_364 = arith.constant 0 : i32
    %broadcast_in_dim3A_365 = vector.broadcast %jit3A_363 : i32 to vector<16xi32>
    %broadcast_in_dim3A_366 = vector.broadcast %jit3A_364 : i32 to vector<16xi32>
    %select_n3A_367 = arith.select %lt3A_362, %broadcast_in_dim3A_365, %broadcast_in_dim3A_366 : vector<16xi1>, vector<16xi32>
    %add3A_368 = arith.addi %add3A_358, %select_n3A_367 : vector<16xi32>
    %broadcast_in_dim3A_369 = arith.constant 12 : i32
    %broadcast_in_dim3A_370 = vector.broadcast %broadcast_in_dim3A_369 : i32 to vector<16xi32>
    %gather3A_371 = tpu.vector_load_idx %arg5[%broadcast_in_dim3A_370] : memref<32xi32, #tpu.memory_space<vmem>>[vector<16xi32>], vector<16xi32>,
    %lt3A_372 = arith.cmpi slt, %gather3A_371, %add3A_326 : vector<16xi32>
    %jit3A_373 = arith.constant 1 : i32
    %jit3A_374 = arith.constant 0 : i32
    %broadcast_in_dim3A_375 = vector.broadcast %jit3A_373 : i32 to vector<16xi32>
    %broadcast_in_dim3A_376 = vector.broadcast %jit3A_374 : i32 to vector<16xi32>
    %select_n3A_377 = arith.select %lt3A_372, %broadcast_in_dim3A_375, %broadcast_in_dim3A_376 : vector<16xi1>, vector<16xi32>
    %add3A_378 = arith.addi %add3A_368, %select_n3A_377 : vector<16xi32>
    %broadcast_in_dim3A_379 = arith.constant 13 : i32
    %broadcast_in_dim3A_380 = vector.broadcast %broadcast_in_dim3A_379 : i32 to vector<16xi32>
    %gather3A_381 = tpu.vector_load_idx %arg5[%broadcast_in_dim3A_380] : memref<32xi32, #tpu.memory_space<vmem>>[vector<16xi32>], vector<16xi32>,
    %lt3A_382 = arith.cmpi slt, %gather3A_381, %add3A_326 : vector<16xi32>
    %jit3A_383 = arith.constant 1 : i32
    %jit3A_384 = arith.constant 0 : i32
    %broadcast_in_dim3A_385 = vector.broadcast %jit3A_383 : i32 to vector<16xi32>
    %broadcast_in_dim3A_386 = vector.broadcast %jit3A_384 : i32 to vector<16xi32>
    %select_n3A_387 = arith.select %lt3A_382, %broadcast_in_dim3A_385, %broadcast_in_dim3A_386 : vector<16xi1>, vector<16xi32>
    %add3A_388 = arith.addi %add3A_378, %select_n3A_387 : vector<16xi32>
    %broadcast_in_dim3A_389 = arith.constant 14 : i32
    %broadcast_in_dim3A_390 = vector.broadcast %broadcast_in_dim3A_389 : i32 to vector<16xi32>
    %gather3A_391 = tpu.vector_load_idx %arg5[%broadcast_in_dim3A_390] : memref<32xi32, #tpu.memory_space<vmem>>[vector<16xi32>], vector<16xi32>,
    %lt3A_392 = arith.cmpi slt, %gather3A_391, %add3A_326 : vector<16xi32>
    %jit3A_393 = arith.constant 1 : i32
    %jit3A_394 = arith.constant 0 : i32
    %broadcast_in_dim3A_395 = vector.broadcast %jit3A_393 : i32 to vector<16xi32>
    %broadcast_in_dim3A_396 = vector.broadcast %jit3A_394 : i32 to vector<16xi32>
    %select_n3A_397 = arith.select %lt3A_392, %broadcast_in_dim3A_395, %broadcast_in_dim3A_396 : vector<16xi1>, vector<16xi32>
    %add3A_398 = arith.addi %add3A_388, %select_n3A_397 : vector<16xi32>
    %broadcast_in_dim3A_399 = arith.constant 15 : i32
    %broadcast_in_dim3A_400 = vector.broadcast %broadcast_in_dim3A_399 : i32 to vector<16xi32>
    %gather3A_401 = tpu.vector_load_idx %arg5[%broadcast_in_dim3A_400] : memref<32xi32, #tpu.memory_space<vmem>>[vector<16xi32>], vector<16xi32>,
    %lt3A_402 = arith.cmpi slt, %gather3A_401, %add3A_326 : vector<16xi32>
    %jit3A_403 = arith.constant 1 : i32
    %jit3A_404 = arith.constant 0 : i32
    %broadcast_in_dim3A_405 = vector.broadcast %jit3A_403 : i32 to vector<16xi32>
    %broadcast_in_dim3A_406 = vector.broadcast %jit3A_404 : i32 to vector<16xi32>
    %select_n3A_407 = arith.select %lt3A_402, %broadcast_in_dim3A_405, %broadcast_in_dim3A_406 : vector<16xi1>, vector<16xi32>
    %add3A_408 = arith.addi %add3A_398, %select_n3A_407 : vector<16xi32>
    %broadcast_in_dim3A_409 = arith.constant 16 : i32
    %broadcast_in_dim3A_410 = vector.broadcast %broadcast_in_dim3A_409 : i32 to vector<16xi32>
    %gather3A_411 = tpu.vector_load_idx %arg5[%broadcast_in_dim3A_410] : memref<32xi32, #tpu.memory_space<vmem>>[vector<16xi32>], vector<16xi32>,
    %lt3A_412 = arith.cmpi slt, %gather3A_411, %add3A_326 : vector<16xi32>
    %jit3A_413 = arith.constant 1 : i32
    %jit3A_414 = arith.constant 0 : i32
    %broadcast_in_dim3A_415 = vector.broadcast %jit3A_413 : i32 to vector<16xi32>
    %broadcast_in_dim3A_416 = vector.broadcast %jit3A_414 : i32 to vector<16xi32>
    %select_n3A_417 = arith.select %lt3A_412, %broadcast_in_dim3A_415, %broadcast_in_dim3A_416 : vector<16xi1>, vector<16xi32>
    %add3A_418 = arith.addi %add3A_408, %select_n3A_417 : vector<16xi32>
    %broadcast_in_dim3A_419 = arith.constant 17 : i32
    %broadcast_in_dim3A_420 = vector.broadcast %broadcast_in_dim3A_419 : i32 to vector<16xi32>
    %gather3A_421 = tpu.vector_load_idx %arg5[%broadcast_in_dim3A_420] : memref<32xi32, #tpu.memory_space<vmem>>[vector<16xi32>], vector<16xi32>,
    %lt3A_422 = arith.cmpi slt, %gather3A_421, %add3A_326 : vector<16xi32>
    %jit3A_423 = arith.constant 1 : i32
    %jit3A_424 = arith.constant 0 : i32
    %broadcast_in_dim3A_425 = vector.broadcast %jit3A_423 : i32 to vector<16xi32>
    %broadcast_in_dim3A_426 = vector.broadcast %jit3A_424 : i32 to vector<16xi32>
    %select_n3A_427 = arith.select %lt3A_422, %broadcast_in_dim3A_425, %broadcast_in_dim3A_426 : vector<16xi1>, vector<16xi32>
    %add3A_428 = arith.addi %add3A_418, %select_n3A_427 : vector<16xi32>
    %broadcast_in_dim3A_429 = arith.constant 18 : i32
    %broadcast_in_dim3A_430 = vector.broadcast %broadcast_in_dim3A_429 : i32 to vector<16xi32>
    %gather3A_431 = tpu.vector_load_idx %arg5[%broadcast_in_dim3A_430] : memref<32xi32, #tpu.memory_space<vmem>>[vector<16xi32>], vector<16xi32>,
    %lt3A_432 = arith.cmpi slt, %gather3A_431, %add3A_326 : vector<16xi32>
    %jit3A_433 = arith.constant 1 : i32
    %jit3A_434 = arith.constant 0 : i32
    %broadcast_in_dim3A_435 = vector.broadcast %jit3A_433 : i32 to vector<16xi32>
    %broadcast_in_dim3A_436 = vector.broadcast %jit3A_434 : i32 to vector<16xi32>
    %select_n3A_437 = arith.select %lt3A_432, %broadcast_in_dim3A_435, %broadcast_in_dim3A_436 : vector<16xi1>, vector<16xi32>
    %add3A_438 = arith.addi %add3A_428, %select_n3A_437 : vector<16xi32>
    %broadcast_in_dim3A_439 = arith.constant 19 : i32
    %broadcast_in_dim3A_440 = vector.broadcast %broadcast_in_dim3A_439 : i32 to vector<16xi32>
    %gather3A_441 = tpu.vector_load_idx %arg5[%broadcast_in_dim3A_440] : memref<32xi32, #tpu.memory_space<vmem>>[vector<16xi32>], vector<16xi32>,
    %lt3A_442 = arith.cmpi slt, %gather3A_441, %add3A_326 : vector<16xi32>
    %jit3A_443 = arith.constant 1 : i32
    %jit3A_444 = arith.constant 0 : i32
    %broadcast_in_dim3A_445 = vector.broadcast %jit3A_443 : i32 to vector<16xi32>
    %broadcast_in_dim3A_446 = vector.broadcast %jit3A_444 : i32 to vector<16xi32>
    %select_n3A_447 = arith.select %lt3A_442, %broadcast_in_dim3A_445, %broadcast_in_dim3A_446 : vector<16xi1>, vector<16xi32>
    %add3A_448 = arith.addi %add3A_438, %select_n3A_447 : vector<16xi32>
    %broadcast_in_dim3A_449 = arith.constant 20 : i32
    %broadcast_in_dim3A_450 = vector.broadcast %broadcast_in_dim3A_449 : i32 to vector<16xi32>
    %gather3A_451 = tpu.vector_load_idx %arg5[%broadcast_in_dim3A_450] : memref<32xi32, #tpu.memory_space<vmem>>[vector<16xi32>], vector<16xi32>,
    %lt3A_452 = arith.cmpi slt, %gather3A_451, %add3A_326 : vector<16xi32>
    %jit3A_453 = arith.constant 1 : i32
    %jit3A_454 = arith.constant 0 : i32
    %broadcast_in_dim3A_455 = vector.broadcast %jit3A_453 : i32 to vector<16xi32>
    %broadcast_in_dim3A_456 = vector.broadcast %jit3A_454 : i32 to vector<16xi32>
    %select_n3A_457 = arith.select %lt3A_452, %broadcast_in_dim3A_455, %broadcast_in_dim3A_456 : vector<16xi1>, vector<16xi32>
    %add3A_458 = arith.addi %add3A_448, %select_n3A_457 : vector<16xi32>
    %min3A_459 = arith.constant 12 : i32
    %min3A_460 = vector.broadcast %min3A_459 : i32 to vector<16xi32>
    %min3A_461 = arith.minsi %add3A_458, %min3A_460 : vector<16xi32>
    %sub3A_462 = arith.constant 1 : i32
    %sub3A_463 = vector.broadcast %sub3A_462 : i32 to vector<16xi32>
    %sub3A_464 = arith.subi %min3A_461, %sub3A_463 : vector<16xi32>
    %max3A_465 = arith.constant 0 : i32
    %max3A_466 = vector.broadcast %max3A_465 : i32 to vector<16xi32>
    %max3A_467 = arith.maxsi %sub3A_464, %max3A_466 : vector<16xi32>
    %convert_element_type3A_468 = arith.sitofp %add3A_326 : vector<16xi32> to vector<16xf32>
    %add3A_469 = arith.constant 8 : i32
    %add3A_470 = vector.broadcast %add3A_469 : i32 to vector<16xi32>
    %add3A_471 = arith.addi %max3A_467, %add3A_470 : vector<16xi32>
    %gather3A_472 = tpu.vector_load_idx %arg6[%add3A_471] : memref<32xf32, #tpu.memory_space<vmem>>[vector<16xi32>], vector<16xf32>,
    %add3A_473 = arith.constant 8 : i32
    %add3A_474 = vector.broadcast %add3A_473 : i32 to vector<16xi32>
    %add3A_475 = arith.addi %min3A_461, %add3A_474 : vector<16xi32>
    %gather3A_476 = tpu.vector_load_idx %arg6[%add3A_475] : memref<32xf32, #tpu.memory_space<vmem>>[vector<16xi32>], vector<16xf32>,
    %add3A_477 = arith.constant 8 : i32
    %add3A_478 = vector.broadcast %add3A_477 : i32 to vector<16xi32>
    %add3A_479 = arith.addi %min3A_461, %add3A_478 : vector<16xi32>
    %gather3A_480 = tpu.vector_load_idx %arg5[%add3A_479] : memref<32xi32, #tpu.memory_space<vmem>>[vector<16xi32>], vector<16xi32>,
    %eq3A_481 = arith.cmpi eq, %gather3A_480, %add3A_326 : vector<16xi32>
    %sub3A_482 = arith.subf %gather3A_476, %gather3A_472 : vector<16xf32>
    %max3A_483 = arith.constant 1.000000e+00 : f32
    %max3A_484 = vector.broadcast %max3A_483 : f32 to vector<16xf32>
    %max3A_485 = arith.maximumf %sub3A_482, %max3A_484 : vector<16xf32>
    %sub3A_486 = arith.subf %gather3A_476, %convert_element_type3A_468 : vector<16xf32>
    %div3A_487 = arith.divf %sub3A_486, %max3A_485 : vector<16xf32>
    %sub3A_488 = arith.subf %convert_element_type3A_468, %gather3A_472 : vector<16xf32>
    %div3A_489 = arith.divf %sub3A_488, %max3A_485 : vector<16xf32>
    %select_n3A_490 = arith.select %eq3A_481, %min3A_461, %max3A_467 : vector<16xi1>, vector<16xi32>
    %jit3A_491 = arith.constant 1.000000e+00 : f32
    %broadcast_in_dim3A_492 = vector.broadcast %jit3A_491 : f32 to vector<16xf32>
    %select_n3A_493 = arith.select %eq3A_481, %broadcast_in_dim3A_492, %div3A_487 : vector<16xi1>, vector<16xf32>
    %jit3A_494 = arith.constant 0.000000e+00 : f32
    %broadcast_in_dim3A_495 = vector.broadcast %jit3A_494 : f32 to vector<16xf32>
    %select_n3A_496 = arith.select %eq3A_481, %broadcast_in_dim3A_495, %div3A_489 : vector<16xi1>, vector<16xf32>
    %broadcast_in_dim3A_497 = arith.constant 0.000000e+00 : f32
    %broadcast_in_dim3A_498 = vector.broadcast %broadcast_in_dim3A_497 : f32 to vector<16xf32>
    %eq3A_499 = arith.constant 0 : i32
    %eq3A_500 = vector.broadcast %eq3A_499 : i32 to vector<16xi32>
    %eq3A_501 = arith.cmpi eq, %select_n3A_490, %eq3A_500 : vector<16xi32>
    %select_n3A_502 = arith.select %eq3A_501, %select_n3A_493, %broadcast_in_dim3A_498 : vector<16xi1>, vector<16xf32>
    %eq3A_503 = arith.constant 0 : i32
    %eq3A_504 = vector.broadcast %eq3A_503 : i32 to vector<16xi32>
    %eq3A_505 = arith.cmpi eq, %min3A_461, %eq3A_504 : vector<16xi32>
    %select_n3A_506 = arith.select %eq3A_505, %select_n3A_496, %broadcast_in_dim3A_498 : vector<16xi1>, vector<16xf32>
    %add3A_507 = arith.addf %select_n3A_502, %select_n3A_506 : vector<16xf32>
    %swap3A_508 = arith.constant 16 : index
    %swap3A_509 = tpu.vector_load %arg7[%swap3A_508] {strides = array<i32>} : memref<64xf32, #tpu.memory_space<vmem>>, vector<16xf32>,
    tpu.vector_store %arg7[%swap3A_508], %add3A_507 {strides = array<i32>} : memref<64xf32, #tpu.memory_space<vmem>>, vector<16xf32>,
    %eq3A_510 = arith.constant 1 : i32
    %eq3A_511 = vector.broadcast %eq3A_510 : i32 to vector<16xi32>
    %eq3A_512 = arith.cmpi eq, %select_n3A_490, %eq3A_511 : vector<16xi32>
    %select_n3A_513 = arith.select %eq3A_512, %select_n3A_493, %broadcast_in_dim3A_498 : vector<16xi1>, vector<16xf32>
    %eq3A_514 = arith.constant 1 : i32
    %eq3A_515 = vector.broadcast %eq3A_514 : i32 to vector<16xi32>
    %eq3A_516 = arith.cmpi eq, %min3A_461, %eq3A_515 : vector<16xi32>
    %select_n3A_517 = arith.select %eq3A_516, %select_n3A_496, %broadcast_in_dim3A_498 : vector<16xi1>, vector<16xf32>
    %add3A_518 = arith.addf %select_n3A_513, %select_n3A_517 : vector<16xf32>
    %swap3A_519 = arith.constant 16 : index
    %swap3A_520 = tpu.vector_load %arg8[%swap3A_519] {strides = array<i32>} : memref<64xf32, #tpu.memory_space<vmem>>, vector<16xf32>,
    tpu.vector_store %arg8[%swap3A_519], %add3A_518 {strides = array<i32>} : memref<64xf32, #tpu.memory_space<vmem>>, vector<16xf32>,
    %eq3A_521 = arith.constant 2 : i32
    %eq3A_522 = vector.broadcast %eq3A_521 : i32 to vector<16xi32>
    %eq3A_523 = arith.cmpi eq, %select_n3A_490, %eq3A_522 : vector<16xi32>
    %select_n3A_524 = arith.select %eq3A_523, %select_n3A_493, %broadcast_in_dim3A_498 : vector<16xi1>, vector<16xf32>
    %eq3A_525 = arith.constant 2 : i32
    %eq3A_526 = vector.broadcast %eq3A_525 : i32 to vector<16xi32>
    %eq3A_527 = arith.cmpi eq, %min3A_461, %eq3A_526 : vector<16xi32>
    %select_n3A_528 = arith.select %eq3A_527, %select_n3A_496, %broadcast_in_dim3A_498 : vector<16xi1>, vector<16xf32>
    %add3A_529 = arith.addf %select_n3A_524, %select_n3A_528 : vector<16xf32>
    %swap3A_530 = arith.constant 16 : index
    %swap3A_531 = tpu.vector_load %arg9[%swap3A_530] {strides = array<i32>} : memref<64xf32, #tpu.memory_space<vmem>>, vector<16xf32>,
    tpu.vector_store %arg9[%swap3A_530], %add3A_529 {strides = array<i32>} : memref<64xf32, #tpu.memory_space<vmem>>, vector<16xf32>,
    %eq3A_532 = arith.constant 3 : i32
    %eq3A_533 = vector.broadcast %eq3A_532 : i32 to vector<16xi32>
    %eq3A_534 = arith.cmpi eq, %select_n3A_490, %eq3A_533 : vector<16xi32>
    %select_n3A_535 = arith.select %eq3A_534, %select_n3A_493, %broadcast_in_dim3A_498 : vector<16xi1>, vector<16xf32>
    %eq3A_536 = arith.constant 3 : i32
    %eq3A_537 = vector.broadcast %eq3A_536 : i32 to vector<16xi32>
    %eq3A_538 = arith.cmpi eq, %min3A_461, %eq3A_537 : vector<16xi32>
    %select_n3A_539 = arith.select %eq3A_538, %select_n3A_496, %broadcast_in_dim3A_498 : vector<16xi1>, vector<16xf32>
    %add3A_540 = arith.addf %select_n3A_535, %select_n3A_539 : vector<16xf32>
    %swap3A_541 = arith.constant 16 : index
    %swap3A_542 = tpu.vector_load %arg10[%swap3A_541] {strides = array<i32>} : memref<64xf32, #tpu.memory_space<vmem>>, vector<16xf32>,
    tpu.vector_store %arg10[%swap3A_541], %add3A_540 {strides = array<i32>} : memref<64xf32, #tpu.memory_space<vmem>>, vector<16xf32>,
    %eq3A_543 = arith.constant 4 : i32
    %eq3A_544 = vector.broadcast %eq3A_543 : i32 to vector<16xi32>
    %eq3A_545 = arith.cmpi eq, %select_n3A_490, %eq3A_544 : vector<16xi32>
    %select_n3A_546 = arith.select %eq3A_545, %select_n3A_493, %broadcast_in_dim3A_498 : vector<16xi1>, vector<16xf32>
    %eq3A_547 = arith.constant 4 : i32
    %eq3A_548 = vector.broadcast %eq3A_547 : i32 to vector<16xi32>
    %eq3A_549 = arith.cmpi eq, %min3A_461, %eq3A_548 : vector<16xi32>
    %select_n3A_550 = arith.select %eq3A_549, %select_n3A_496, %broadcast_in_dim3A_498 : vector<16xi1>, vector<16xf32>
    %add3A_551 = arith.addf %select_n3A_546, %select_n3A_550 : vector<16xf32>
    %swap3A_552 = arith.constant 16 : index
    %swap3A_553 = tpu.vector_load %arg11[%swap3A_552] {strides = array<i32>} : memref<64xf32, #tpu.memory_space<vmem>>, vector<16xf32>,
    tpu.vector_store %arg11[%swap3A_552], %add3A_551 {strides = array<i32>} : memref<64xf32, #tpu.memory_space<vmem>>, vector<16xf32>,
    %eq3A_554 = arith.constant 5 : i32
    %eq3A_555 = vector.broadcast %eq3A_554 : i32 to vector<16xi32>
    %eq3A_556 = arith.cmpi eq, %select_n3A_490, %eq3A_555 : vector<16xi32>
    %select_n3A_557 = arith.select %eq3A_556, %select_n3A_493, %broadcast_in_dim3A_498 : vector<16xi1>, vector<16xf32>
    %eq3A_558 = arith.constant 5 : i32
    %eq3A_559 = vector.broadcast %eq3A_558 : i32 to vector<16xi32>
    %eq3A_560 = arith.cmpi eq, %min3A_461, %eq3A_559 : vector<16xi32>
    %select_n3A_561 = arith.select %eq3A_560, %select_n3A_496, %broadcast_in_dim3A_498 : vector<16xi1>, vector<16xf32>
    %add3A_562 = arith.addf %select_n3A_557, %select_n3A_561 : vector<16xf32>
    %swap3A_563 = arith.constant 16 : index
    %swap3A_564 = tpu.vector_load %arg12[%swap3A_563] {strides = array<i32>} : memref<64xf32, #tpu.memory_space<vmem>>, vector<16xf32>,
    tpu.vector_store %arg12[%swap3A_563], %add3A_562 {strides = array<i32>} : memref<64xf32, #tpu.memory_space<vmem>>, vector<16xf32>,
    %eq3A_565 = arith.constant 6 : i32
    %eq3A_566 = vector.broadcast %eq3A_565 : i32 to vector<16xi32>
    %eq3A_567 = arith.cmpi eq, %select_n3A_490, %eq3A_566 : vector<16xi32>
    %select_n3A_568 = arith.select %eq3A_567, %select_n3A_493, %broadcast_in_dim3A_498 : vector<16xi1>, vector<16xf32>
    %eq3A_569 = arith.constant 6 : i32
    %eq3A_570 = vector.broadcast %eq3A_569 : i32 to vector<16xi32>
    %eq3A_571 = arith.cmpi eq, %min3A_461, %eq3A_570 : vector<16xi32>
    %select_n3A_572 = arith.select %eq3A_571, %select_n3A_496, %broadcast_in_dim3A_498 : vector<16xi1>, vector<16xf32>
    %add3A_573 = arith.addf %select_n3A_568, %select_n3A_572 : vector<16xf32>
    %swap3A_574 = arith.constant 16 : index
    %swap3A_575 = tpu.vector_load %arg13[%swap3A_574] {strides = array<i32>} : memref<64xf32, #tpu.memory_space<vmem>>, vector<16xf32>,
    tpu.vector_store %arg13[%swap3A_574], %add3A_573 {strides = array<i32>} : memref<64xf32, #tpu.memory_space<vmem>>, vector<16xf32>,
    %eq3A_576 = arith.constant 7 : i32
    %eq3A_577 = vector.broadcast %eq3A_576 : i32 to vector<16xi32>
    %eq3A_578 = arith.cmpi eq, %select_n3A_490, %eq3A_577 : vector<16xi32>
    %select_n3A_579 = arith.select %eq3A_578, %select_n3A_493, %broadcast_in_dim3A_498 : vector<16xi1>, vector<16xf32>
    %eq3A_580 = arith.constant 7 : i32
    %eq3A_581 = vector.broadcast %eq3A_580 : i32 to vector<16xi32>
    %eq3A_582 = arith.cmpi eq, %min3A_461, %eq3A_581 : vector<16xi32>
    %select_n3A_583 = arith.select %eq3A_582, %select_n3A_496, %broadcast_in_dim3A_498 : vector<16xi1>, vector<16xf32>
    %add3A_584 = arith.addf %select_n3A_579, %select_n3A_583 : vector<16xf32>
    %swap3A_585 = arith.constant 16 : index
    %swap3A_586 = tpu.vector_load %arg14[%swap3A_585] {strides = array<i32>} : memref<64xf32, #tpu.memory_space<vmem>>, vector<16xf32>,
    tpu.vector_store %arg14[%swap3A_585], %add3A_584 {strides = array<i32>} : memref<64xf32, #tpu.memory_space<vmem>>, vector<16xf32>,
    %eq3A_587 = arith.constant 8 : i32
    %eq3A_588 = vector.broadcast %eq3A_587 : i32 to vector<16xi32>
    %eq3A_589 = arith.cmpi eq, %select_n3A_490, %eq3A_588 : vector<16xi32>
    %select_n3A_590 = arith.select %eq3A_589, %select_n3A_493, %broadcast_in_dim3A_498 : vector<16xi1>, vector<16xf32>
    %eq3A_591 = arith.constant 8 : i32
    %eq3A_592 = vector.broadcast %eq3A_591 : i32 to vector<16xi32>
    %eq3A_593 = arith.cmpi eq, %min3A_461, %eq3A_592 : vector<16xi32>
    %select_n3A_594 = arith.select %eq3A_593, %select_n3A_496, %broadcast_in_dim3A_498 : vector<16xi1>, vector<16xf32>
    %add3A_595 = arith.addf %select_n3A_590, %select_n3A_594 : vector<16xf32>
    %swap3A_596 = arith.constant 16 : index
    %swap3A_597 = tpu.vector_load %arg15[%swap3A_596] {strides = array<i32>} : memref<64xf32, #tpu.memory_space<vmem>>, vector<16xf32>,
    tpu.vector_store %arg15[%swap3A_596], %add3A_595 {strides = array<i32>} : memref<64xf32, #tpu.memory_space<vmem>>, vector<16xf32>,
    %eq3A_598 = arith.constant 9 : i32
    %eq3A_599 = vector.broadcast %eq3A_598 : i32 to vector<16xi32>
    %eq3A_600 = arith.cmpi eq, %select_n3A_490, %eq3A_599 : vector<16xi32>
    %select_n3A_601 = arith.select %eq3A_600, %select_n3A_493, %broadcast_in_dim3A_498 : vector<16xi1>, vector<16xf32>
    %eq3A_602 = arith.constant 9 : i32
    %eq3A_603 = vector.broadcast %eq3A_602 : i32 to vector<16xi32>
    %eq3A_604 = arith.cmpi eq, %min3A_461, %eq3A_603 : vector<16xi32>
    %select_n3A_605 = arith.select %eq3A_604, %select_n3A_496, %broadcast_in_dim3A_498 : vector<16xi1>, vector<16xf32>
    %add3A_606 = arith.addf %select_n3A_601, %select_n3A_605 : vector<16xf32>
    %swap3A_607 = arith.constant 16 : index
    %swap3A_608 = tpu.vector_load %arg16[%swap3A_607] {strides = array<i32>} : memref<64xf32, #tpu.memory_space<vmem>>, vector<16xf32>,
    tpu.vector_store %arg16[%swap3A_607], %add3A_606 {strides = array<i32>} : memref<64xf32, #tpu.memory_space<vmem>>, vector<16xf32>,
    %eq3A_609 = arith.constant 10 : i32
    %eq3A_610 = vector.broadcast %eq3A_609 : i32 to vector<16xi32>
    %eq3A_611 = arith.cmpi eq, %select_n3A_490, %eq3A_610 : vector<16xi32>
    %select_n3A_612 = arith.select %eq3A_611, %select_n3A_493, %broadcast_in_dim3A_498 : vector<16xi1>, vector<16xf32>
    %eq3A_613 = arith.constant 10 : i32
    %eq3A_614 = vector.broadcast %eq3A_613 : i32 to vector<16xi32>
    %eq3A_615 = arith.cmpi eq, %min3A_461, %eq3A_614 : vector<16xi32>
    %select_n3A_616 = arith.select %eq3A_615, %select_n3A_496, %broadcast_in_dim3A_498 : vector<16xi1>, vector<16xf32>
    %add3A_617 = arith.addf %select_n3A_612, %select_n3A_616 : vector<16xf32>
    %swap3A_618 = arith.constant 16 : index
    %swap3A_619 = tpu.vector_load %arg17[%swap3A_618] {strides = array<i32>} : memref<64xf32, #tpu.memory_space<vmem>>, vector<16xf32>,
    tpu.vector_store %arg17[%swap3A_618], %add3A_617 {strides = array<i32>} : memref<64xf32, #tpu.memory_space<vmem>>, vector<16xf32>,
    %eq3A_620 = arith.constant 11 : i32
    %eq3A_621 = vector.broadcast %eq3A_620 : i32 to vector<16xi32>
    %eq3A_622 = arith.cmpi eq, %select_n3A_490, %eq3A_621 : vector<16xi32>
    %select_n3A_623 = arith.select %eq3A_622, %select_n3A_493, %broadcast_in_dim3A_498 : vector<16xi1>, vector<16xf32>
    %eq3A_624 = arith.constant 11 : i32
    %eq3A_625 = vector.broadcast %eq3A_624 : i32 to vector<16xi32>
    %eq3A_626 = arith.cmpi eq, %min3A_461, %eq3A_625 : vector<16xi32>
    %select_n3A_627 = arith.select %eq3A_626, %select_n3A_496, %broadcast_in_dim3A_498 : vector<16xi1>, vector<16xf32>
    %add3A_628 = arith.addf %select_n3A_623, %select_n3A_627 : vector<16xf32>
    %swap3A_629 = arith.constant 16 : index
    %swap3A_630 = tpu.vector_load %arg18[%swap3A_629] {strides = array<i32>} : memref<64xf32, #tpu.memory_space<vmem>>, vector<16xf32>,
    tpu.vector_store %arg18[%swap3A_629], %add3A_628 {strides = array<i32>} : memref<64xf32, #tpu.memory_space<vmem>>, vector<16xf32>,
    %eq3A_631 = arith.constant 12 : i32
    %eq3A_632 = vector.broadcast %eq3A_631 : i32 to vector<16xi32>
    %eq3A_633 = arith.cmpi eq, %select_n3A_490, %eq3A_632 : vector<16xi32>
    %select_n3A_634 = arith.select %eq3A_633, %select_n3A_493, %broadcast_in_dim3A_498 : vector<16xi1>, vector<16xf32>
    %eq3A_635 = arith.constant 12 : i32
    %eq3A_636 = vector.broadcast %eq3A_635 : i32 to vector<16xi32>
    %eq3A_637 = arith.cmpi eq, %min3A_461, %eq3A_636 : vector<16xi32>
    %select_n3A_638 = arith.select %eq3A_637, %select_n3A_496, %broadcast_in_dim3A_498 : vector<16xi1>, vector<16xf32>
    %add3A_639 = arith.addf %select_n3A_634, %select_n3A_638 : vector<16xf32>
    %swap3A_640 = arith.constant 16 : index
    %swap3A_641 = tpu.vector_load %arg19[%swap3A_640] {strides = array<i32>} : memref<64xf32, #tpu.memory_space<vmem>>, vector<16xf32>,
    tpu.vector_store %arg19[%swap3A_640], %add3A_639 {strides = array<i32>} : memref<64xf32, #tpu.memory_space<vmem>>, vector<16xf32>,
    %add3A_642 = arith.constant 32 : i32
    %add3A_643 = vector.broadcast %add3A_642 : i32 to vector<16xi32>
    %add3A_644 = arith.addi %add3A_643, %iota3A : vector<16xi32>
    %broadcast_in_dim3A_645 = arith.constant 0 : i32
    %broadcast_in_dim3A_646 = vector.broadcast %broadcast_in_dim3A_645 : i32 to vector<16xi32>
    %broadcast_in_dim3A_647 = arith.constant 8 : i32
    %broadcast_in_dim3A_648 = vector.broadcast %broadcast_in_dim3A_647 : i32 to vector<16xi32>
    %gather3A_649 = tpu.vector_load_idx %arg5[%broadcast_in_dim3A_648] : memref<32xi32, #tpu.memory_space<vmem>>[vector<16xi32>], vector<16xi32>,
    %lt3A_650 = arith.cmpi slt, %gather3A_649, %add3A_644 : vector<16xi32>
    %jit3A_651 = arith.constant 1 : i32
    %jit3A_652 = arith.constant 0 : i32
    %broadcast_in_dim3A_653 = vector.broadcast %jit3A_651 : i32 to vector<16xi32>
    %broadcast_in_dim3A_654 = vector.broadcast %jit3A_652 : i32 to vector<16xi32>
    %select_n3A_655 = arith.select %lt3A_650, %broadcast_in_dim3A_653, %broadcast_in_dim3A_654 : vector<16xi1>, vector<16xi32>
    %add3A_656 = arith.addi %broadcast_in_dim3A_646, %select_n3A_655 : vector<16xi32>
    %broadcast_in_dim3A_657 = arith.constant 9 : i32
    %broadcast_in_dim3A_658 = vector.broadcast %broadcast_in_dim3A_657 : i32 to vector<16xi32>
    %gather3A_659 = tpu.vector_load_idx %arg5[%broadcast_in_dim3A_658] : memref<32xi32, #tpu.memory_space<vmem>>[vector<16xi32>], vector<16xi32>,
    %lt3A_660 = arith.cmpi slt, %gather3A_659, %add3A_644 : vector<16xi32>
    %jit3A_661 = arith.constant 1 : i32
    %jit3A_662 = arith.constant 0 : i32
    %broadcast_in_dim3A_663 = vector.broadcast %jit3A_661 : i32 to vector<16xi32>
    %broadcast_in_dim3A_664 = vector.broadcast %jit3A_662 : i32 to vector<16xi32>
    %select_n3A_665 = arith.select %lt3A_660, %broadcast_in_dim3A_663, %broadcast_in_dim3A_664 : vector<16xi1>, vector<16xi32>
    %add3A_666 = arith.addi %add3A_656, %select_n3A_665 : vector<16xi32>
    %broadcast_in_dim3A_667 = arith.constant 10 : i32
    %broadcast_in_dim3A_668 = vector.broadcast %broadcast_in_dim3A_667 : i32 to vector<16xi32>
    %gather3A_669 = tpu.vector_load_idx %arg5[%broadcast_in_dim3A_668] : memref<32xi32, #tpu.memory_space<vmem>>[vector<16xi32>], vector<16xi32>,
    %lt3A_670 = arith.cmpi slt, %gather3A_669, %add3A_644 : vector<16xi32>
    %jit3A_671 = arith.constant 1 : i32
    %jit3A_672 = arith.constant 0 : i32
    %broadcast_in_dim3A_673 = vector.broadcast %jit3A_671 : i32 to vector<16xi32>
    %broadcast_in_dim3A_674 = vector.broadcast %jit3A_672 : i32 to vector<16xi32>
    %select_n3A_675 = arith.select %lt3A_670, %broadcast_in_dim3A_673, %broadcast_in_dim3A_674 : vector<16xi1>, vector<16xi32>
    %add3A_676 = arith.addi %add3A_666, %select_n3A_675 : vector<16xi32>
    %broadcast_in_dim3A_677 = arith.constant 11 : i32
    %broadcast_in_dim3A_678 = vector.broadcast %broadcast_in_dim3A_677 : i32 to vector<16xi32>
    %gather3A_679 = tpu.vector_load_idx %arg5[%broadcast_in_dim3A_678] : memref<32xi32, #tpu.memory_space<vmem>>[vector<16xi32>], vector<16xi32>,
    %lt3A_680 = arith.cmpi slt, %gather3A_679, %add3A_644 : vector<16xi32>
    %jit3A_681 = arith.constant 1 : i32
    %jit3A_682 = arith.constant 0 : i32
    %broadcast_in_dim3A_683 = vector.broadcast %jit3A_681 : i32 to vector<16xi32>
    %broadcast_in_dim3A_684 = vector.broadcast %jit3A_682 : i32 to vector<16xi32>
    %select_n3A_685 = arith.select %lt3A_680, %broadcast_in_dim3A_683, %broadcast_in_dim3A_684 : vector<16xi1>, vector<16xi32>
    %add3A_686 = arith.addi %add3A_676, %select_n3A_685 : vector<16xi32>
    %broadcast_in_dim3A_687 = arith.constant 12 : i32
    %broadcast_in_dim3A_688 = vector.broadcast %broadcast_in_dim3A_687 : i32 to vector<16xi32>
    %gather3A_689 = tpu.vector_load_idx %arg5[%broadcast_in_dim3A_688] : memref<32xi32, #tpu.memory_space<vmem>>[vector<16xi32>], vector<16xi32>,
    %lt3A_690 = arith.cmpi slt, %gather3A_689, %add3A_644 : vector<16xi32>
    %jit3A_691 = arith.constant 1 : i32
    %jit3A_692 = arith.constant 0 : i32
    %broadcast_in_dim3A_693 = vector.broadcast %jit3A_691 : i32 to vector<16xi32>
    %broadcast_in_dim3A_694 = vector.broadcast %jit3A_692 : i32 to vector<16xi32>
    %select_n3A_695 = arith.select %lt3A_690, %broadcast_in_dim3A_693, %broadcast_in_dim3A_694 : vector<16xi1>, vector<16xi32>
    %add3A_696 = arith.addi %add3A_686, %select_n3A_695 : vector<16xi32>
    %broadcast_in_dim3A_697 = arith.constant 13 : i32
    %broadcast_in_dim3A_698 = vector.broadcast %broadcast_in_dim3A_697 : i32 to vector<16xi32>
    %gather3A_699 = tpu.vector_load_idx %arg5[%broadcast_in_dim3A_698] : memref<32xi32, #tpu.memory_space<vmem>>[vector<16xi32>], vector<16xi32>,
    %lt3A_700 = arith.cmpi slt, %gather3A_699, %add3A_644 : vector<16xi32>
    %jit3A_701 = arith.constant 1 : i32
    %jit3A_702 = arith.constant 0 : i32
    %broadcast_in_dim3A_703 = vector.broadcast %jit3A_701 : i32 to vector<16xi32>
    %broadcast_in_dim3A_704 = vector.broadcast %jit3A_702 : i32 to vector<16xi32>
    %select_n3A_705 = arith.select %lt3A_700, %broadcast_in_dim3A_703, %broadcast_in_dim3A_704 : vector<16xi1>, vector<16xi32>
    %add3A_706 = arith.addi %add3A_696, %select_n3A_705 : vector<16xi32>
    %broadcast_in_dim3A_707 = arith.constant 14 : i32
    %broadcast_in_dim3A_708 = vector.broadcast %broadcast_in_dim3A_707 : i32 to vector<16xi32>
    %gather3A_709 = tpu.vector_load_idx %arg5[%broadcast_in_dim3A_708] : memref<32xi32, #tpu.memory_space<vmem>>[vector<16xi32>], vector<16xi32>,
    %lt3A_710 = arith.cmpi slt, %gather3A_709, %add3A_644 : vector<16xi32>
    %jit3A_711 = arith.constant 1 : i32
    %jit3A_712 = arith.constant 0 : i32
    %broadcast_in_dim3A_713 = vector.broadcast %jit3A_711 : i32 to vector<16xi32>
    %broadcast_in_dim3A_714 = vector.broadcast %jit3A_712 : i32 to vector<16xi32>
    %select_n3A_715 = arith.select %lt3A_710, %broadcast_in_dim3A_713, %broadcast_in_dim3A_714 : vector<16xi1>, vector<16xi32>
    %add3A_716 = arith.addi %add3A_706, %select_n3A_715 : vector<16xi32>
    %broadcast_in_dim3A_717 = arith.constant 15 : i32
    %broadcast_in_dim3A_718 = vector.broadcast %broadcast_in_dim3A_717 : i32 to vector<16xi32>
    %gather3A_719 = tpu.vector_load_idx %arg5[%broadcast_in_dim3A_718] : memref<32xi32, #tpu.memory_space<vmem>>[vector<16xi32>], vector<16xi32>,
    %lt3A_720 = arith.cmpi slt, %gather3A_719, %add3A_644 : vector<16xi32>
    %jit3A_721 = arith.constant 1 : i32
    %jit3A_722 = arith.constant 0 : i32
    %broadcast_in_dim3A_723 = vector.broadcast %jit3A_721 : i32 to vector<16xi32>
    %broadcast_in_dim3A_724 = vector.broadcast %jit3A_722 : i32 to vector<16xi32>
    %select_n3A_725 = arith.select %lt3A_720, %broadcast_in_dim3A_723, %broadcast_in_dim3A_724 : vector<16xi1>, vector<16xi32>
    %add3A_726 = arith.addi %add3A_716, %select_n3A_725 : vector<16xi32>
    %broadcast_in_dim3A_727 = arith.constant 16 : i32
    %broadcast_in_dim3A_728 = vector.broadcast %broadcast_in_dim3A_727 : i32 to vector<16xi32>
    %gather3A_729 = tpu.vector_load_idx %arg5[%broadcast_in_dim3A_728] : memref<32xi32, #tpu.memory_space<vmem>>[vector<16xi32>], vector<16xi32>,
    %lt3A_730 = arith.cmpi slt, %gather3A_729, %add3A_644 : vector<16xi32>
    %jit3A_731 = arith.constant 1 : i32
    %jit3A_732 = arith.constant 0 : i32
    %broadcast_in_dim3A_733 = vector.broadcast %jit3A_731 : i32 to vector<16xi32>
    %broadcast_in_dim3A_734 = vector.broadcast %jit3A_732 : i32 to vector<16xi32>
    %select_n3A_735 = arith.select %lt3A_730, %broadcast_in_dim3A_733, %broadcast_in_dim3A_734 : vector<16xi1>, vector<16xi32>
    %add3A_736 = arith.addi %add3A_726, %select_n3A_735 : vector<16xi32>
    %broadcast_in_dim3A_737 = arith.constant 17 : i32
    %broadcast_in_dim3A_738 = vector.broadcast %broadcast_in_dim3A_737 : i32 to vector<16xi32>
    %gather3A_739 = tpu.vector_load_idx %arg5[%broadcast_in_dim3A_738] : memref<32xi32, #tpu.memory_space<vmem>>[vector<16xi32>], vector<16xi32>,
    %lt3A_740 = arith.cmpi slt, %gather3A_739, %add3A_644 : vector<16xi32>
    %jit3A_741 = arith.constant 1 : i32
    %jit3A_742 = arith.constant 0 : i32
    %broadcast_in_dim3A_743 = vector.broadcast %jit3A_741 : i32 to vector<16xi32>
    %broadcast_in_dim3A_744 = vector.broadcast %jit3A_742 : i32 to vector<16xi32>
    %select_n3A_745 = arith.select %lt3A_740, %broadcast_in_dim3A_743, %broadcast_in_dim3A_744 : vector<16xi1>, vector<16xi32>
    %add3A_746 = arith.addi %add3A_736, %select_n3A_745 : vector<16xi32>
    %broadcast_in_dim3A_747 = arith.constant 18 : i32
    %broadcast_in_dim3A_748 = vector.broadcast %broadcast_in_dim3A_747 : i32 to vector<16xi32>
    %gather3A_749 = tpu.vector_load_idx %arg5[%broadcast_in_dim3A_748] : memref<32xi32, #tpu.memory_space<vmem>>[vector<16xi32>], vector<16xi32>,
    %lt3A_750 = arith.cmpi slt, %gather3A_749, %add3A_644 : vector<16xi32>
    %jit3A_751 = arith.constant 1 : i32
    %jit3A_752 = arith.constant 0 : i32
    %broadcast_in_dim3A_753 = vector.broadcast %jit3A_751 : i32 to vector<16xi32>
    %broadcast_in_dim3A_754 = vector.broadcast %jit3A_752 : i32 to vector<16xi32>
    %select_n3A_755 = arith.select %lt3A_750, %broadcast_in_dim3A_753, %broadcast_in_dim3A_754 : vector<16xi1>, vector<16xi32>
    %add3A_756 = arith.addi %add3A_746, %select_n3A_755 : vector<16xi32>
    %broadcast_in_dim3A_757 = arith.constant 19 : i32
    %broadcast_in_dim3A_758 = vector.broadcast %broadcast_in_dim3A_757 : i32 to vector<16xi32>
    %gather3A_759 = tpu.vector_load_idx %arg5[%broadcast_in_dim3A_758] : memref<32xi32, #tpu.memory_space<vmem>>[vector<16xi32>], vector<16xi32>,
    %lt3A_760 = arith.cmpi slt, %gather3A_759, %add3A_644 : vector<16xi32>
    %jit3A_761 = arith.constant 1 : i32
    %jit3A_762 = arith.constant 0 : i32
    %broadcast_in_dim3A_763 = vector.broadcast %jit3A_761 : i32 to vector<16xi32>
    %broadcast_in_dim3A_764 = vector.broadcast %jit3A_762 : i32 to vector<16xi32>
    %select_n3A_765 = arith.select %lt3A_760, %broadcast_in_dim3A_763, %broadcast_in_dim3A_764 : vector<16xi1>, vector<16xi32>
    %add3A_766 = arith.addi %add3A_756, %select_n3A_765 : vector<16xi32>
    %broadcast_in_dim3A_767 = arith.constant 20 : i32
    %broadcast_in_dim3A_768 = vector.broadcast %broadcast_in_dim3A_767 : i32 to vector<16xi32>
    %gather3A_769 = tpu.vector_load_idx %arg5[%broadcast_in_dim3A_768] : memref<32xi32, #tpu.memory_space<vmem>>[vector<16xi32>], vector<16xi32>,
    %lt3A_770 = arith.cmpi slt, %gather3A_769, %add3A_644 : vector<16xi32>
    %jit3A_771 = arith.constant 1 : i32
    %jit3A_772 = arith.constant 0 : i32
    %broadcast_in_dim3A_773 = vector.broadcast %jit3A_771 : i32 to vector<16xi32>
    %broadcast_in_dim3A_774 = vector.broadcast %jit3A_772 : i32 to vector<16xi32>
    %select_n3A_775 = arith.select %lt3A_770, %broadcast_in_dim3A_773, %broadcast_in_dim3A_774 : vector<16xi1>, vector<16xi32>
    %add3A_776 = arith.addi %add3A_766, %select_n3A_775 : vector<16xi32>
    %min3A_777 = arith.constant 12 : i32
    %min3A_778 = vector.broadcast %min3A_777 : i32 to vector<16xi32>
    %min3A_779 = arith.minsi %add3A_776, %min3A_778 : vector<16xi32>
    %sub3A_780 = arith.constant 1 : i32
    %sub3A_781 = vector.broadcast %sub3A_780 : i32 to vector<16xi32>
    %sub3A_782 = arith.subi %min3A_779, %sub3A_781 : vector<16xi32>
    %max3A_783 = arith.constant 0 : i32
    %max3A_784 = vector.broadcast %max3A_783 : i32 to vector<16xi32>
    %max3A_785 = arith.maxsi %sub3A_782, %max3A_784 : vector<16xi32>
    %convert_element_type3A_786 = arith.sitofp %add3A_644 : vector<16xi32> to vector<16xf32>
    %add3A_787 = arith.constant 8 : i32
    %add3A_788 = vector.broadcast %add3A_787 : i32 to vector<16xi32>
    %add3A_789 = arith.addi %max3A_785, %add3A_788 : vector<16xi32>
    %gather3A_790 = tpu.vector_load_idx %arg6[%add3A_789] : memref<32xf32, #tpu.memory_space<vmem>>[vector<16xi32>], vector<16xf32>,
    %add3A_791 = arith.constant 8 : i32
    %add3A_792 = vector.broadcast %add3A_791 : i32 to vector<16xi32>
    %add3A_793 = arith.addi %min3A_779, %add3A_792 : vector<16xi32>
    %gather3A_794 = tpu.vector_load_idx %arg6[%add3A_793] : memref<32xf32, #tpu.memory_space<vmem>>[vector<16xi32>], vector<16xf32>,
    %add3A_795 = arith.constant 8 : i32
    %add3A_796 = vector.broadcast %add3A_795 : i32 to vector<16xi32>
    %add3A_797 = arith.addi %min3A_779, %add3A_796 : vector<16xi32>
    %gather3A_798 = tpu.vector_load_idx %arg5[%add3A_797] : memref<32xi32, #tpu.memory_space<vmem>>[vector<16xi32>], vector<16xi32>,
    %eq3A_799 = arith.cmpi eq, %gather3A_798, %add3A_644 : vector<16xi32>
    %sub3A_800 = arith.subf %gather3A_794, %gather3A_790 : vector<16xf32>
    %max3A_801 = arith.constant 1.000000e+00 : f32
    %max3A_802 = vector.broadcast %max3A_801 : f32 to vector<16xf32>
    %max3A_803 = arith.maximumf %sub3A_800, %max3A_802 : vector<16xf32>
    %sub3A_804 = arith.subf %gather3A_794, %convert_element_type3A_786 : vector<16xf32>
    %div3A_805 = arith.divf %sub3A_804, %max3A_803 : vector<16xf32>
    %sub3A_806 = arith.subf %convert_element_type3A_786, %gather3A_790 : vector<16xf32>
    %div3A_807 = arith.divf %sub3A_806, %max3A_803 : vector<16xf32>
    %select_n3A_808 = arith.select %eq3A_799, %min3A_779, %max3A_785 : vector<16xi1>, vector<16xi32>
    %jit3A_809 = arith.constant 1.000000e+00 : f32
    %broadcast_in_dim3A_810 = vector.broadcast %jit3A_809 : f32 to vector<16xf32>
    %select_n3A_811 = arith.select %eq3A_799, %broadcast_in_dim3A_810, %div3A_805 : vector<16xi1>, vector<16xf32>
    %jit3A_812 = arith.constant 0.000000e+00 : f32
    %broadcast_in_dim3A_813 = vector.broadcast %jit3A_812 : f32 to vector<16xf32>
    %select_n3A_814 = arith.select %eq3A_799, %broadcast_in_dim3A_813, %div3A_807 : vector<16xi1>, vector<16xf32>
    %broadcast_in_dim3A_815 = arith.constant 0.000000e+00 : f32
    %broadcast_in_dim3A_816 = vector.broadcast %broadcast_in_dim3A_815 : f32 to vector<16xf32>
    %eq3A_817 = arith.constant 0 : i32
    %eq3A_818 = vector.broadcast %eq3A_817 : i32 to vector<16xi32>
    %eq3A_819 = arith.cmpi eq, %select_n3A_808, %eq3A_818 : vector<16xi32>
    %select_n3A_820 = arith.select %eq3A_819, %select_n3A_811, %broadcast_in_dim3A_816 : vector<16xi1>, vector<16xf32>
    %eq3A_821 = arith.constant 0 : i32
    %eq3A_822 = vector.broadcast %eq3A_821 : i32 to vector<16xi32>
    %eq3A_823 = arith.cmpi eq, %min3A_779, %eq3A_822 : vector<16xi32>
    %select_n3A_824 = arith.select %eq3A_823, %select_n3A_814, %broadcast_in_dim3A_816 : vector<16xi1>, vector<16xf32>
    %add3A_825 = arith.addf %select_n3A_820, %select_n3A_824 : vector<16xf32>
    %swap3A_826 = arith.constant 32 : index
    %swap3A_827 = tpu.vector_load %arg7[%swap3A_826] {strides = array<i32>} : memref<64xf32, #tpu.memory_space<vmem>>, vector<16xf32>,
    tpu.vector_store %arg7[%swap3A_826], %add3A_825 {strides = array<i32>} : memref<64xf32, #tpu.memory_space<vmem>>, vector<16xf32>,
    %eq3A_828 = arith.constant 1 : i32
    %eq3A_829 = vector.broadcast %eq3A_828 : i32 to vector<16xi32>
    %eq3A_830 = arith.cmpi eq, %select_n3A_808, %eq3A_829 : vector<16xi32>
    %select_n3A_831 = arith.select %eq3A_830, %select_n3A_811, %broadcast_in_dim3A_816 : vector<16xi1>, vector<16xf32>
    %eq3A_832 = arith.constant 1 : i32
    %eq3A_833 = vector.broadcast %eq3A_832 : i32 to vector<16xi32>
    %eq3A_834 = arith.cmpi eq, %min3A_779, %eq3A_833 : vector<16xi32>
    %select_n3A_835 = arith.select %eq3A_834, %select_n3A_814, %broadcast_in_dim3A_816 : vector<16xi1>, vector<16xf32>
    %add3A_836 = arith.addf %select_n3A_831, %select_n3A_835 : vector<16xf32>
    %swap3A_837 = arith.constant 32 : index
    %swap3A_838 = tpu.vector_load %arg8[%swap3A_837] {strides = array<i32>} : memref<64xf32, #tpu.memory_space<vmem>>, vector<16xf32>,
    tpu.vector_store %arg8[%swap3A_837], %add3A_836 {strides = array<i32>} : memref<64xf32, #tpu.memory_space<vmem>>, vector<16xf32>,
    %eq3A_839 = arith.constant 2 : i32
    %eq3A_840 = vector.broadcast %eq3A_839 : i32 to vector<16xi32>
    %eq3A_841 = arith.cmpi eq, %select_n3A_808, %eq3A_840 : vector<16xi32>
    %select_n3A_842 = arith.select %eq3A_841, %select_n3A_811, %broadcast_in_dim3A_816 : vector<16xi1>, vector<16xf32>
    %eq3A_843 = arith.constant 2 : i32
    %eq3A_844 = vector.broadcast %eq3A_843 : i32 to vector<16xi32>
    %eq3A_845 = arith.cmpi eq, %min3A_779, %eq3A_844 : vector<16xi32>
    %select_n3A_846 = arith.select %eq3A_845, %select_n3A_814, %broadcast_in_dim3A_816 : vector<16xi1>, vector<16xf32>
    %add3A_847 = arith.addf %select_n3A_842, %select_n3A_846 : vector<16xf32>
    %swap3A_848 = arith.constant 32 : index
    %swap3A_849 = tpu.vector_load %arg9[%swap3A_848] {strides = array<i32>} : memref<64xf32, #tpu.memory_space<vmem>>, vector<16xf32>,
    tpu.vector_store %arg9[%swap3A_848], %add3A_847 {strides = array<i32>} : memref<64xf32, #tpu.memory_space<vmem>>, vector<16xf32>,
    %eq3A_850 = arith.constant 3 : i32
    %eq3A_851 = vector.broadcast %eq3A_850 : i32 to vector<16xi32>
    %eq3A_852 = arith.cmpi eq, %select_n3A_808, %eq3A_851 : vector<16xi32>
    %select_n3A_853 = arith.select %eq3A_852, %select_n3A_811, %broadcast_in_dim3A_816 : vector<16xi1>, vector<16xf32>
    %eq3A_854 = arith.constant 3 : i32
    %eq3A_855 = vector.broadcast %eq3A_854 : i32 to vector<16xi32>
    %eq3A_856 = arith.cmpi eq, %min3A_779, %eq3A_855 : vector<16xi32>
    %select_n3A_857 = arith.select %eq3A_856, %select_n3A_814, %broadcast_in_dim3A_816 : vector<16xi1>, vector<16xf32>
    %add3A_858 = arith.addf %select_n3A_853, %select_n3A_857 : vector<16xf32>
    %swap3A_859 = arith.constant 32 : index
    %swap3A_860 = tpu.vector_load %arg10[%swap3A_859] {strides = array<i32>} : memref<64xf32, #tpu.memory_space<vmem>>, vector<16xf32>,
    tpu.vector_store %arg10[%swap3A_859], %add3A_858 {strides = array<i32>} : memref<64xf32, #tpu.memory_space<vmem>>, vector<16xf32>,
    %eq3A_861 = arith.constant 4 : i32
    %eq3A_862 = vector.broadcast %eq3A_861 : i32 to vector<16xi32>
    %eq3A_863 = arith.cmpi eq, %select_n3A_808, %eq3A_862 : vector<16xi32>
    %select_n3A_864 = arith.select %eq3A_863, %select_n3A_811, %broadcast_in_dim3A_816 : vector<16xi1>, vector<16xf32>
    %eq3A_865 = arith.constant 4 : i32
    %eq3A_866 = vector.broadcast %eq3A_865 : i32 to vector<16xi32>
    %eq3A_867 = arith.cmpi eq, %min3A_779, %eq3A_866 : vector<16xi32>
    %select_n3A_868 = arith.select %eq3A_867, %select_n3A_814, %broadcast_in_dim3A_816 : vector<16xi1>, vector<16xf32>
    %add3A_869 = arith.addf %select_n3A_864, %select_n3A_868 : vector<16xf32>
    %swap3A_870 = arith.constant 32 : index
    %swap3A_871 = tpu.vector_load %arg11[%swap3A_870] {strides = array<i32>} : memref<64xf32, #tpu.memory_space<vmem>>, vector<16xf32>,
    tpu.vector_store %arg11[%swap3A_870], %add3A_869 {strides = array<i32>} : memref<64xf32, #tpu.memory_space<vmem>>, vector<16xf32>,
    %eq3A_872 = arith.constant 5 : i32
    %eq3A_873 = vector.broadcast %eq3A_872 : i32 to vector<16xi32>
    %eq3A_874 = arith.cmpi eq, %select_n3A_808, %eq3A_873 : vector<16xi32>
    %select_n3A_875 = arith.select %eq3A_874, %select_n3A_811, %broadcast_in_dim3A_816 : vector<16xi1>, vector<16xf32>
    %eq3A_876 = arith.constant 5 : i32
    %eq3A_877 = vector.broadcast %eq3A_876 : i32 to vector<16xi32>
    %eq3A_878 = arith.cmpi eq, %min3A_779, %eq3A_877 : vector<16xi32>
    %select_n3A_879 = arith.select %eq3A_878, %select_n3A_814, %broadcast_in_dim3A_816 : vector<16xi1>, vector<16xf32>
    %add3A_880 = arith.addf %select_n3A_875, %select_n3A_879 : vector<16xf32>
    %swap3A_881 = arith.constant 32 : index
    %swap3A_882 = tpu.vector_load %arg12[%swap3A_881] {strides = array<i32>} : memref<64xf32, #tpu.memory_space<vmem>>, vector<16xf32>,
    tpu.vector_store %arg12[%swap3A_881], %add3A_880 {strides = array<i32>} : memref<64xf32, #tpu.memory_space<vmem>>, vector<16xf32>,
    %eq3A_883 = arith.constant 6 : i32
    %eq3A_884 = vector.broadcast %eq3A_883 : i32 to vector<16xi32>
    %eq3A_885 = arith.cmpi eq, %select_n3A_808, %eq3A_884 : vector<16xi32>
    %select_n3A_886 = arith.select %eq3A_885, %select_n3A_811, %broadcast_in_dim3A_816 : vector<16xi1>, vector<16xf32>
    %eq3A_887 = arith.constant 6 : i32
    %eq3A_888 = vector.broadcast %eq3A_887 : i32 to vector<16xi32>
    %eq3A_889 = arith.cmpi eq, %min3A_779, %eq3A_888 : vector<16xi32>
    %select_n3A_890 = arith.select %eq3A_889, %select_n3A_814, %broadcast_in_dim3A_816 : vector<16xi1>, vector<16xf32>
    %add3A_891 = arith.addf %select_n3A_886, %select_n3A_890 : vector<16xf32>
    %swap3A_892 = arith.constant 32 : index
    %swap3A_893 = tpu.vector_load %arg13[%swap3A_892] {strides = array<i32>} : memref<64xf32, #tpu.memory_space<vmem>>, vector<16xf32>,
    tpu.vector_store %arg13[%swap3A_892], %add3A_891 {strides = array<i32>} : memref<64xf32, #tpu.memory_space<vmem>>, vector<16xf32>,
    %eq3A_894 = arith.constant 7 : i32
    %eq3A_895 = vector.broadcast %eq3A_894 : i32 to vector<16xi32>
    %eq3A_896 = arith.cmpi eq, %select_n3A_808, %eq3A_895 : vector<16xi32>
    %select_n3A_897 = arith.select %eq3A_896, %select_n3A_811, %broadcast_in_dim3A_816 : vector<16xi1>, vector<16xf32>
    %eq3A_898 = arith.constant 7 : i32
    %eq3A_899 = vector.broadcast %eq3A_898 : i32 to vector<16xi32>
    %eq3A_900 = arith.cmpi eq, %min3A_779, %eq3A_899 : vector<16xi32>
    %select_n3A_901 = arith.select %eq3A_900, %select_n3A_814, %broadcast_in_dim3A_816 : vector<16xi1>, vector<16xf32>
    %add3A_902 = arith.addf %select_n3A_897, %select_n3A_901 : vector<16xf32>
    %swap3A_903 = arith.constant 32 : index
    %swap3A_904 = tpu.vector_load %arg14[%swap3A_903] {strides = array<i32>} : memref<64xf32, #tpu.memory_space<vmem>>, vector<16xf32>,
    tpu.vector_store %arg14[%swap3A_903], %add3A_902 {strides = array<i32>} : memref<64xf32, #tpu.memory_space<vmem>>, vector<16xf32>,
    %eq3A_905 = arith.constant 8 : i32
    %eq3A_906 = vector.broadcast %eq3A_905 : i32 to vector<16xi32>
    %eq3A_907 = arith.cmpi eq, %select_n3A_808, %eq3A_906 : vector<16xi32>
    %select_n3A_908 = arith.select %eq3A_907, %select_n3A_811, %broadcast_in_dim3A_816 : vector<16xi1>, vector<16xf32>
    %eq3A_909 = arith.constant 8 : i32
    %eq3A_910 = vector.broadcast %eq3A_909 : i32 to vector<16xi32>
    %eq3A_911 = arith.cmpi eq, %min3A_779, %eq3A_910 : vector<16xi32>
    %select_n3A_912 = arith.select %eq3A_911, %select_n3A_814, %broadcast_in_dim3A_816 : vector<16xi1>, vector<16xf32>
    %add3A_913 = arith.addf %select_n3A_908, %select_n3A_912 : vector<16xf32>
    %swap3A_914 = arith.constant 32 : index
    %swap3A_915 = tpu.vector_load %arg15[%swap3A_914] {strides = array<i32>} : memref<64xf32, #tpu.memory_space<vmem>>, vector<16xf32>,
    tpu.vector_store %arg15[%swap3A_914], %add3A_913 {strides = array<i32>} : memref<64xf32, #tpu.memory_space<vmem>>, vector<16xf32>,
    %eq3A_916 = arith.constant 9 : i32
    %eq3A_917 = vector.broadcast %eq3A_916 : i32 to vector<16xi32>
    %eq3A_918 = arith.cmpi eq, %select_n3A_808, %eq3A_917 : vector<16xi32>
    %select_n3A_919 = arith.select %eq3A_918, %select_n3A_811, %broadcast_in_dim3A_816 : vector<16xi1>, vector<16xf32>
    %eq3A_920 = arith.constant 9 : i32
    %eq3A_921 = vector.broadcast %eq3A_920 : i32 to vector<16xi32>
    %eq3A_922 = arith.cmpi eq, %min3A_779, %eq3A_921 : vector<16xi32>
    %select_n3A_923 = arith.select %eq3A_922, %select_n3A_814, %broadcast_in_dim3A_816 : vector<16xi1>, vector<16xf32>
    %add3A_924 = arith.addf %select_n3A_919, %select_n3A_923 : vector<16xf32>
    %swap3A_925 = arith.constant 32 : index
    %swap3A_926 = tpu.vector_load %arg16[%swap3A_925] {strides = array<i32>} : memref<64xf32, #tpu.memory_space<vmem>>, vector<16xf32>,
    tpu.vector_store %arg16[%swap3A_925], %add3A_924 {strides = array<i32>} : memref<64xf32, #tpu.memory_space<vmem>>, vector<16xf32>,
    %eq3A_927 = arith.constant 10 : i32
    %eq3A_928 = vector.broadcast %eq3A_927 : i32 to vector<16xi32>
    %eq3A_929 = arith.cmpi eq, %select_n3A_808, %eq3A_928 : vector<16xi32>
    %select_n3A_930 = arith.select %eq3A_929, %select_n3A_811, %broadcast_in_dim3A_816 : vector<16xi1>, vector<16xf32>
    %eq3A_931 = arith.constant 10 : i32
    %eq3A_932 = vector.broadcast %eq3A_931 : i32 to vector<16xi32>
    %eq3A_933 = arith.cmpi eq, %min3A_779, %eq3A_932 : vector<16xi32>
    %select_n3A_934 = arith.select %eq3A_933, %select_n3A_814, %broadcast_in_dim3A_816 : vector<16xi1>, vector<16xf32>
    %add3A_935 = arith.addf %select_n3A_930, %select_n3A_934 : vector<16xf32>
    %swap3A_936 = arith.constant 32 : index
    %swap3A_937 = tpu.vector_load %arg17[%swap3A_936] {strides = array<i32>} : memref<64xf32, #tpu.memory_space<vmem>>, vector<16xf32>,
    tpu.vector_store %arg17[%swap3A_936], %add3A_935 {strides = array<i32>} : memref<64xf32, #tpu.memory_space<vmem>>, vector<16xf32>,
    %eq3A_938 = arith.constant 11 : i32
    %eq3A_939 = vector.broadcast %eq3A_938 : i32 to vector<16xi32>
    %eq3A_940 = arith.cmpi eq, %select_n3A_808, %eq3A_939 : vector<16xi32>
    %select_n3A_941 = arith.select %eq3A_940, %select_n3A_811, %broadcast_in_dim3A_816 : vector<16xi1>, vector<16xf32>
    %eq3A_942 = arith.constant 11 : i32
    %eq3A_943 = vector.broadcast %eq3A_942 : i32 to vector<16xi32>
    %eq3A_944 = arith.cmpi eq, %min3A_779, %eq3A_943 : vector<16xi32>
    %select_n3A_945 = arith.select %eq3A_944, %select_n3A_814, %broadcast_in_dim3A_816 : vector<16xi1>, vector<16xf32>
    %add3A_946 = arith.addf %select_n3A_941, %select_n3A_945 : vector<16xf32>
    %swap3A_947 = arith.constant 32 : index
    %swap3A_948 = tpu.vector_load %arg18[%swap3A_947] {strides = array<i32>} : memref<64xf32, #tpu.memory_space<vmem>>, vector<16xf32>,
    tpu.vector_store %arg18[%swap3A_947], %add3A_946 {strides = array<i32>} : memref<64xf32, #tpu.memory_space<vmem>>, vector<16xf32>,
    %eq3A_949 = arith.constant 12 : i32
    %eq3A_950 = vector.broadcast %eq3A_949 : i32 to vector<16xi32>
    %eq3A_951 = arith.cmpi eq, %select_n3A_808, %eq3A_950 : vector<16xi32>
    %select_n3A_952 = arith.select %eq3A_951, %select_n3A_811, %broadcast_in_dim3A_816 : vector<16xi1>, vector<16xf32>
    %eq3A_953 = arith.constant 12 : i32
    %eq3A_954 = vector.broadcast %eq3A_953 : i32 to vector<16xi32>
    %eq3A_955 = arith.cmpi eq, %min3A_779, %eq3A_954 : vector<16xi32>
    %select_n3A_956 = arith.select %eq3A_955, %select_n3A_814, %broadcast_in_dim3A_816 : vector<16xi1>, vector<16xf32>
    %add3A_957 = arith.addf %select_n3A_952, %select_n3A_956 : vector<16xf32>
    %swap3A_958 = arith.constant 32 : index
    %swap3A_959 = tpu.vector_load %arg19[%swap3A_958] {strides = array<i32>} : memref<64xf32, #tpu.memory_space<vmem>>, vector<16xf32>,
    tpu.vector_store %arg19[%swap3A_958], %add3A_957 {strides = array<i32>} : memref<64xf32, #tpu.memory_space<vmem>>, vector<16xf32>,
    %add3A_960 = arith.constant 48 : i32
    %add3A_961 = vector.broadcast %add3A_960 : i32 to vector<16xi32>
    %add3A_962 = arith.addi %add3A_961, %iota3A : vector<16xi32>
    %broadcast_in_dim3A_963 = arith.constant 0 : i32
    %broadcast_in_dim3A_964 = vector.broadcast %broadcast_in_dim3A_963 : i32 to vector<16xi32>
    %broadcast_in_dim3A_965 = arith.constant 8 : i32
    %broadcast_in_dim3A_966 = vector.broadcast %broadcast_in_dim3A_965 : i32 to vector<16xi32>
    %gather3A_967 = tpu.vector_load_idx %arg5[%broadcast_in_dim3A_966] : memref<32xi32, #tpu.memory_space<vmem>>[vector<16xi32>], vector<16xi32>,
    %lt3A_968 = arith.cmpi slt, %gather3A_967, %add3A_962 : vector<16xi32>
    %jit3A_969 = arith.constant 1 : i32
    %jit3A_970 = arith.constant 0 : i32
    %broadcast_in_dim3A_971 = vector.broadcast %jit3A_969 : i32 to vector<16xi32>
    %broadcast_in_dim3A_972 = vector.broadcast %jit3A_970 : i32 to vector<16xi32>
    %select_n3A_973 = arith.select %lt3A_968, %broadcast_in_dim3A_971, %broadcast_in_dim3A_972 : vector<16xi1>, vector<16xi32>
    %add3A_974 = arith.addi %broadcast_in_dim3A_964, %select_n3A_973 : vector<16xi32>
    %broadcast_in_dim3A_975 = arith.constant 9 : i32
    %broadcast_in_dim3A_976 = vector.broadcast %broadcast_in_dim3A_975 : i32 to vector<16xi32>
    %gather3A_977 = tpu.vector_load_idx %arg5[%broadcast_in_dim3A_976] : memref<32xi32, #tpu.memory_space<vmem>>[vector<16xi32>], vector<16xi32>,
    %lt3A_978 = arith.cmpi slt, %gather3A_977, %add3A_962 : vector<16xi32>
    %jit3A_979 = arith.constant 1 : i32
    %jit3A_980 = arith.constant 0 : i32
    %broadcast_in_dim3A_981 = vector.broadcast %jit3A_979 : i32 to vector<16xi32>
    %broadcast_in_dim3A_982 = vector.broadcast %jit3A_980 : i32 to vector<16xi32>
    %select_n3A_983 = arith.select %lt3A_978, %broadcast_in_dim3A_981, %broadcast_in_dim3A_982 : vector<16xi1>, vector<16xi32>
    %add3A_984 = arith.addi %add3A_974, %select_n3A_983 : vector<16xi32>
    %broadcast_in_dim3A_985 = arith.constant 10 : i32
    %broadcast_in_dim3A_986 = vector.broadcast %broadcast_in_dim3A_985 : i32 to vector<16xi32>
    %gather3A_987 = tpu.vector_load_idx %arg5[%broadcast_in_dim3A_986] : memref<32xi32, #tpu.memory_space<vmem>>[vector<16xi32>], vector<16xi32>,
    %lt3A_988 = arith.cmpi slt, %gather3A_987, %add3A_962 : vector<16xi32>
    %jit3A_989 = arith.constant 1 : i32
    %jit3A_990 = arith.constant 0 : i32
    %broadcast_in_dim3A_991 = vector.broadcast %jit3A_989 : i32 to vector<16xi32>
    %broadcast_in_dim3A_992 = vector.broadcast %jit3A_990 : i32 to vector<16xi32>
    %select_n3A_993 = arith.select %lt3A_988, %broadcast_in_dim3A_991, %broadcast_in_dim3A_992 : vector<16xi1>, vector<16xi32>
    %add3A_994 = arith.addi %add3A_984, %select_n3A_993 : vector<16xi32>
    %broadcast_in_dim3A_995 = arith.constant 11 : i32
    %broadcast_in_dim3A_996 = vector.broadcast %broadcast_in_dim3A_995 : i32 to vector<16xi32>
    %gather3A_997 = tpu.vector_load_idx %arg5[%broadcast_in_dim3A_996] : memref<32xi32, #tpu.memory_space<vmem>>[vector<16xi32>], vector<16xi32>,
    %lt3A_998 = arith.cmpi slt, %gather3A_997, %add3A_962 : vector<16xi32>
    %jit3A_999 = arith.constant 1 : i32
    %jit3A_1000 = arith.constant 0 : i32
    %broadcast_in_dim3A_1001 = vector.broadcast %jit3A_999 : i32 to vector<16xi32>
    %broadcast_in_dim3A_1002 = vector.broadcast %jit3A_1000 : i32 to vector<16xi32>
    %select_n3A_1003 = arith.select %lt3A_998, %broadcast_in_dim3A_1001, %broadcast_in_dim3A_1002 : vector<16xi1>, vector<16xi32>
    %add3A_1004 = arith.addi %add3A_994, %select_n3A_1003 : vector<16xi32>
    %broadcast_in_dim3A_1005 = arith.constant 12 : i32
    %broadcast_in_dim3A_1006 = vector.broadcast %broadcast_in_dim3A_1005 : i32 to vector<16xi32>
    %gather3A_1007 = tpu.vector_load_idx %arg5[%broadcast_in_dim3A_1006] : memref<32xi32, #tpu.memory_space<vmem>>[vector<16xi32>], vector<16xi32>,
    %lt3A_1008 = arith.cmpi slt, %gather3A_1007, %add3A_962 : vector<16xi32>
    %jit3A_1009 = arith.constant 1 : i32
    %jit3A_1010 = arith.constant 0 : i32
    %broadcast_in_dim3A_1011 = vector.broadcast %jit3A_1009 : i32 to vector<16xi32>
    %broadcast_in_dim3A_1012 = vector.broadcast %jit3A_1010 : i32 to vector<16xi32>
    %select_n3A_1013 = arith.select %lt3A_1008, %broadcast_in_dim3A_1011, %broadcast_in_dim3A_1012 : vector<16xi1>, vector<16xi32>
    %add3A_1014 = arith.addi %add3A_1004, %select_n3A_1013 : vector<16xi32>
    %broadcast_in_dim3A_1015 = arith.constant 13 : i32
    %broadcast_in_dim3A_1016 = vector.broadcast %broadcast_in_dim3A_1015 : i32 to vector<16xi32>
    %gather3A_1017 = tpu.vector_load_idx %arg5[%broadcast_in_dim3A_1016] : memref<32xi32, #tpu.memory_space<vmem>>[vector<16xi32>], vector<16xi32>,
    %lt3A_1018 = arith.cmpi slt, %gather3A_1017, %add3A_962 : vector<16xi32>
    %jit3A_1019 = arith.constant 1 : i32
    %jit3A_1020 = arith.constant 0 : i32
    %broadcast_in_dim3A_1021 = vector.broadcast %jit3A_1019 : i32 to vector<16xi32>
    %broadcast_in_dim3A_1022 = vector.broadcast %jit3A_1020 : i32 to vector<16xi32>
    %select_n3A_1023 = arith.select %lt3A_1018, %broadcast_in_dim3A_1021, %broadcast_in_dim3A_1022 : vector<16xi1>, vector<16xi32>
    %add3A_1024 = arith.addi %add3A_1014, %select_n3A_1023 : vector<16xi32>
    %broadcast_in_dim3A_1025 = arith.constant 14 : i32
    %broadcast_in_dim3A_1026 = vector.broadcast %broadcast_in_dim3A_1025 : i32 to vector<16xi32>
    %gather3A_1027 = tpu.vector_load_idx %arg5[%broadcast_in_dim3A_1026] : memref<32xi32, #tpu.memory_space<vmem>>[vector<16xi32>], vector<16xi32>,
    %lt3A_1028 = arith.cmpi slt, %gather3A_1027, %add3A_962 : vector<16xi32>
    %jit3A_1029 = arith.constant 1 : i32
    %jit3A_1030 = arith.constant 0 : i32
    %broadcast_in_dim3A_1031 = vector.broadcast %jit3A_1029 : i32 to vector<16xi32>
    %broadcast_in_dim3A_1032 = vector.broadcast %jit3A_1030 : i32 to vector<16xi32>
    %select_n3A_1033 = arith.select %lt3A_1028, %broadcast_in_dim3A_1031, %broadcast_in_dim3A_1032 : vector<16xi1>, vector<16xi32>
    %add3A_1034 = arith.addi %add3A_1024, %select_n3A_1033 : vector<16xi32>
    %broadcast_in_dim3A_1035 = arith.constant 15 : i32
    %broadcast_in_dim3A_1036 = vector.broadcast %broadcast_in_dim3A_1035 : i32 to vector<16xi32>
    %gather3A_1037 = tpu.vector_load_idx %arg5[%broadcast_in_dim3A_1036] : memref<32xi32, #tpu.memory_space<vmem>>[vector<16xi32>], vector<16xi32>,
    %lt3A_1038 = arith.cmpi slt, %gather3A_1037, %add3A_962 : vector<16xi32>
    %jit3A_1039 = arith.constant 1 : i32
    %jit3A_1040 = arith.constant 0 : i32
    %broadcast_in_dim3A_1041 = vector.broadcast %jit3A_1039 : i32 to vector<16xi32>
    %broadcast_in_dim3A_1042 = vector.broadcast %jit3A_1040 : i32 to vector<16xi32>
    %select_n3A_1043 = arith.select %lt3A_1038, %broadcast_in_dim3A_1041, %broadcast_in_dim3A_1042 : vector<16xi1>, vector<16xi32>
    %add3A_1044 = arith.addi %add3A_1034, %select_n3A_1043 : vector<16xi32>
    %broadcast_in_dim3A_1045 = arith.constant 16 : i32
    %broadcast_in_dim3A_1046 = vector.broadcast %broadcast_in_dim3A_1045 : i32 to vector<16xi32>
    %gather3A_1047 = tpu.vector_load_idx %arg5[%broadcast_in_dim3A_1046] : memref<32xi32, #tpu.memory_space<vmem>>[vector<16xi32>], vector<16xi32>,
    %lt3A_1048 = arith.cmpi slt, %gather3A_1047, %add3A_962 : vector<16xi32>
    %jit3A_1049 = arith.constant 1 : i32
    %jit3A_1050 = arith.constant 0 : i32
    %broadcast_in_dim3A_1051 = vector.broadcast %jit3A_1049 : i32 to vector<16xi32>
    %broadcast_in_dim3A_1052 = vector.broadcast %jit3A_1050 : i32 to vector<16xi32>
    %select_n3A_1053 = arith.select %lt3A_1048, %broadcast_in_dim3A_1051, %broadcast_in_dim3A_1052 : vector<16xi1>, vector<16xi32>
    %add3A_1054 = arith.addi %add3A_1044, %select_n3A_1053 : vector<16xi32>
    %broadcast_in_dim3A_1055 = arith.constant 17 : i32
    %broadcast_in_dim3A_1056 = vector.broadcast %broadcast_in_dim3A_1055 : i32 to vector<16xi32>
    %gather3A_1057 = tpu.vector_load_idx %arg5[%broadcast_in_dim3A_1056] : memref<32xi32, #tpu.memory_space<vmem>>[vector<16xi32>], vector<16xi32>,
    %lt3A_1058 = arith.cmpi slt, %gather3A_1057, %add3A_962 : vector<16xi32>
    %jit3A_1059 = arith.constant 1 : i32
    %jit3A_1060 = arith.constant 0 : i32
    %broadcast_in_dim3A_1061 = vector.broadcast %jit3A_1059 : i32 to vector<16xi32>
    %broadcast_in_dim3A_1062 = vector.broadcast %jit3A_1060 : i32 to vector<16xi32>
    %select_n3A_1063 = arith.select %lt3A_1058, %broadcast_in_dim3A_1061, %broadcast_in_dim3A_1062 : vector<16xi1>, vector<16xi32>
    %add3A_1064 = arith.addi %add3A_1054, %select_n3A_1063 : vector<16xi32>
    %broadcast_in_dim3A_1065 = arith.constant 18 : i32
    %broadcast_in_dim3A_1066 = vector.broadcast %broadcast_in_dim3A_1065 : i32 to vector<16xi32>
    %gather3A_1067 = tpu.vector_load_idx %arg5[%broadcast_in_dim3A_1066] : memref<32xi32, #tpu.memory_space<vmem>>[vector<16xi32>], vector<16xi32>,
    %lt3A_1068 = arith.cmpi slt, %gather3A_1067, %add3A_962 : vector<16xi32>
    %jit3A_1069 = arith.constant 1 : i32
    %jit3A_1070 = arith.constant 0 : i32
    %broadcast_in_dim3A_1071 = vector.broadcast %jit3A_1069 : i32 to vector<16xi32>
    %broadcast_in_dim3A_1072 = vector.broadcast %jit3A_1070 : i32 to vector<16xi32>
    %select_n3A_1073 = arith.select %lt3A_1068, %broadcast_in_dim3A_1071, %broadcast_in_dim3A_1072 : vector<16xi1>, vector<16xi32>
    %add3A_1074 = arith.addi %add3A_1064, %select_n3A_1073 : vector<16xi32>
    %broadcast_in_dim3A_1075 = arith.constant 19 : i32
    %broadcast_in_dim3A_1076 = vector.broadcast %broadcast_in_dim3A_1075 : i32 to vector<16xi32>
    %gather3A_1077 = tpu.vector_load_idx %arg5[%broadcast_in_dim3A_1076] : memref<32xi32, #tpu.memory_space<vmem>>[vector<16xi32>], vector<16xi32>,
    %lt3A_1078 = arith.cmpi slt, %gather3A_1077, %add3A_962 : vector<16xi32>
    %jit3A_1079 = arith.constant 1 : i32
    %jit3A_1080 = arith.constant 0 : i32
    %broadcast_in_dim3A_1081 = vector.broadcast %jit3A_1079 : i32 to vector<16xi32>
    %broadcast_in_dim3A_1082 = vector.broadcast %jit3A_1080 : i32 to vector<16xi32>
    %select_n3A_1083 = arith.select %lt3A_1078, %broadcast_in_dim3A_1081, %broadcast_in_dim3A_1082 : vector<16xi1>, vector<16xi32>
    %add3A_1084 = arith.addi %add3A_1074, %select_n3A_1083 : vector<16xi32>
    %broadcast_in_dim3A_1085 = arith.constant 20 : i32
    %broadcast_in_dim3A_1086 = vector.broadcast %broadcast_in_dim3A_1085 : i32 to vector<16xi32>
    %gather3A_1087 = tpu.vector_load_idx %arg5[%broadcast_in_dim3A_1086] : memref<32xi32, #tpu.memory_space<vmem>>[vector<16xi32>], vector<16xi32>,
    %lt3A_1088 = arith.cmpi slt, %gather3A_1087, %add3A_962 : vector<16xi32>
    %jit3A_1089 = arith.constant 1 : i32
    %jit3A_1090 = arith.constant 0 : i32
    %broadcast_in_dim3A_1091 = vector.broadcast %jit3A_1089 : i32 to vector<16xi32>
    %broadcast_in_dim3A_1092 = vector.broadcast %jit3A_1090 : i32 to vector<16xi32>
    %select_n3A_1093 = arith.select %lt3A_1088, %broadcast_in_dim3A_1091, %broadcast_in_dim3A_1092 : vector<16xi1>, vector<16xi32>
    %add3A_1094 = arith.addi %add3A_1084, %select_n3A_1093 : vector<16xi32>
    %min3A_1095 = arith.constant 12 : i32
    %min3A_1096 = vector.broadcast %min3A_1095 : i32 to vector<16xi32>
    %min3A_1097 = arith.minsi %add3A_1094, %min3A_1096 : vector<16xi32>
    %sub3A_1098 = arith.constant 1 : i32
    %sub3A_1099 = vector.broadcast %sub3A_1098 : i32 to vector<16xi32>
    %sub3A_1100 = arith.subi %min3A_1097, %sub3A_1099 : vector<16xi32>
    %max3A_1101 = arith.constant 0 : i32
    %max3A_1102 = vector.broadcast %max3A_1101 : i32 to vector<16xi32>
    %max3A_1103 = arith.maxsi %sub3A_1100, %max3A_1102 : vector<16xi32>
    %convert_element_type3A_1104 = arith.sitofp %add3A_962 : vector<16xi32> to vector<16xf32>
    %add3A_1105 = arith.constant 8 : i32
    %add3A_1106 = vector.broadcast %add3A_1105 : i32 to vector<16xi32>
    %add3A_1107 = arith.addi %max3A_1103, %add3A_1106 : vector<16xi32>
    %gather3A_1108 = tpu.vector_load_idx %arg6[%add3A_1107] : memref<32xf32, #tpu.memory_space<vmem>>[vector<16xi32>], vector<16xf32>,
    %add3A_1109 = arith.constant 8 : i32
    %add3A_1110 = vector.broadcast %add3A_1109 : i32 to vector<16xi32>
    %add3A_1111 = arith.addi %min3A_1097, %add3A_1110 : vector<16xi32>
    %gather3A_1112 = tpu.vector_load_idx %arg6[%add3A_1111] : memref<32xf32, #tpu.memory_space<vmem>>[vector<16xi32>], vector<16xf32>,
    %add3A_1113 = arith.constant 8 : i32
    %add3A_1114 = vector.broadcast %add3A_1113 : i32 to vector<16xi32>
    %add3A_1115 = arith.addi %min3A_1097, %add3A_1114 : vector<16xi32>
    %gather3A_1116 = tpu.vector_load_idx %arg5[%add3A_1115] : memref<32xi32, #tpu.memory_space<vmem>>[vector<16xi32>], vector<16xi32>,
    %eq3A_1117 = arith.cmpi eq, %gather3A_1116, %add3A_962 : vector<16xi32>
    %sub3A_1118 = arith.subf %gather3A_1112, %gather3A_1108 : vector<16xf32>
    %max3A_1119 = arith.constant 1.000000e+00 : f32
    %max3A_1120 = vector.broadcast %max3A_1119 : f32 to vector<16xf32>
    %max3A_1121 = arith.maximumf %sub3A_1118, %max3A_1120 : vector<16xf32>
    %sub3A_1122 = arith.subf %gather3A_1112, %convert_element_type3A_1104 : vector<16xf32>
    %div3A_1123 = arith.divf %sub3A_1122, %max3A_1121 : vector<16xf32>
    %sub3A_1124 = arith.subf %convert_element_type3A_1104, %gather3A_1108 : vector<16xf32>
    %div3A_1125 = arith.divf %sub3A_1124, %max3A_1121 : vector<16xf32>
    %select_n3A_1126 = arith.select %eq3A_1117, %min3A_1097, %max3A_1103 : vector<16xi1>, vector<16xi32>
    %jit3A_1127 = arith.constant 1.000000e+00 : f32
    %broadcast_in_dim3A_1128 = vector.broadcast %jit3A_1127 : f32 to vector<16xf32>
    %select_n3A_1129 = arith.select %eq3A_1117, %broadcast_in_dim3A_1128, %div3A_1123 : vector<16xi1>, vector<16xf32>
    %jit3A_1130 = arith.constant 0.000000e+00 : f32
    %broadcast_in_dim3A_1131 = vector.broadcast %jit3A_1130 : f32 to vector<16xf32>
    %select_n3A_1132 = arith.select %eq3A_1117, %broadcast_in_dim3A_1131, %div3A_1125 : vector<16xi1>, vector<16xf32>
    %broadcast_in_dim3A_1133 = arith.constant 0.000000e+00 : f32
    %broadcast_in_dim3A_1134 = vector.broadcast %broadcast_in_dim3A_1133 : f32 to vector<16xf32>
    %eq3A_1135 = arith.constant 0 : i32
    %eq3A_1136 = vector.broadcast %eq3A_1135 : i32 to vector<16xi32>
    %eq3A_1137 = arith.cmpi eq, %select_n3A_1126, %eq3A_1136 : vector<16xi32>
    %select_n3A_1138 = arith.select %eq3A_1137, %select_n3A_1129, %broadcast_in_dim3A_1134 : vector<16xi1>, vector<16xf32>
    %eq3A_1139 = arith.constant 0 : i32
    %eq3A_1140 = vector.broadcast %eq3A_1139 : i32 to vector<16xi32>
    %eq3A_1141 = arith.cmpi eq, %min3A_1097, %eq3A_1140 : vector<16xi32>
    %select_n3A_1142 = arith.select %eq3A_1141, %select_n3A_1132, %broadcast_in_dim3A_1134 : vector<16xi1>, vector<16xf32>
    %add3A_1143 = arith.addf %select_n3A_1138, %select_n3A_1142 : vector<16xf32>
    %swap3A_1144 = arith.constant 48 : index
    %swap3A_1145 = tpu.vector_load %arg7[%swap3A_1144] {strides = array<i32>} : memref<64xf32, #tpu.memory_space<vmem>>, vector<16xf32>,
    tpu.vector_store %arg7[%swap3A_1144], %add3A_1143 {strides = array<i32>} : memref<64xf32, #tpu.memory_space<vmem>>, vector<16xf32>,
    %eq3A_1146 = arith.constant 1 : i32
    %eq3A_1147 = vector.broadcast %eq3A_1146 : i32 to vector<16xi32>
    %eq3A_1148 = arith.cmpi eq, %select_n3A_1126, %eq3A_1147 : vector<16xi32>
    %select_n3A_1149 = arith.select %eq3A_1148, %select_n3A_1129, %broadcast_in_dim3A_1134 : vector<16xi1>, vector<16xf32>
    %eq3A_1150 = arith.constant 1 : i32
    %eq3A_1151 = vector.broadcast %eq3A_1150 : i32 to vector<16xi32>
    %eq3A_1152 = arith.cmpi eq, %min3A_1097, %eq3A_1151 : vector<16xi32>
    %select_n3A_1153 = arith.select %eq3A_1152, %select_n3A_1132, %broadcast_in_dim3A_1134 : vector<16xi1>, vector<16xf32>
    %add3A_1154 = arith.addf %select_n3A_1149, %select_n3A_1153 : vector<16xf32>
    %swap3A_1155 = arith.constant 48 : index
    %swap3A_1156 = tpu.vector_load %arg8[%swap3A_1155] {strides = array<i32>} : memref<64xf32, #tpu.memory_space<vmem>>, vector<16xf32>,
    tpu.vector_store %arg8[%swap3A_1155], %add3A_1154 {strides = array<i32>} : memref<64xf32, #tpu.memory_space<vmem>>, vector<16xf32>,
    %eq3A_1157 = arith.constant 2 : i32
    %eq3A_1158 = vector.broadcast %eq3A_1157 : i32 to vector<16xi32>
    %eq3A_1159 = arith.cmpi eq, %select_n3A_1126, %eq3A_1158 : vector<16xi32>
    %select_n3A_1160 = arith.select %eq3A_1159, %select_n3A_1129, %broadcast_in_dim3A_1134 : vector<16xi1>, vector<16xf32>
    %eq3A_1161 = arith.constant 2 : i32
    %eq3A_1162 = vector.broadcast %eq3A_1161 : i32 to vector<16xi32>
    %eq3A_1163 = arith.cmpi eq, %min3A_1097, %eq3A_1162 : vector<16xi32>
    %select_n3A_1164 = arith.select %eq3A_1163, %select_n3A_1132, %broadcast_in_dim3A_1134 : vector<16xi1>, vector<16xf32>
    %add3A_1165 = arith.addf %select_n3A_1160, %select_n3A_1164 : vector<16xf32>
    %swap3A_1166 = arith.constant 48 : index
    %swap3A_1167 = tpu.vector_load %arg9[%swap3A_1166] {strides = array<i32>} : memref<64xf32, #tpu.memory_space<vmem>>, vector<16xf32>,
    tpu.vector_store %arg9[%swap3A_1166], %add3A_1165 {strides = array<i32>} : memref<64xf32, #tpu.memory_space<vmem>>, vector<16xf32>,
    %eq3A_1168 = arith.constant 3 : i32
    %eq3A_1169 = vector.broadcast %eq3A_1168 : i32 to vector<16xi32>
    %eq3A_1170 = arith.cmpi eq, %select_n3A_1126, %eq3A_1169 : vector<16xi32>
    %select_n3A_1171 = arith.select %eq3A_1170, %select_n3A_1129, %broadcast_in_dim3A_1134 : vector<16xi1>, vector<16xf32>
    %eq3A_1172 = arith.constant 3 : i32
    %eq3A_1173 = vector.broadcast %eq3A_1172 : i32 to vector<16xi32>
    %eq3A_1174 = arith.cmpi eq, %min3A_1097, %eq3A_1173 : vector<16xi32>
    %select_n3A_1175 = arith.select %eq3A_1174, %select_n3A_1132, %broadcast_in_dim3A_1134 : vector<16xi1>, vector<16xf32>
    %add3A_1176 = arith.addf %select_n3A_1171, %select_n3A_1175 : vector<16xf32>
    %swap3A_1177 = arith.constant 48 : index
    %swap3A_1178 = tpu.vector_load %arg10[%swap3A_1177] {strides = array<i32>} : memref<64xf32, #tpu.memory_space<vmem>>, vector<16xf32>,
    tpu.vector_store %arg10[%swap3A_1177], %add3A_1176 {strides = array<i32>} : memref<64xf32, #tpu.memory_space<vmem>>, vector<16xf32>,
    %eq3A_1179 = arith.constant 4 : i32
    %eq3A_1180 = vector.broadcast %eq3A_1179 : i32 to vector<16xi32>
    %eq3A_1181 = arith.cmpi eq, %select_n3A_1126, %eq3A_1180 : vector<16xi32>
    %select_n3A_1182 = arith.select %eq3A_1181, %select_n3A_1129, %broadcast_in_dim3A_1134 : vector<16xi1>, vector<16xf32>
    %eq3A_1183 = arith.constant 4 : i32
    %eq3A_1184 = vector.broadcast %eq3A_1183 : i32 to vector<16xi32>
    %eq3A_1185 = arith.cmpi eq, %min3A_1097, %eq3A_1184 : vector<16xi32>
    %select_n3A_1186 = arith.select %eq3A_1185, %select_n3A_1132, %broadcast_in_dim3A_1134 : vector<16xi1>, vector<16xf32>
    %add3A_1187 = arith.addf %select_n3A_1182, %select_n3A_1186 : vector<16xf32>
    %swap3A_1188 = arith.constant 48 : index
    %swap3A_1189 = tpu.vector_load %arg11[%swap3A_1188] {strides = array<i32>} : memref<64xf32, #tpu.memory_space<vmem>>, vector<16xf32>,
    tpu.vector_store %arg11[%swap3A_1188], %add3A_1187 {strides = array<i32>} : memref<64xf32, #tpu.memory_space<vmem>>, vector<16xf32>,
    %eq3A_1190 = arith.constant 5 : i32
    %eq3A_1191 = vector.broadcast %eq3A_1190 : i32 to vector<16xi32>
    %eq3A_1192 = arith.cmpi eq, %select_n3A_1126, %eq3A_1191 : vector<16xi32>
    %select_n3A_1193 = arith.select %eq3A_1192, %select_n3A_1129, %broadcast_in_dim3A_1134 : vector<16xi1>, vector<16xf32>
    %eq3A_1194 = arith.constant 5 : i32
    %eq3A_1195 = vector.broadcast %eq3A_1194 : i32 to vector<16xi32>
    %eq3A_1196 = arith.cmpi eq, %min3A_1097, %eq3A_1195 : vector<16xi32>
    %select_n3A_1197 = arith.select %eq3A_1196, %select_n3A_1132, %broadcast_in_dim3A_1134 : vector<16xi1>, vector<16xf32>
    %add3A_1198 = arith.addf %select_n3A_1193, %select_n3A_1197 : vector<16xf32>
    %swap3A_1199 = arith.constant 48 : index
    %swap3A_1200 = tpu.vector_load %arg12[%swap3A_1199] {strides = array<i32>} : memref<64xf32, #tpu.memory_space<vmem>>, vector<16xf32>,
    tpu.vector_store %arg12[%swap3A_1199], %add3A_1198 {strides = array<i32>} : memref<64xf32, #tpu.memory_space<vmem>>, vector<16xf32>,
    %eq3A_1201 = arith.constant 6 : i32
    %eq3A_1202 = vector.broadcast %eq3A_1201 : i32 to vector<16xi32>
    %eq3A_1203 = arith.cmpi eq, %select_n3A_1126, %eq3A_1202 : vector<16xi32>
    %select_n3A_1204 = arith.select %eq3A_1203, %select_n3A_1129, %broadcast_in_dim3A_1134 : vector<16xi1>, vector<16xf32>
    %eq3A_1205 = arith.constant 6 : i32
    %eq3A_1206 = vector.broadcast %eq3A_1205 : i32 to vector<16xi32>
    %eq3A_1207 = arith.cmpi eq, %min3A_1097, %eq3A_1206 : vector<16xi32>
    %select_n3A_1208 = arith.select %eq3A_1207, %select_n3A_1132, %broadcast_in_dim3A_1134 : vector<16xi1>, vector<16xf32>
    %add3A_1209 = arith.addf %select_n3A_1204, %select_n3A_1208 : vector<16xf32>
    %swap3A_1210 = arith.constant 48 : index
    %swap3A_1211 = tpu.vector_load %arg13[%swap3A_1210] {strides = array<i32>} : memref<64xf32, #tpu.memory_space<vmem>>, vector<16xf32>,
    tpu.vector_store %arg13[%swap3A_1210], %add3A_1209 {strides = array<i32>} : memref<64xf32, #tpu.memory_space<vmem>>, vector<16xf32>,
    %eq3A_1212 = arith.constant 7 : i32
    %eq3A_1213 = vector.broadcast %eq3A_1212 : i32 to vector<16xi32>
    %eq3A_1214 = arith.cmpi eq, %select_n3A_1126, %eq3A_1213 : vector<16xi32>
    %select_n3A_1215 = arith.select %eq3A_1214, %select_n3A_1129, %broadcast_in_dim3A_1134 : vector<16xi1>, vector<16xf32>
    %eq3A_1216 = arith.constant 7 : i32
    %eq3A_1217 = vector.broadcast %eq3A_1216 : i32 to vector<16xi32>
    %eq3A_1218 = arith.cmpi eq, %min3A_1097, %eq3A_1217 : vector<16xi32>
    %select_n3A_1219 = arith.select %eq3A_1218, %select_n3A_1132, %broadcast_in_dim3A_1134 : vector<16xi1>, vector<16xf32>
    %add3A_1220 = arith.addf %select_n3A_1215, %select_n3A_1219 : vector<16xf32>
    %swap3A_1221 = arith.constant 48 : index
    %swap3A_1222 = tpu.vector_load %arg14[%swap3A_1221] {strides = array<i32>} : memref<64xf32, #tpu.memory_space<vmem>>, vector<16xf32>,
    tpu.vector_store %arg14[%swap3A_1221], %add3A_1220 {strides = array<i32>} : memref<64xf32, #tpu.memory_space<vmem>>, vector<16xf32>,
    %eq3A_1223 = arith.constant 8 : i32
    %eq3A_1224 = vector.broadcast %eq3A_1223 : i32 to vector<16xi32>
    %eq3A_1225 = arith.cmpi eq, %select_n3A_1126, %eq3A_1224 : vector<16xi32>
    %select_n3A_1226 = arith.select %eq3A_1225, %select_n3A_1129, %broadcast_in_dim3A_1134 : vector<16xi1>, vector<16xf32>
    %eq3A_1227 = arith.constant 8 : i32
    %eq3A_1228 = vector.broadcast %eq3A_1227 : i32 to vector<16xi32>
    %eq3A_1229 = arith.cmpi eq, %min3A_1097, %eq3A_1228 : vector<16xi32>
    %select_n3A_1230 = arith.select %eq3A_1229, %select_n3A_1132, %broadcast_in_dim3A_1134 : vector<16xi1>, vector<16xf32>
    %add3A_1231 = arith.addf %select_n3A_1226, %select_n3A_1230 : vector<16xf32>
    %swap3A_1232 = arith.constant 48 : index
    %swap3A_1233 = tpu.vector_load %arg15[%swap3A_1232] {strides = array<i32>} : memref<64xf32, #tpu.memory_space<vmem>>, vector<16xf32>,
    tpu.vector_store %arg15[%swap3A_1232], %add3A_1231 {strides = array<i32>} : memref<64xf32, #tpu.memory_space<vmem>>, vector<16xf32>,
    %eq3A_1234 = arith.constant 9 : i32
    %eq3A_1235 = vector.broadcast %eq3A_1234 : i32 to vector<16xi32>
    %eq3A_1236 = arith.cmpi eq, %select_n3A_1126, %eq3A_1235 : vector<16xi32>
    %select_n3A_1237 = arith.select %eq3A_1236, %select_n3A_1129, %broadcast_in_dim3A_1134 : vector<16xi1>, vector<16xf32>
    %eq3A_1238 = arith.constant 9 : i32
    %eq3A_1239 = vector.broadcast %eq3A_1238 : i32 to vector<16xi32>
    %eq3A_1240 = arith.cmpi eq, %min3A_1097, %eq3A_1239 : vector<16xi32>
    %select_n3A_1241 = arith.select %eq3A_1240, %select_n3A_1132, %broadcast_in_dim3A_1134 : vector<16xi1>, vector<16xf32>
    %add3A_1242 = arith.addf %select_n3A_1237, %select_n3A_1241 : vector<16xf32>
    %swap3A_1243 = arith.constant 48 : index
    %swap3A_1244 = tpu.vector_load %arg16[%swap3A_1243] {strides = array<i32>} : memref<64xf32, #tpu.memory_space<vmem>>, vector<16xf32>,
    tpu.vector_store %arg16[%swap3A_1243], %add3A_1242 {strides = array<i32>} : memref<64xf32, #tpu.memory_space<vmem>>, vector<16xf32>,
    %eq3A_1245 = arith.constant 10 : i32
    %eq3A_1246 = vector.broadcast %eq3A_1245 : i32 to vector<16xi32>
    %eq3A_1247 = arith.cmpi eq, %select_n3A_1126, %eq3A_1246 : vector<16xi32>
    %select_n3A_1248 = arith.select %eq3A_1247, %select_n3A_1129, %broadcast_in_dim3A_1134 : vector<16xi1>, vector<16xf32>
    %eq3A_1249 = arith.constant 10 : i32
    %eq3A_1250 = vector.broadcast %eq3A_1249 : i32 to vector<16xi32>
    %eq3A_1251 = arith.cmpi eq, %min3A_1097, %eq3A_1250 : vector<16xi32>
    %select_n3A_1252 = arith.select %eq3A_1251, %select_n3A_1132, %broadcast_in_dim3A_1134 : vector<16xi1>, vector<16xf32>
    %add3A_1253 = arith.addf %select_n3A_1248, %select_n3A_1252 : vector<16xf32>
    %swap3A_1254 = arith.constant 48 : index
    %swap3A_1255 = tpu.vector_load %arg17[%swap3A_1254] {strides = array<i32>} : memref<64xf32, #tpu.memory_space<vmem>>, vector<16xf32>,
    tpu.vector_store %arg17[%swap3A_1254], %add3A_1253 {strides = array<i32>} : memref<64xf32, #tpu.memory_space<vmem>>, vector<16xf32>,
    %eq3A_1256 = arith.constant 11 : i32
    %eq3A_1257 = vector.broadcast %eq3A_1256 : i32 to vector<16xi32>
    %eq3A_1258 = arith.cmpi eq, %select_n3A_1126, %eq3A_1257 : vector<16xi32>
    %select_n3A_1259 = arith.select %eq3A_1258, %select_n3A_1129, %broadcast_in_dim3A_1134 : vector<16xi1>, vector<16xf32>
    %eq3A_1260 = arith.constant 11 : i32
    %eq3A_1261 = vector.broadcast %eq3A_1260 : i32 to vector<16xi32>
    %eq3A_1262 = arith.cmpi eq, %min3A_1097, %eq3A_1261 : vector<16xi32>
    %select_n3A_1263 = arith.select %eq3A_1262, %select_n3A_1132, %broadcast_in_dim3A_1134 : vector<16xi1>, vector<16xf32>
    %add3A_1264 = arith.addf %select_n3A_1259, %select_n3A_1263 : vector<16xf32>
    %swap3A_1265 = arith.constant 48 : index
    %swap3A_1266 = tpu.vector_load %arg18[%swap3A_1265] {strides = array<i32>} : memref<64xf32, #tpu.memory_space<vmem>>, vector<16xf32>,
    tpu.vector_store %arg18[%swap3A_1265], %add3A_1264 {strides = array<i32>} : memref<64xf32, #tpu.memory_space<vmem>>, vector<16xf32>,
    %eq3A_1267 = arith.constant 12 : i32
    %eq3A_1268 = vector.broadcast %eq3A_1267 : i32 to vector<16xi32>
    %eq3A_1269 = arith.cmpi eq, %select_n3A_1126, %eq3A_1268 : vector<16xi32>
    %select_n3A_1270 = arith.select %eq3A_1269, %select_n3A_1129, %broadcast_in_dim3A_1134 : vector<16xi1>, vector<16xf32>
    %eq3A_1271 = arith.constant 12 : i32
    %eq3A_1272 = vector.broadcast %eq3A_1271 : i32 to vector<16xi32>
    %eq3A_1273 = arith.cmpi eq, %min3A_1097, %eq3A_1272 : vector<16xi32>
    %select_n3A_1274 = arith.select %eq3A_1273, %select_n3A_1132, %broadcast_in_dim3A_1134 : vector<16xi1>, vector<16xf32>
    %add3A_1275 = arith.addf %select_n3A_1270, %select_n3A_1274 : vector<16xf32>
    %swap3A_1276 = arith.constant 48 : index
    %swap3A_1277 = tpu.vector_load %arg19[%swap3A_1276] {strides = array<i32>} : memref<64xf32, #tpu.memory_space<vmem>>, vector<16xf32>,
    tpu.vector_store %arg19[%swap3A_1276], %add3A_1275 {strides = array<i32>} : memref<64xf32, #tpu.memory_space<vmem>>, vector<16xf32>,
    %add3A_1278 = arith.constant 0 : i32
    %add3A_1279 = arith.addi %add3A, %add3A_1278 : i32
    %lt3A_1280 = arith.constant 601 : i32
    %lt3A_1281 = arith.cmpi slt, %add3A_1279, %lt3A_1280 : i32
    %convert_element_type3A_1282 = arith.extui %lt3A_1281 : i1 to i32
    %cond3A = arith.constant 0 : i32
    %cond3A_1283 = arith.cmpi ne, %convert_element_type3A_1282, %cond3A : i32
    scf.if %cond3A_1283 {
      %mul3A_1310 = arith.constant 1664 : i32
      %mul3A_1311 = arith.muli %add3A_1279, %mul3A_1310 : i32
      %dma_start3A = tpu.memref_slice %arg2[%mul3A_1311] : memref<1000000xi32, #tpu.memory_space<hbm>> -> memref<1664xi32, #tpu.memory_space<hbm>>
      %dma_start3A_1312 = tpu.memref_slice %arg2[%mul3A_1311] : memref<1000000xi32, #tpu.memory_space<hbm>> -> memref<1664xi32, #tpu.memory_space<hbm>>
      tpu.enqueue_dma source(%dma_start3A_1312 : memref<1664xi32, #tpu.memory_space<hbm>>) target(%arg20 : memref<1664xi32, #tpu.memory_space<vmem>>) target_semaphore(%arg24 : memref<!tpu.dma_semaphore, #tpu.memory_space<semaphore_mem>>)
    } else {
    }
    %add3A_1284 = arith.constant 32 : i32
    %add3A_1285 = arith.addi %add3A, %add3A_1284 : i32
    %lt3A_1286 = arith.constant 601 : i32
    %lt3A_1287 = arith.cmpi slt, %add3A_1285, %lt3A_1286 : i32
    %convert_element_type3A_1288 = arith.extui %lt3A_1287 : i1 to i32
    %cond3A_1289 = arith.constant 0 : i32
    %cond3A_1290 = arith.cmpi ne, %convert_element_type3A_1288, %cond3A_1289 : i32
    scf.if %cond3A_1290 {
      %mul3A_1310 = arith.constant 1664 : i32
      %mul3A_1311 = arith.muli %add3A_1285, %mul3A_1310 : i32
      %dma_start3A = tpu.memref_slice %arg2[%mul3A_1311] : memref<1000000xi32, #tpu.memory_space<hbm>> -> memref<1664xi32, #tpu.memory_space<hbm>>
      %dma_start3A_1312 = tpu.memref_slice %arg2[%mul3A_1311] : memref<1000000xi32, #tpu.memory_space<hbm>> -> memref<1664xi32, #tpu.memory_space<hbm>>
      tpu.enqueue_dma source(%dma_start3A_1312 : memref<1664xi32, #tpu.memory_space<hbm>>) target(%arg21 : memref<1664xi32, #tpu.memory_space<vmem>>) target_semaphore(%arg25 : memref<!tpu.dma_semaphore, #tpu.memory_space<semaphore_mem>>)
    } else {
    }
    %scan3A = arith.constant 0 : i32
    %scan3A_1291 = arith.constant 0 : i32
    %scan3A_1292 = arith.constant 10 : i32
    %scan3A_1293 = arith.addi %scan3A_1291, %scan3A_1292 : i32
    %scan3A_1294 = arith.constant 1 : i32
    scf.for %scan3A_1310 = %scan3A_1291 to %scan3A_1293 step %scan3A_1294  : i32 {
      %mul3A_1311 = arith.constant 2 : i32
      %mul3A_1312 = arith.muli %scan3A_1310, %mul3A_1311 : i32
      %add3A_1313 = arith.constant 0 : i32
      %add3A_1314 = arith.addi %mul3A_1312, %add3A_1313 : i32
      %mul3A_1315 = arith.constant 32 : i32
      %mul3A_1316 = arith.muli %add3A_1314, %mul3A_1315 : i32
      %add3A_1317 = arith.addi %add3A, %mul3A_1316 : i32
      %lt3A_1318 = arith.constant 601 : i32
      %lt3A_1319 = arith.cmpi slt, %add3A_1317, %lt3A_1318 : i32
      %convert_element_type3A_1320 = arith.extui %lt3A_1319 : i1 to i32
      %cond3A_1321 = arith.constant 0 : i32
      %cond3A_1322 = arith.cmpi ne, %convert_element_type3A_1320, %cond3A_1321 : i32
      scf.if %cond3A_1322 {
        %dma_wait3A = arith.constant 0 : i32
        %dma_wait3A_1335 = tpu.memref_slice %arg2[%dma_wait3A] : memref<1000000xi32, #tpu.memory_space<hbm>> -> memref<1664xi32, #tpu.memory_space<hbm>>
        %dma_wait3A_1336 = arith.constant 0 : i32
        %dma_wait3A_1337 = tpu.memref_slice %arg2[%dma_wait3A_1336] : memref<1000000xi32, #tpu.memory_space<hbm>> -> memref<1664xi32, #tpu.memory_space<hbm>>
        tpu.wait_dma2 semaphore(%arg24 : memref<!tpu.dma_semaphore, #tpu.memory_space<semaphore_mem>>) src(%dma_wait3A_1337 : memref<1664xi32, #tpu.memory_space<hbm>>) dst(%arg20 : memref<1664xi32, #tpu.memory_space<vmem>>)
        %ge3A = arith.constant 2 : i32
        %ge3A_1338 = arith.cmpi sge, %add3A_1314, %ge3A : i32
        %convert_element_type3A_1339 = arith.extui %ge3A_1338 : i1 to i32
        %cond3A_1340 = arith.constant 0 : i32
        %cond3A_1341 = arith.cmpi ne, %convert_element_type3A_1339, %cond3A_1340 : i32
        scf.if %cond3A_1341 {
          %dma_wait3A_1359 = arith.constant 0 : i32
          %dma_wait3A_1360 = arith.constant 0 : i32
          %dma_wait3A_1361 = tpu.memref_slice %arg4[%dma_wait3A_1359, %dma_wait3A_1360] : memref<13x1000000xf32, #tpu.memory_space<hbm>> -> memref<13x1664xf32, #tpu.memory_space<hbm>>
          %dma_wait3A_1362 = arith.constant 0 : i32
          %dma_wait3A_1363 = arith.constant 0 : i32
          %dma_wait3A_1364 = tpu.memref_slice %arg4[%dma_wait3A_1362, %dma_wait3A_1363] : memref<13x1000000xf32, #tpu.memory_space<hbm>> -> memref<13x1664xf32, #tpu.memory_space<hbm>>
          tpu.wait_dma2 semaphore(%arg26 : memref<!tpu.dma_semaphore, #tpu.memory_space<semaphore_mem>>) src(%arg22 : memref<13x1664xf32, #tpu.memory_space<vmem>>) dst(%dma_wait3A_1364 : memref<13x1664xf32, #tpu.memory_space<hbm>>)
        } else {
        }
        %parallel_loop3A = arith.constant 0 : i32
        %parallel_loop3A_1342 = arith.constant 104 : i32
        %parallel_loop3A_1343 = arith.constant 1 : i32
        scf.for %parallel_loop3A_1359 = %parallel_loop3A to %parallel_loop3A_1342 step %parallel_loop3A_1343  : i32 {
          %parallel_loop3A_1360 = arith.constant 16 : i32
          %parallel_loop3A_1361 = arith.muli %parallel_loop3A_1359, %parallel_loop3A_1360 : i32
          %parallel_loop3A_1362 = arith.index_cast %parallel_loop3A_1361 : i32 to index
          %parallel_loop3A_1363 = tpu.vector_load %arg20[%parallel_loop3A_1362] {strides = array<i32>} : memref<1664xi32, #tpu.memory_space<vmem>>, vector<16xi32>,
          %parallel_loop3A_1364 = arith.constant 0 : i32
          %parallel_loop3A_1365 = arith.constant 63 : i32
          %parallel_loop3A_1366 = vector.broadcast %parallel_loop3A_1364 : i32 to vector<16xi32>
          %parallel_loop3A_1367 = arith.maxsi %parallel_loop3A_1366, %parallel_loop3A_1363 : vector<16xi32>
          %parallel_loop3A_1368 = vector.broadcast %parallel_loop3A_1365 : i32 to vector<16xi32>
          %parallel_loop3A_1369 = arith.minsi %parallel_loop3A_1368, %parallel_loop3A_1367 : vector<16xi32>
          %parallel_loop3A_1370 = tpu.vector_load_idx %arg7[%parallel_loop3A_1369] : memref<64xf32, #tpu.memory_space<vmem>>[vector<16xi32>], vector<16xf32>,
          %parallel_loop3A_1371 = arith.constant 0 : i32
          %parallel_loop3A_1372 = arith.index_cast %parallel_loop3A_1371 : i32 to index
          %parallel_loop3A_1373 = arith.index_cast %parallel_loop3A_1361 : i32 to index
          %parallel_loop3A_1374 = tpu.vector_load %arg22[%parallel_loop3A_1372, %parallel_loop3A_1373] {strides = array<i32>} : memref<13x1664xf32, #tpu.memory_space<vmem>>, vector<16xf32>,
          tpu.vector_store %arg22[%parallel_loop3A_1372, %parallel_loop3A_1373], %parallel_loop3A_1370 {strides = array<i32>} : memref<13x1664xf32, #tpu.memory_space<vmem>>, vector<16xf32>,
          %parallel_loop3A_1375 = tpu.vector_load_idx %arg8[%parallel_loop3A_1369] : memref<64xf32, #tpu.memory_space<vmem>>[vector<16xi32>], vector<16xf32>,
          %parallel_loop3A_1376 = arith.constant 1 : i32
          %parallel_loop3A_1377 = arith.index_cast %parallel_loop3A_1376 : i32 to index
          %parallel_loop3A_1378 = arith.index_cast %parallel_loop3A_1361 : i32 to index
          %parallel_loop3A_1379 = tpu.vector_load %arg22[%parallel_loop3A_1377, %parallel_loop3A_1378] {strides = array<i32>} : memref<13x1664xf32, #tpu.memory_space<vmem>>, vector<16xf32>,
          tpu.vector_store %arg22[%parallel_loop3A_1377, %parallel_loop3A_1378], %parallel_loop3A_1375 {strides = array<i32>} : memref<13x1664xf32, #tpu.memory_space<vmem>>, vector<16xf32>,
          %parallel_loop3A_1380 = tpu.vector_load_idx %arg9[%parallel_loop3A_1369] : memref<64xf32, #tpu.memory_space<vmem>>[vector<16xi32>], vector<16xf32>,
          %parallel_loop3A_1381 = arith.constant 2 : i32
          %parallel_loop3A_1382 = arith.index_cast %parallel_loop3A_1381 : i32 to index
          %parallel_loop3A_1383 = arith.index_cast %parallel_loop3A_1361 : i32 to index
          %parallel_loop3A_1384 = tpu.vector_load %arg22[%parallel_loop3A_1382, %parallel_loop3A_1383] {strides = array<i32>} : memref<13x1664xf32, #tpu.memory_space<vmem>>, vector<16xf32>,
          tpu.vector_store %arg22[%parallel_loop3A_1382, %parallel_loop3A_1383], %parallel_loop3A_1380 {strides = array<i32>} : memref<13x1664xf32, #tpu.memory_space<vmem>>, vector<16xf32>,
          %parallel_loop3A_1385 = tpu.vector_load_idx %arg10[%parallel_loop3A_1369] : memref<64xf32, #tpu.memory_space<vmem>>[vector<16xi32>], vector<16xf32>,
          %parallel_loop3A_1386 = arith.constant 3 : i32
          %parallel_loop3A_1387 = arith.index_cast %parallel_loop3A_1386 : i32 to index
          %parallel_loop3A_1388 = arith.index_cast %parallel_loop3A_1361 : i32 to index
          %parallel_loop3A_1389 = tpu.vector_load %arg22[%parallel_loop3A_1387, %parallel_loop3A_1388] {strides = array<i32>} : memref<13x1664xf32, #tpu.memory_space<vmem>>, vector<16xf32>,
          tpu.vector_store %arg22[%parallel_loop3A_1387, %parallel_loop3A_1388], %parallel_loop3A_1385 {strides = array<i32>} : memref<13x1664xf32, #tpu.memory_space<vmem>>, vector<16xf32>,
          %parallel_loop3A_1390 = tpu.vector_load_idx %arg11[%parallel_loop3A_1369] : memref<64xf32, #tpu.memory_space<vmem>>[vector<16xi32>], vector<16xf32>,
          %parallel_loop3A_1391 = arith.constant 4 : i32
          %parallel_loop3A_1392 = arith.index_cast %parallel_loop3A_1391 : i32 to index
          %parallel_loop3A_1393 = arith.index_cast %parallel_loop3A_1361 : i32 to index
          %parallel_loop3A_1394 = tpu.vector_load %arg22[%parallel_loop3A_1392, %parallel_loop3A_1393] {strides = array<i32>} : memref<13x1664xf32, #tpu.memory_space<vmem>>, vector<16xf32>,
          tpu.vector_store %arg22[%parallel_loop3A_1392, %parallel_loop3A_1393], %parallel_loop3A_1390 {strides = array<i32>} : memref<13x1664xf32, #tpu.memory_space<vmem>>, vector<16xf32>,
          %parallel_loop3A_1395 = tpu.vector_load_idx %arg12[%parallel_loop3A_1369] : memref<64xf32, #tpu.memory_space<vmem>>[vector<16xi32>], vector<16xf32>,
          %parallel_loop3A_1396 = arith.constant 5 : i32
          %parallel_loop3A_1397 = arith.index_cast %parallel_loop3A_1396 : i32 to index
          %parallel_loop3A_1398 = arith.index_cast %parallel_loop3A_1361 : i32 to index
          %parallel_loop3A_1399 = tpu.vector_load %arg22[%parallel_loop3A_1397, %parallel_loop3A_1398] {strides = array<i32>} : memref<13x1664xf32, #tpu.memory_space<vmem>>, vector<16xf32>,
          tpu.vector_store %arg22[%parallel_loop3A_1397, %parallel_loop3A_1398], %parallel_loop3A_1395 {strides = array<i32>} : memref<13x1664xf32, #tpu.memory_space<vmem>>, vector<16xf32>,
          %parallel_loop3A_1400 = tpu.vector_load_idx %arg13[%parallel_loop3A_1369] : memref<64xf32, #tpu.memory_space<vmem>>[vector<16xi32>], vector<16xf32>,
          %parallel_loop3A_1401 = arith.constant 6 : i32
          %parallel_loop3A_1402 = arith.index_cast %parallel_loop3A_1401 : i32 to index
          %parallel_loop3A_1403 = arith.index_cast %parallel_loop3A_1361 : i32 to index
          %parallel_loop3A_1404 = tpu.vector_load %arg22[%parallel_loop3A_1402, %parallel_loop3A_1403] {strides = array<i32>} : memref<13x1664xf32, #tpu.memory_space<vmem>>, vector<16xf32>,
          tpu.vector_store %arg22[%parallel_loop3A_1402, %parallel_loop3A_1403], %parallel_loop3A_1400 {strides = array<i32>} : memref<13x1664xf32, #tpu.memory_space<vmem>>, vector<16xf32>,
          %parallel_loop3A_1405 = tpu.vector_load_idx %arg14[%parallel_loop3A_1369] : memref<64xf32, #tpu.memory_space<vmem>>[vector<16xi32>], vector<16xf32>,
          %parallel_loop3A_1406 = arith.constant 7 : i32
          %parallel_loop3A_1407 = arith.index_cast %parallel_loop3A_1406 : i32 to index
          %parallel_loop3A_1408 = arith.index_cast %parallel_loop3A_1361 : i32 to index
          %parallel_loop3A_1409 = tpu.vector_load %arg22[%parallel_loop3A_1407, %parallel_loop3A_1408] {strides = array<i32>} : memref<13x1664xf32, #tpu.memory_space<vmem>>, vector<16xf32>,
          tpu.vector_store %arg22[%parallel_loop3A_1407, %parallel_loop3A_1408], %parallel_loop3A_1405 {strides = array<i32>} : memref<13x1664xf32, #tpu.memory_space<vmem>>, vector<16xf32>,
          %parallel_loop3A_1410 = tpu.vector_load_idx %arg15[%parallel_loop3A_1369] : memref<64xf32, #tpu.memory_space<vmem>>[vector<16xi32>], vector<16xf32>,
          %parallel_loop3A_1411 = arith.constant 8 : i32
          %parallel_loop3A_1412 = arith.index_cast %parallel_loop3A_1411 : i32 to index
          %parallel_loop3A_1413 = arith.index_cast %parallel_loop3A_1361 : i32 to index
          %parallel_loop3A_1414 = tpu.vector_load %arg22[%parallel_loop3A_1412, %parallel_loop3A_1413] {strides = array<i32>} : memref<13x1664xf32, #tpu.memory_space<vmem>>, vector<16xf32>,
          tpu.vector_store %arg22[%parallel_loop3A_1412, %parallel_loop3A_1413], %parallel_loop3A_1410 {strides = array<i32>} : memref<13x1664xf32, #tpu.memory_space<vmem>>, vector<16xf32>,
          %parallel_loop3A_1415 = tpu.vector_load_idx %arg16[%parallel_loop3A_1369] : memref<64xf32, #tpu.memory_space<vmem>>[vector<16xi32>], vector<16xf32>,
          %parallel_loop3A_1416 = arith.constant 9 : i32
          %parallel_loop3A_1417 = arith.index_cast %parallel_loop3A_1416 : i32 to index
          %parallel_loop3A_1418 = arith.index_cast %parallel_loop3A_1361 : i32 to index
          %parallel_loop3A_1419 = tpu.vector_load %arg22[%parallel_loop3A_1417, %parallel_loop3A_1418] {strides = array<i32>} : memref<13x1664xf32, #tpu.memory_space<vmem>>, vector<16xf32>,
          tpu.vector_store %arg22[%parallel_loop3A_1417, %parallel_loop3A_1418], %parallel_loop3A_1415 {strides = array<i32>} : memref<13x1664xf32, #tpu.memory_space<vmem>>, vector<16xf32>,
          %parallel_loop3A_1420 = tpu.vector_load_idx %arg17[%parallel_loop3A_1369] : memref<64xf32, #tpu.memory_space<vmem>>[vector<16xi32>], vector<16xf32>,
          %parallel_loop3A_1421 = arith.constant 10 : i32
          %parallel_loop3A_1422 = arith.index_cast %parallel_loop3A_1421 : i32 to index
          %parallel_loop3A_1423 = arith.index_cast %parallel_loop3A_1361 : i32 to index
          %parallel_loop3A_1424 = tpu.vector_load %arg22[%parallel_loop3A_1422, %parallel_loop3A_1423] {strides = array<i32>} : memref<13x1664xf32, #tpu.memory_space<vmem>>, vector<16xf32>,
          tpu.vector_store %arg22[%parallel_loop3A_1422, %parallel_loop3A_1423], %parallel_loop3A_1420 {strides = array<i32>} : memref<13x1664xf32, #tpu.memory_space<vmem>>, vector<16xf32>,
          %parallel_loop3A_1425 = tpu.vector_load_idx %arg18[%parallel_loop3A_1369] : memref<64xf32, #tpu.memory_space<vmem>>[vector<16xi32>], vector<16xf32>,
          %parallel_loop3A_1426 = arith.constant 11 : i32
          %parallel_loop3A_1427 = arith.index_cast %parallel_loop3A_1426 : i32 to index
          %parallel_loop3A_1428 = arith.index_cast %parallel_loop3A_1361 : i32 to index
          %parallel_loop3A_1429 = tpu.vector_load %arg22[%parallel_loop3A_1427, %parallel_loop3A_1428] {strides = array<i32>} : memref<13x1664xf32, #tpu.memory_space<vmem>>, vector<16xf32>,
          tpu.vector_store %arg22[%parallel_loop3A_1427, %parallel_loop3A_1428], %parallel_loop3A_1425 {strides = array<i32>} : memref<13x1664xf32, #tpu.memory_space<vmem>>, vector<16xf32>,
          %parallel_loop3A_1430 = tpu.vector_load_idx %arg19[%parallel_loop3A_1369] : memref<64xf32, #tpu.memory_space<vmem>>[vector<16xi32>], vector<16xf32>,
          %parallel_loop3A_1431 = arith.constant 12 : i32
          %parallel_loop3A_1432 = arith.index_cast %parallel_loop3A_1431 : i32 to index
          %parallel_loop3A_1433 = arith.index_cast %parallel_loop3A_1361 : i32 to index
          %parallel_loop3A_1434 = tpu.vector_load %arg22[%parallel_loop3A_1432, %parallel_loop3A_1433] {strides = array<i32>} : memref<13x1664xf32, #tpu.memory_space<vmem>>, vector<16xf32>,
          tpu.vector_store %arg22[%parallel_loop3A_1432, %parallel_loop3A_1433], %parallel_loop3A_1430 {strides = array<i32>} : memref<13x1664xf32, #tpu.memory_space<vmem>>, vector<16xf32>,
        } {sc.loop_unroll_factor = 4 : i64, sc.parallel_access}
        %mul3A_1344 = arith.constant 1664 : i32
        %mul3A_1345 = arith.muli %add3A_1317, %mul3A_1344 : i32
        %dma_start3A = arith.constant 0 : i32
        %dma_start3A_1346 = tpu.memref_slice %arg4[%dma_start3A, %mul3A_1345] : memref<13x1000000xf32, #tpu.memory_space<hbm>> -> memref<13x1664xf32, #tpu.memory_space<hbm>>
        %dma_start3A_1347 = arith.constant 0 : i32
        %dma_start3A_1348 = tpu.memref_slice %arg4[%dma_start3A_1347, %mul3A_1345] : memref<13x1000000xf32, #tpu.memory_space<hbm>> -> memref<13x1664xf32, #tpu.memory_space<hbm>>
        tpu.enqueue_dma source(%arg22 : memref<13x1664xf32, #tpu.memory_space<vmem>>) target(%dma_start3A_1348 : memref<13x1664xf32, #tpu.memory_space<hbm>>) target_semaphore(%arg26 : memref<!tpu.dma_semaphore, #tpu.memory_space<semaphore_mem>>)
        %add3A_1349 = arith.constant 2 : i32
        %add3A_1350 = arith.addi %add3A_1314, %add3A_1349 : i32
        %mul3A_1351 = arith.constant 32 : i32
        %mul3A_1352 = arith.muli %add3A_1350, %mul3A_1351 : i32
        %add3A_1353 = arith.addi %add3A, %mul3A_1352 : i32
        %lt3A_1354 = arith.constant 601 : i32
        %lt3A_1355 = arith.cmpi slt, %add3A_1353, %lt3A_1354 : i32
        %convert_element_type3A_1356 = arith.extui %lt3A_1355 : i1 to i32
        %cond3A_1357 = arith.constant 0 : i32
        %cond3A_1358 = arith.cmpi ne, %convert_element_type3A_1356, %cond3A_1357 : i32
        scf.if %cond3A_1358 {
          %mul3A_1359 = arith.constant 1664 : i32
          %mul3A_1360 = arith.muli %add3A_1353, %mul3A_1359 : i32
          %dma_start3A_1361 = tpu.memref_slice %arg2[%mul3A_1360] : memref<1000000xi32, #tpu.memory_space<hbm>> -> memref<1664xi32, #tpu.memory_space<hbm>>
          %dma_start3A_1362 = tpu.memref_slice %arg2[%mul3A_1360] : memref<1000000xi32, #tpu.memory_space<hbm>> -> memref<1664xi32, #tpu.memory_space<hbm>>
          tpu.enqueue_dma source(%dma_start3A_1362 : memref<1664xi32, #tpu.memory_space<hbm>>) target(%arg20 : memref<1664xi32, #tpu.memory_space<vmem>>) target_semaphore(%arg24 : memref<!tpu.dma_semaphore, #tpu.memory_space<semaphore_mem>>)
        } else {
        }
      } else {
      }
      %mul3A_1323 = arith.constant 2 : i32
      %mul3A_1324 = arith.muli %scan3A_1310, %mul3A_1323 : i32
      %add3A_1325 = arith.constant 1 : i32
      %add3A_1326 = arith.addi %mul3A_1324, %add3A_1325 : i32
      %mul3A_1327 = arith.constant 32 : i32
      %mul3A_1328 = arith.muli %add3A_1326, %mul3A_1327 : i32
      %add3A_1329 = arith.addi %add3A, %mul3A_1328 : i32
      %lt3A_1330 = arith.constant 601 : i32
      %lt3A_1331 = arith.cmpi slt, %add3A_1329, %lt3A_1330 : i32
      %convert_element_type3A_1332 = arith.extui %lt3A_1331 : i1 to i32
      %cond3A_1333 = arith.constant 0 : i32
      %cond3A_1334 = arith.cmpi ne, %convert_element_type3A_1332, %cond3A_1333 : i32
      scf.if %cond3A_1334 {
        %dma_wait3A = arith.constant 0 : i32
        %dma_wait3A_1335 = tpu.memref_slice %arg2[%dma_wait3A] : memref<1000000xi32, #tpu.memory_space<hbm>> -> memref<1664xi32, #tpu.memory_space<hbm>>
        %dma_wait3A_1336 = arith.constant 0 : i32
        %dma_wait3A_1337 = tpu.memref_slice %arg2[%dma_wait3A_1336] : memref<1000000xi32, #tpu.memory_space<hbm>> -> memref<1664xi32, #tpu.memory_space<hbm>>
        tpu.wait_dma2 semaphore(%arg25 : memref<!tpu.dma_semaphore, #tpu.memory_space<semaphore_mem>>) src(%dma_wait3A_1337 : memref<1664xi32, #tpu.memory_space<hbm>>) dst(%arg21 : memref<1664xi32, #tpu.memory_space<vmem>>)
        %ge3A = arith.constant 2 : i32
        %ge3A_1338 = arith.cmpi sge, %add3A_1326, %ge3A : i32
        %convert_element_type3A_1339 = arith.extui %ge3A_1338 : i1 to i32
        %cond3A_1340 = arith.constant 0 : i32
        %cond3A_1341 = arith.cmpi ne, %convert_element_type3A_1339, %cond3A_1340 : i32
        scf.if %cond3A_1341 {
          %dma_wait3A_1359 = arith.constant 0 : i32
          %dma_wait3A_1360 = arith.constant 0 : i32
          %dma_wait3A_1361 = tpu.memref_slice %arg4[%dma_wait3A_1359, %dma_wait3A_1360] : memref<13x1000000xf32, #tpu.memory_space<hbm>> -> memref<13x1664xf32, #tpu.memory_space<hbm>>
          %dma_wait3A_1362 = arith.constant 0 : i32
          %dma_wait3A_1363 = arith.constant 0 : i32
          %dma_wait3A_1364 = tpu.memref_slice %arg4[%dma_wait3A_1362, %dma_wait3A_1363] : memref<13x1000000xf32, #tpu.memory_space<hbm>> -> memref<13x1664xf32, #tpu.memory_space<hbm>>
          tpu.wait_dma2 semaphore(%arg27 : memref<!tpu.dma_semaphore, #tpu.memory_space<semaphore_mem>>) src(%arg23 : memref<13x1664xf32, #tpu.memory_space<vmem>>) dst(%dma_wait3A_1364 : memref<13x1664xf32, #tpu.memory_space<hbm>>)
        } else {
        }
        %parallel_loop3A = arith.constant 0 : i32
        %parallel_loop3A_1342 = arith.constant 104 : i32
        %parallel_loop3A_1343 = arith.constant 1 : i32
        scf.for %parallel_loop3A_1359 = %parallel_loop3A to %parallel_loop3A_1342 step %parallel_loop3A_1343  : i32 {
          %parallel_loop3A_1360 = arith.constant 16 : i32
          %parallel_loop3A_1361 = arith.muli %parallel_loop3A_1359, %parallel_loop3A_1360 : i32
          %parallel_loop3A_1362 = arith.index_cast %parallel_loop3A_1361 : i32 to index
          %parallel_loop3A_1363 = tpu.vector_load %arg21[%parallel_loop3A_1362] {strides = array<i32>} : memref<1664xi32, #tpu.memory_space<vmem>>, vector<16xi32>,
          %parallel_loop3A_1364 = arith.constant 0 : i32
          %parallel_loop3A_1365 = arith.constant 63 : i32
          %parallel_loop3A_1366 = vector.broadcast %parallel_loop3A_1364 : i32 to vector<16xi32>
          %parallel_loop3A_1367 = arith.maxsi %parallel_loop3A_1366, %parallel_loop3A_1363 : vector<16xi32>
          %parallel_loop3A_1368 = vector.broadcast %parallel_loop3A_1365 : i32 to vector<16xi32>
          %parallel_loop3A_1369 = arith.minsi %parallel_loop3A_1368, %parallel_loop3A_1367 : vector<16xi32>
          %parallel_loop3A_1370 = tpu.vector_load_idx %arg7[%parallel_loop3A_1369] : memref<64xf32, #tpu.memory_space<vmem>>[vector<16xi32>], vector<16xf32>,
          %parallel_loop3A_1371 = arith.constant 0 : i32
          %parallel_loop3A_1372 = arith.index_cast %parallel_loop3A_1371 : i32 to index
          %parallel_loop3A_1373 = arith.index_cast %parallel_loop3A_1361 : i32 to index
          %parallel_loop3A_1374 = tpu.vector_load %arg23[%parallel_loop3A_1372, %parallel_loop3A_1373] {strides = array<i32>} : memref<13x1664xf32, #tpu.memory_space<vmem>>, vector<16xf32>,
          tpu.vector_store %arg23[%parallel_loop3A_1372, %parallel_loop3A_1373], %parallel_loop3A_1370 {strides = array<i32>} : memref<13x1664xf32, #tpu.memory_space<vmem>>, vector<16xf32>,
          %parallel_loop3A_1375 = tpu.vector_load_idx %arg8[%parallel_loop3A_1369] : memref<64xf32, #tpu.memory_space<vmem>>[vector<16xi32>], vector<16xf32>,
          %parallel_loop3A_1376 = arith.constant 1 : i32
          %parallel_loop3A_1377 = arith.index_cast %parallel_loop3A_1376 : i32 to index
          %parallel_loop3A_1378 = arith.index_cast %parallel_loop3A_1361 : i32 to index
          %parallel_loop3A_1379 = tpu.vector_load %arg23[%parallel_loop3A_1377, %parallel_loop3A_1378] {strides = array<i32>} : memref<13x1664xf32, #tpu.memory_space<vmem>>, vector<16xf32>,
          tpu.vector_store %arg23[%parallel_loop3A_1377, %parallel_loop3A_1378], %parallel_loop3A_1375 {strides = array<i32>} : memref<13x1664xf32, #tpu.memory_space<vmem>>, vector<16xf32>,
          %parallel_loop3A_1380 = tpu.vector_load_idx %arg9[%parallel_loop3A_1369] : memref<64xf32, #tpu.memory_space<vmem>>[vector<16xi32>], vector<16xf32>,
          %parallel_loop3A_1381 = arith.constant 2 : i32
          %parallel_loop3A_1382 = arith.index_cast %parallel_loop3A_1381 : i32 to index
          %parallel_loop3A_1383 = arith.index_cast %parallel_loop3A_1361 : i32 to index
          %parallel_loop3A_1384 = tpu.vector_load %arg23[%parallel_loop3A_1382, %parallel_loop3A_1383] {strides = array<i32>} : memref<13x1664xf32, #tpu.memory_space<vmem>>, vector<16xf32>,
          tpu.vector_store %arg23[%parallel_loop3A_1382, %parallel_loop3A_1383], %parallel_loop3A_1380 {strides = array<i32>} : memref<13x1664xf32, #tpu.memory_space<vmem>>, vector<16xf32>,
          %parallel_loop3A_1385 = tpu.vector_load_idx %arg10[%parallel_loop3A_1369] : memref<64xf32, #tpu.memory_space<vmem>>[vector<16xi32>], vector<16xf32>,
          %parallel_loop3A_1386 = arith.constant 3 : i32
          %parallel_loop3A_1387 = arith.index_cast %parallel_loop3A_1386 : i32 to index
          %parallel_loop3A_1388 = arith.index_cast %parallel_loop3A_1361 : i32 to index
          %parallel_loop3A_1389 = tpu.vector_load %arg23[%parallel_loop3A_1387, %parallel_loop3A_1388] {strides = array<i32>} : memref<13x1664xf32, #tpu.memory_space<vmem>>, vector<16xf32>,
          tpu.vector_store %arg23[%parallel_loop3A_1387, %parallel_loop3A_1388], %parallel_loop3A_1385 {strides = array<i32>} : memref<13x1664xf32, #tpu.memory_space<vmem>>, vector<16xf32>,
          %parallel_loop3A_1390 = tpu.vector_load_idx %arg11[%parallel_loop3A_1369] : memref<64xf32, #tpu.memory_space<vmem>>[vector<16xi32>], vector<16xf32>,
          %parallel_loop3A_1391 = arith.constant 4 : i32
          %parallel_loop3A_1392 = arith.index_cast %parallel_loop3A_1391 : i32 to index
          %parallel_loop3A_1393 = arith.index_cast %parallel_loop3A_1361 : i32 to index
          %parallel_loop3A_1394 = tpu.vector_load %arg23[%parallel_loop3A_1392, %parallel_loop3A_1393] {strides = array<i32>} : memref<13x1664xf32, #tpu.memory_space<vmem>>, vector<16xf32>,
          tpu.vector_store %arg23[%parallel_loop3A_1392, %parallel_loop3A_1393], %parallel_loop3A_1390 {strides = array<i32>} : memref<13x1664xf32, #tpu.memory_space<vmem>>, vector<16xf32>,
          %parallel_loop3A_1395 = tpu.vector_load_idx %arg12[%parallel_loop3A_1369] : memref<64xf32, #tpu.memory_space<vmem>>[vector<16xi32>], vector<16xf32>,
          %parallel_loop3A_1396 = arith.constant 5 : i32
          %parallel_loop3A_1397 = arith.index_cast %parallel_loop3A_1396 : i32 to index
          %parallel_loop3A_1398 = arith.index_cast %parallel_loop3A_1361 : i32 to index
          %parallel_loop3A_1399 = tpu.vector_load %arg23[%parallel_loop3A_1397, %parallel_loop3A_1398] {strides = array<i32>} : memref<13x1664xf32, #tpu.memory_space<vmem>>, vector<16xf32>,
          tpu.vector_store %arg23[%parallel_loop3A_1397, %parallel_loop3A_1398], %parallel_loop3A_1395 {strides = array<i32>} : memref<13x1664xf32, #tpu.memory_space<vmem>>, vector<16xf32>,
          %parallel_loop3A_1400 = tpu.vector_load_idx %arg13[%parallel_loop3A_1369] : memref<64xf32, #tpu.memory_space<vmem>>[vector<16xi32>], vector<16xf32>,
          %parallel_loop3A_1401 = arith.constant 6 : i32
          %parallel_loop3A_1402 = arith.index_cast %parallel_loop3A_1401 : i32 to index
          %parallel_loop3A_1403 = arith.index_cast %parallel_loop3A_1361 : i32 to index
          %parallel_loop3A_1404 = tpu.vector_load %arg23[%parallel_loop3A_1402, %parallel_loop3A_1403] {strides = array<i32>} : memref<13x1664xf32, #tpu.memory_space<vmem>>, vector<16xf32>,
          tpu.vector_store %arg23[%parallel_loop3A_1402, %parallel_loop3A_1403], %parallel_loop3A_1400 {strides = array<i32>} : memref<13x1664xf32, #tpu.memory_space<vmem>>, vector<16xf32>,
          %parallel_loop3A_1405 = tpu.vector_load_idx %arg14[%parallel_loop3A_1369] : memref<64xf32, #tpu.memory_space<vmem>>[vector<16xi32>], vector<16xf32>,
          %parallel_loop3A_1406 = arith.constant 7 : i32
          %parallel_loop3A_1407 = arith.index_cast %parallel_loop3A_1406 : i32 to index
          %parallel_loop3A_1408 = arith.index_cast %parallel_loop3A_1361 : i32 to index
          %parallel_loop3A_1409 = tpu.vector_load %arg23[%parallel_loop3A_1407, %parallel_loop3A_1408] {strides = array<i32>} : memref<13x1664xf32, #tpu.memory_space<vmem>>, vector<16xf32>,
          tpu.vector_store %arg23[%parallel_loop3A_1407, %parallel_loop3A_1408], %parallel_loop3A_1405 {strides = array<i32>} : memref<13x1664xf32, #tpu.memory_space<vmem>>, vector<16xf32>,
          %parallel_loop3A_1410 = tpu.vector_load_idx %arg15[%parallel_loop3A_1369] : memref<64xf32, #tpu.memory_space<vmem>>[vector<16xi32>], vector<16xf32>,
          %parallel_loop3A_1411 = arith.constant 8 : i32
          %parallel_loop3A_1412 = arith.index_cast %parallel_loop3A_1411 : i32 to index
          %parallel_loop3A_1413 = arith.index_cast %parallel_loop3A_1361 : i32 to index
          %parallel_loop3A_1414 = tpu.vector_load %arg23[%parallel_loop3A_1412, %parallel_loop3A_1413] {strides = array<i32>} : memref<13x1664xf32, #tpu.memory_space<vmem>>, vector<16xf32>,
          tpu.vector_store %arg23[%parallel_loop3A_1412, %parallel_loop3A_1413], %parallel_loop3A_1410 {strides = array<i32>} : memref<13x1664xf32, #tpu.memory_space<vmem>>, vector<16xf32>,
          %parallel_loop3A_1415 = tpu.vector_load_idx %arg16[%parallel_loop3A_1369] : memref<64xf32, #tpu.memory_space<vmem>>[vector<16xi32>], vector<16xf32>,
          %parallel_loop3A_1416 = arith.constant 9 : i32
          %parallel_loop3A_1417 = arith.index_cast %parallel_loop3A_1416 : i32 to index
          %parallel_loop3A_1418 = arith.index_cast %parallel_loop3A_1361 : i32 to index
          %parallel_loop3A_1419 = tpu.vector_load %arg23[%parallel_loop3A_1417, %parallel_loop3A_1418] {strides = array<i32>} : memref<13x1664xf32, #tpu.memory_space<vmem>>, vector<16xf32>,
          tpu.vector_store %arg23[%parallel_loop3A_1417, %parallel_loop3A_1418], %parallel_loop3A_1415 {strides = array<i32>} : memref<13x1664xf32, #tpu.memory_space<vmem>>, vector<16xf32>,
          %parallel_loop3A_1420 = tpu.vector_load_idx %arg17[%parallel_loop3A_1369] : memref<64xf32, #tpu.memory_space<vmem>>[vector<16xi32>], vector<16xf32>,
          %parallel_loop3A_1421 = arith.constant 10 : i32
          %parallel_loop3A_1422 = arith.index_cast %parallel_loop3A_1421 : i32 to index
          %parallel_loop3A_1423 = arith.index_cast %parallel_loop3A_1361 : i32 to index
          %parallel_loop3A_1424 = tpu.vector_load %arg23[%parallel_loop3A_1422, %parallel_loop3A_1423] {strides = array<i32>} : memref<13x1664xf32, #tpu.memory_space<vmem>>, vector<16xf32>,
          tpu.vector_store %arg23[%parallel_loop3A_1422, %parallel_loop3A_1423], %parallel_loop3A_1420 {strides = array<i32>} : memref<13x1664xf32, #tpu.memory_space<vmem>>, vector<16xf32>,
          %parallel_loop3A_1425 = tpu.vector_load_idx %arg18[%parallel_loop3A_1369] : memref<64xf32, #tpu.memory_space<vmem>>[vector<16xi32>], vector<16xf32>,
          %parallel_loop3A_1426 = arith.constant 11 : i32
          %parallel_loop3A_1427 = arith.index_cast %parallel_loop3A_1426 : i32 to index
          %parallel_loop3A_1428 = arith.index_cast %parallel_loop3A_1361 : i32 to index
          %parallel_loop3A_1429 = tpu.vector_load %arg23[%parallel_loop3A_1427, %parallel_loop3A_1428] {strides = array<i32>} : memref<13x1664xf32, #tpu.memory_space<vmem>>, vector<16xf32>,
          tpu.vector_store %arg23[%parallel_loop3A_1427, %parallel_loop3A_1428], %parallel_loop3A_1425 {strides = array<i32>} : memref<13x1664xf32, #tpu.memory_space<vmem>>, vector<16xf32>,
          %parallel_loop3A_1430 = tpu.vector_load_idx %arg19[%parallel_loop3A_1369] : memref<64xf32, #tpu.memory_space<vmem>>[vector<16xi32>], vector<16xf32>,
          %parallel_loop3A_1431 = arith.constant 12 : i32
          %parallel_loop3A_1432 = arith.index_cast %parallel_loop3A_1431 : i32 to index
          %parallel_loop3A_1433 = arith.index_cast %parallel_loop3A_1361 : i32 to index
          %parallel_loop3A_1434 = tpu.vector_load %arg23[%parallel_loop3A_1432, %parallel_loop3A_1433] {strides = array<i32>} : memref<13x1664xf32, #tpu.memory_space<vmem>>, vector<16xf32>,
          tpu.vector_store %arg23[%parallel_loop3A_1432, %parallel_loop3A_1433], %parallel_loop3A_1430 {strides = array<i32>} : memref<13x1664xf32, #tpu.memory_space<vmem>>, vector<16xf32>,
        } {sc.loop_unroll_factor = 4 : i64, sc.parallel_access}
        %mul3A_1344 = arith.constant 1664 : i32
        %mul3A_1345 = arith.muli %add3A_1329, %mul3A_1344 : i32
        %dma_start3A = arith.constant 0 : i32
        %dma_start3A_1346 = tpu.memref_slice %arg4[%dma_start3A, %mul3A_1345] : memref<13x1000000xf32, #tpu.memory_space<hbm>> -> memref<13x1664xf32, #tpu.memory_space<hbm>>
        %dma_start3A_1347 = arith.constant 0 : i32
        %dma_start3A_1348 = tpu.memref_slice %arg4[%dma_start3A_1347, %mul3A_1345] : memref<13x1000000xf32, #tpu.memory_space<hbm>> -> memref<13x1664xf32, #tpu.memory_space<hbm>>
        tpu.enqueue_dma source(%arg23 : memref<13x1664xf32, #tpu.memory_space<vmem>>) target(%dma_start3A_1348 : memref<13x1664xf32, #tpu.memory_space<hbm>>) target_semaphore(%arg27 : memref<!tpu.dma_semaphore, #tpu.memory_space<semaphore_mem>>)
        %add3A_1349 = arith.constant 2 : i32
        %add3A_1350 = arith.addi %add3A_1326, %add3A_1349 : i32
        %mul3A_1351 = arith.constant 32 : i32
        %mul3A_1352 = arith.muli %add3A_1350, %mul3A_1351 : i32
        %add3A_1353 = arith.addi %add3A, %mul3A_1352 : i32
        %lt3A_1354 = arith.constant 601 : i32
        %lt3A_1355 = arith.cmpi slt, %add3A_1353, %lt3A_1354 : i32
        %convert_element_type3A_1356 = arith.extui %lt3A_1355 : i1 to i32
        %cond3A_1357 = arith.constant 0 : i32
        %cond3A_1358 = arith.cmpi ne, %convert_element_type3A_1356, %cond3A_1357 : i32
        scf.if %cond3A_1358 {
          %mul3A_1359 = arith.constant 1664 : i32
          %mul3A_1360 = arith.muli %add3A_1353, %mul3A_1359 : i32
          %dma_start3A_1361 = tpu.memref_slice %arg2[%mul3A_1360] : memref<1000000xi32, #tpu.memory_space<hbm>> -> memref<1664xi32, #tpu.memory_space<hbm>>
          %dma_start3A_1362 = tpu.memref_slice %arg2[%mul3A_1360] : memref<1000000xi32, #tpu.memory_space<hbm>> -> memref<1664xi32, #tpu.memory_space<hbm>>
          tpu.enqueue_dma source(%dma_start3A_1362 : memref<1664xi32, #tpu.memory_space<hbm>>) target(%arg21 : memref<1664xi32, #tpu.memory_space<vmem>>) target_semaphore(%arg25 : memref<!tpu.dma_semaphore, #tpu.memory_space<semaphore_mem>>)
        } else {
        }
      } else {
      }
    }
    %scan3A_1295 = arith.constant 10 : i32
    %add3A_1296 = arith.constant 0 : i32
    %add3A_1297 = arith.addi %add3A, %add3A_1296 : i32
    %lt3A_1298 = arith.constant 601 : i32
    %lt3A_1299 = arith.cmpi slt, %add3A_1297, %lt3A_1298 : i32
    %convert_element_type3A_1300 = arith.extui %lt3A_1299 : i1 to i32
    %cond3A_1301 = arith.constant 0 : i32
    %cond3A_1302 = arith.cmpi ne, %convert_element_type3A_1300, %cond3A_1301 : i32
    scf.if %cond3A_1302 {
      %dma_wait3A = arith.constant 0 : i32
      %dma_wait3A_1310 = arith.constant 0 : i32
      %dma_wait3A_1311 = tpu.memref_slice %arg4[%dma_wait3A, %dma_wait3A_1310] : memref<13x1000000xf32, #tpu.memory_space<hbm>> -> memref<13x1664xf32, #tpu.memory_space<hbm>>
      %dma_wait3A_1312 = arith.constant 0 : i32
      %dma_wait3A_1313 = arith.constant 0 : i32
      %dma_wait3A_1314 = tpu.memref_slice %arg4[%dma_wait3A_1312, %dma_wait3A_1313] : memref<13x1000000xf32, #tpu.memory_space<hbm>> -> memref<13x1664xf32, #tpu.memory_space<hbm>>
      tpu.wait_dma2 semaphore(%arg26 : memref<!tpu.dma_semaphore, #tpu.memory_space<semaphore_mem>>) src(%arg22 : memref<13x1664xf32, #tpu.memory_space<vmem>>) dst(%dma_wait3A_1314 : memref<13x1664xf32, #tpu.memory_space<hbm>>)
    } else {
    }
    %add3A_1303 = arith.constant 32 : i32
    %add3A_1304 = arith.addi %add3A, %add3A_1303 : i32
    %lt3A_1305 = arith.constant 601 : i32
    %lt3A_1306 = arith.cmpi slt, %add3A_1304, %lt3A_1305 : i32
    %convert_element_type3A_1307 = arith.extui %lt3A_1306 : i1 to i32
    %cond3A_1308 = arith.constant 0 : i32
    %cond3A_1309 = arith.cmpi ne, %convert_element_type3A_1307, %cond3A_1308 : i32
    scf.if %cond3A_1309 {
      %dma_wait3A = arith.constant 0 : i32
      %dma_wait3A_1310 = arith.constant 0 : i32
      %dma_wait3A_1311 = tpu.memref_slice %arg4[%dma_wait3A, %dma_wait3A_1310] : memref<13x1000000xf32, #tpu.memory_space<hbm>> -> memref<13x1664xf32, #tpu.memory_space<hbm>>
      %dma_wait3A_1312 = arith.constant 0 : i32
      %dma_wait3A_1313 = arith.constant 0 : i32
      %dma_wait3A_1314 = tpu.memref_slice %arg4[%dma_wait3A_1312, %dma_wait3A_1313] : memref<13x1000000xf32, #tpu.memory_space<hbm>> -> memref<13x1664xf32, #tpu.memory_space<hbm>>
      tpu.wait_dma2 semaphore(%arg27 : memref<!tpu.dma_semaphore, #tpu.memory_space<semaphore_mem>>) src(%arg23 : memref<13x1664xf32, #tpu.memory_space<vmem>>) dst(%dma_wait3A_1314 : memref<13x1664xf32, #tpu.memory_space<hbm>>)
    } else {
    }
    return
  }
}

</mosaic_0001>

<sc_bundles>
// kernel: kernel.3.cloned.1.call-start
scs
__scs_entry_jumppad:
0x0: {  	(pc) =	sbr.rel $0x88, $3  }
0x1: {  	(tag) =	ssettag $0x0;
	lr =	simm.s32 $0x1  }
0x2: {  	[smem:$0x3F9F] =	sst lr;
	_ =	strace $0xD0000000  }
0x3: {  	_ = 	snop  }
0x4: {  	_ = 	snop  }
0x5: {  	_ = 	snop  }
0x6: {  	_ = 	snop  }
0x7: {  	_ = 	snop  }
__scs_overlays_trampoline_lowered:
0x8: {  	[smem:$0x3FAE] =	sst s0  }
0x9: {  	[smem:$0x3FAF] =	sst s1  }
0xa: {  	[smem:$0x3FB0] =	sst s2  }
0xb: {  	[smem:$0x3FB1] =	sst s3  }
0xc: {  	[smem:$0x3FB2] =	sst s4  }
0xd: {  	[smem:$0x3FB3] =	sst s5  }
0xe: {  	[smem:$0x3FB4] =	sst s6  }
0xf: {  	[smem:$0x3FB5] =	sst s7  }
0x10: {  	[smem:$0x3FB6] =	sst s8  }
0x11: {  	[smem:$0x3FB7] =	sst s9;
	s0 =	simm.s32 @!p0 $0x0  }
0x12: {  	s1 =	sld [smem:$0x3F9D];
	s0 =	simm.s32 @p0 $0x1  }
0x13: {  	[smem:$0x3FB8] =	sst s0;
	s0 =	simm.s32 @!p1 $0x0  }
0x14: {  	s2 =	sld [smem:$0x3F9C];
	s0 =	simm.s32 @p1 $0x1  }
0x15: {  	[smem:$0x3FB9] =	sst s0;
	s0 =	simm.s32 @!p2 $0x0  }
0x16: {  	s3 =	sld [smem:$0x3FDB];
	s0 =	simm.s32 @p2 $0x1  }
0x17: {  	s4 =	simm.s32 $0x1BF5;
	[smem:$0x3FBB] =	sst s0  }
0x18: {  	s0 =	sld [smem:$0x3F9E];
	_ =	swait.ge [sflag:s4], $0x0  }
0x19: {  	s7 =	sld [smem:$0x3F9F]  }
0x1a: {  	s8 =	sadd.s32 $0xFFFFE003, lr  }
0x1b: {  	s9 =	sadd.s32 $0xFFFFFEF7, lr;
	s5 =	simm.s32 $0xFFFFFFFF;
	p2 =	slt.u32 s8, $0xFFFFF086  }
0x1c: {  	p1 =	slt.u32 s9, $0xF7A;
	s5 =	simm.s32 @!p2 $0x0  }
0x1d: {  	s5 =	simm.s32 @p1 $0x1;
	p0 =	seq.s32 s7, s2  }
0x1e: {  	s7 =	smul.u32 @!p0 $0xF7A, s2;
	p2 =	seq.s32 @!p0 s5, $0x0  }
0x1f: {  	s9 =	smul.u32 $0xF7A, s1;
	s8 =	simm.s32 @!p0 $0x1BF5;
	p2 =	por !p2, p0  }
0x20: {  	[sflag:s8] =	ssyncset.s32 @!p0 $0xFFFFF086;
	s6 =	sadd.s32 @!p0 s3, s7;
	s7 =	simm.s32 @!p0 $0x108  }
0x21: {  	s3 =	sadd.s32 s3, s9;
	s6 =	sadd.s32 @!p0 $0x88, s6;
	s7 =	simm.s32 @p2 $0x1082  }
0x22: {  	[simem:s7], [sflag:s8] =	dma.local @!p0 [hbm:s6], $0xF7A  }
0x23: {  	s9 =	sor.u32 $0xD0000000, s2;
	s6 =	simm.s32 $0x108;
	_ =	swait.ge @!p0 [sflag:s8], $0x0  }
0x24: {  	s3 =	sadd.s32 $0x88, s3;
	s6 =	simm.s32 @!p1 $0x1082;
	[sflag:s4] =	ssyncset.s32 $0xFFFFF086  }
0x25: {  	[simem:s6], [sflag:s4] =	dma.local [hbm:s3], $0xF7A  }
0x26: {  	[smem:$0x3F9F] =	sst s1;
	(tag) =	ssettag s2;
	_ =	strace s9  }
0x27: {  	s1 =	sld [smem:$0x3FAF]  }
0x28: {  	s2 =	sld [smem:$0x3FB0]  }
0x29: {  	s4 =	sld [smem:$0x3FB2]  }
0x2a: {  	p0 =	seq.s32 s5, $0x0;
	s5 =	sld [smem:$0x3FB3]  }
0x2b: {  	s6 =	sld [smem:$0x3FB4]  }
0x2c: {  	s7 =	sld [smem:$0x3FB5]  }
0x2d: {  	s3 =	simm.s32 $0x108;
	s8 =	sld [smem:$0x3FB6]  }
0x2e: {  	s3 =	simm.s32 @!p0 $0x1082;
	s9 =	sld [smem:$0x3FB7]  }
0x2f: {  	lr =	sadd.s32 s0, s3;
	s0 =	sld [smem:$0x3FAE]  }
0x30: {  	s3 =	sld [smem:$0x3FB1]  }
0x31: {  	[smem:$0x3FBA] =	sst s10  }
0x32: {  	s10 =	sld [smem:$0x3FB8];
	_ =	sdelay $0x3  }
0x33: {  	p0 =	seq.s32 s10, $0x1;
	s10 =	sld [smem:$0x3FBA];
	_ =	sdelay $0x3  }
0x34: {  	[smem:$0x3FBA] =	sst s10  }
0x35: {  	s10 =	sld [smem:$0x3FB9];
	_ =	sdelay $0x3  }
0x36: {  	p1 =	seq.s32 s10, $0x1;
	s10 =	sld [smem:$0x3FBA];
	_ =	sdelay $0x3  }
0x37: {  	[smem:$0x3FBA] =	sst s10  }
0x38: {  	s10 =	sld [smem:$0x3FBB]  }
0x39: {  	_ = 	snop;
	(pc) =	sbr.ind lr, $3  }
0x3a: {  	_ = 	snop  }
0x3b: {  	_ = 	snop  }
0x3c: {  	p2 =	seq.s32 s10, $0x1;
	s10 =	sld [smem:$0x3FBA]  }
0x3d: {  	_ =	shalt  }
0x3e: {  	_ =	shalt  }
0x3f: {  	_ =	shalt  }
0x40: {  	_ =	shalt  }
0x41: {  	_ =	shalt  }
0x42: {  	_ =	shalt  }
0x43: {  	_ =	shalt  }
0x44: {  	_ =	shalt  }
0x45: {  	_ =	shalt  }
0x46: {  	_ =	shalt  }
0x47: {  	_ =	shalt  }
0x48: {  	_ =	shalt  }
0x49: {  	_ =	shalt  }
0x4a: {  	_ =	shalt  }
0x4b: {  	_ =	shalt  }
0x4c: {  	_ =	shalt  }
0x4d: {  	_ =	shalt  }
0x4e: {  	_ =	shalt  }
0x4f: {  	_ =	shalt  }
0x50: {  	_ =	shalt  }
0x51: {  	_ =	shalt  }
0x52: {  	_ =	shalt  }
0x53: {  	_ =	shalt  }
0x54: {  	_ =	shalt  }
0x55: {  	_ =	shalt  }
0x56: {  	_ =	shalt  }
0x57: {  	_ =	shalt  }
0x58: {  	_ =	shalt  }
0x59: {  	_ =	shalt  }
0x5a: {  	_ =	shalt  }
0x5b: {  	_ =	shalt  }
0x5c: {  	_ =	shalt  }
0x5d: {  	_ =	shalt  }
0x5e: {  	_ =	shalt  }
0x5f: {  	_ =	shalt  }
0x60: {  	_ =	shalt  }
0x61: {  	_ =	shalt  }
0x62: {  	_ =	shalt  }
0x63: {  	_ =	shalt  }
0x64: {  	_ =	shalt  }
0x65: {  	_ =	shalt  }
0x66: {  	_ =	shalt  }
0x67: {  	_ =	shalt  }
0x68: {  	_ =	shalt  }
0x69: {  	_ =	shalt  }
0x6a: {  	_ =	shalt  }
0x6b: {  	_ =	shalt  }
0x6c: {  	_ =	shalt  }
0x6d: {  	_ =	shalt  }
0x6e: {  	_ =	shalt  }
0x6f: {  	_ =	shalt  }
0x70: {  	_ =	shalt  }
0x71: {  	_ =	shalt  }
0x72: {  	_ =	shalt  }
0x73: {  	_ =	shalt  }
0x74: {  	_ =	shalt  }
0x75: {  	_ =	shalt  }
0x76: {  	_ =	shalt  }
0x77: {  	_ =	shalt  }
0x78: {  	_ =	shalt  }
0x79: {  	_ =	shalt  }
0x7a: {  	_ =	shalt  }
0x7b: {  	_ =	shalt  }
0x7c: {  	_ =	shalt  }
0x7d: {  	_ =	shalt  }
0x7e: {  	_ =	shalt  }
0x7f: {  	_ =	shalt  }
0x80: {  	_ =	shalt  }
0x81: {  	_ =	shalt  }
0x82: {  	_ =	shalt  }
0x83: {  	_ =	shalt  }
0x84: {  	_ =	shalt  }
0x85: {  	_ =	shalt  }
0x86: {  	_ =	shalt  }
0x87: {  	_ =	shalt  }
.Lfunc_end0:
.L_simem_size_0:
called_computation_lowered:
.L_overlay_start_0:
0x88: {  	s2 =	sld [smem:$0x3FD9]  }
0x89: {  	s3 =	sld [smem:$0x3FFE];
	_ =	sdelay $0x1  }
0x8a: {  	s1 =	srdreg.scid  }
0x8b: {  	s0 =	sand.u32 $0x1, s1  }
0x8c: {  	s18 =	sshll.u32 s0, $0xA;
	s2 =	sadd.s32 s3, s2  }
0x8d: {  	s2 =	sadd.s32 s2, s18  }
0x8e: {  	[smem:$0x3FC6] =	sst s2  }
0x8f: {  	_ = 	snop  }
0x90: {  	s2 =	sld [smem:$0x3FC9]  }
0x91: {  	s19 =	sld [smem:$0x3FC8]  }
0x92: {  	s4 =	sld [smem:$0x3FD0];
	(tm) =	ssettm $0x1  }
0x93: {  	s5 =	sld [smem:$0x3FFB];
	_ =	sdelay $0x3  }
0x94: {  	_ =	strace s5  }
0x95: {  	s5 =	sld [smem:$0x3FFC];
	_ =	sdelay $0x3  }
0x96: {  	_ =	strace s5  }
0x97: {  	s5 =	sld [smem:$0x3FFD];
	_ =	sdelay $0x3  }
0x98: {  	_ =	strace s5  }
0x99: {  	_ =	strace $0x8FFFFFFF  }
0x9a: {  	s20 =	sld [smem:$0x3FDB];
	_ =	sdelay $0x1  }
0x9b: {  	s6 =	simm.s32 $_scs_section_size  }
0x9c: {  	s7 =	simm.s32 $_size__tile_overlayer_lowered;
	s8 =	simm.s32 $_tile_overlayer_lowered  }
0x9d: {  	s23 =	simm.s32 $0x1BFF;
	s22 =	sshll.u32 s8, $0x1;
	s5 =	sadd.s32 s6, s20  }
0x9e: {  	s9 =	simm.s32 $0x0;
	s21 =	sshll.u32 s7, $0x1;
	s7 =	sadd.s32 s22, s5  }
0x9f: {  	[timem:s9], [sflag:s23] =	dma.local [hbm:s7], s21  }
0xa0: {  	_ =	swait.ge [sflag:s23], s21  }
0xa1: {  	s6 =	ssub.s32 $0x0, s21;
	[sflag:s23] =	ssyncset.done $0x0  }
0xa2: {  	[sflag:s23] =	ssyncadd.s32 s6;
	_ =	sdelay $0x1  }
0xa3: {  	s24 =	simm.s32 $0x1B8B  }
0xa4: {  	_ =	swait.ge [sflag:s24], $0x1  }
0xa5: {  	[sflag:s24] =	ssyncset.done $0x0  }
0xa6: {  	s25 =	simm.s32 $0x1B8E;
	[sflag:s24] =	ssyncadd.s32 $0xFFFFFFFF  }
0xa7: {  	s26 =	simm.s32 $execute0_lowered;
	[smem:$0x3FD2] =	sst s25  }
0xa8: {  	s6 =	sshll.u32 s26, $0x1;
	_ =	strace $0x80000046;
	[dreg:$0x1] =	wrdreg $0xFFFFFFFF  }
0xa9: {  	s28 =	simm.s32 $_size_execute0_lowered;
	s5 =	sadd.s32 s5, s6;
	[dreg:$0x0] =	wrdreg $0x0  }
0xaa: {  	s6 =	sshll.u32 s28, $0x1;
	[dreg:$0x2] =	wrdreg s5  }
0xab: {  	[dreg:$0x3] =	wrdreg s6  }
0xac: {  	[dreg:$0x4] =	wrdreg $0xC0  }
0xad: {  	_ =	task [dreg:s9], $0x5FFFF  }
0xae: {  	[dreg:$0x1] =	wrdreg $0xFFFFFFFF  }
0xaf: {  	[dreg:$0x0] =	wrdreg $0x60  }
0xb0: {  	[dreg:$0x2] =	wrdreg s2  }
0xb1: {  	[dreg:$0x3] =	wrdreg s19  }
0xb2: {  	[dreg:$0x4] =	wrdreg s4  }
0xb3: {  	[dreg:$0x5] =	wrdreg $0x9  }
0xb4: {  	_ =	task.clear_ibuf [dreg:s9], $0x6FFFF;
	_ =	strace $0x90000046  }
0xb5: {  	s29 =	simm.s32 $0x9;
	_ =	strace $0x80000048  }
0xb6: {  	_ =	swait.ge [sflag:s29], $0x1  }
0xb7: {  	[sflag:s29] =	ssyncadd.s32 $0xFFFFFFFF  }
0xb8: {  	_ =	strace $0x90000048  }
0xb9: {  	_ =	sfence  }
0xba: {  	s30 =	sld [smem:$0x0];
	_ =	sdelay $0x2  }
0xbb: {  	s31 =	sshll.u32 s1, $0xD;
	s1 =	sshrl.u32 s1, $0x2  }
0xbc: {  	s3 =	sand.u32 $0x4000, s31;
	s1 =	sadd.s32 s1, s30  }
0xbd: {  	s0 =	sor.u32 s3, s0;
	s1 =	sshll.u32 s1, $0x11  }
0xbe: {  	s0 =	sor.u32 s1, s0  }
0xbf: {  	s0 =	sadd.s32 $0x8F2B, s0  }
0xc0: {  	[sflag:s0] =	ssyncadd.remote.s32 $0x1  }
0xc1: {  	_ =	sfence.sel $0xFFFF  }
0xc2: {  	[dreg:$0x0] =	wrdreg $0xFFFFFFFF;
	(pc) =	sbr.abs _section_cstart, $3  }
0xc3: {  	[dreg:$0x1] =	wrdreg $0xFFFFFFFF  }
0xc4: {  	_ =	task.clear_ibuf [dreg:s9], $0x2FFFF;
	_ =	strace $0x9FFFFFFF  }
0xc5: {  	(tm) =	ssettm $0x7FFFFFFF  }
tec
execute0_lowered:
.L_overlay_start_1:
0x0: {  	(tag) =	ssettag $0x1  }
0x1: {  	v0 =	vimm.s32 $0x40000000;
	v1 =	vimm.s32 $0x8;
	v2 =	vlaneseq.u32  }
0x2: {  	v3 =	vimm.s32 $0x9;
	v4 =	vimm.s32 $0xA;
	v5 =	vimm.s32 $0xB  }
0x3: {  	v6 =	vimm.s32 $0xC;
	v7 =	vimm.s32 $0xD;
	v8 =	vimm.s32 $0xE  }
0x4: {  	v9 =	vimm.s32 $0xF;
	v10 =	vimm.s32 $0x10;
	v11 =	vimm.s32 $0x11  }
0x5: {  	v12 =	vimm.s32 $0x12;
	v13 =	vimm.s32 $0x13;
	v14 =	vimm.s32 $0x14  }
0x6: {  	v15 =	vimm.f32 $-1.500000000e+01;
	vm14 =	vcmask $0x300;
	v16 =	vimm.f32 $1.500000000e+01  }
0x7: {  	vm13 =	vcmask $0x704;
	vm12 =	vcmask $0xB08;
	vm11 =	vcmask $0xF0C  }
0x8: {  	vm10 =	vcmask $0x1310;
	vm9 =	vcmask $0x1714;
	vm7 =	vcmask $0x1B18  }
0x9: {  	vm8 =	vcmask $0x1F1C;
	vm6 =	vcmask $0x2320;
	vm5 =	vcmask $0x2724  }
0xa: {  	vm4 =	vcmask $0x2B28;
	vm3 =	vcmask $0x2F2C;
	vm2 =	vcmask $0x3330  }
0xb: {  	vm1 =	vcmask $0x3734;
	vm0 =	vcmask $0x3B38;
	v18 =	vimm.f32 $-3.100000000e+01  }
0xc: {  	v19 =	vimm.f32 $3.100000000e+01;
	v20 =	vimm.f32 $-4.700000000e+01;
	v22 =	vimm.f32 $4.700000000e+01  }
0xd: {  	v23 =	vimm.f32 $-6.300000000e+01;
	v24 =	vimm.f32 $6.300000000e+01;
	v15 =	vsel vm14, $0x80000000, v15  }
0xe: {  	v16 =	vsel vm14, $0x0, v16;
	v17 =	vor.u32 $0x10, v2;
	v18 =	vsel vm14, $0xC1800000, v18  }
0xf: {  	v19 =	vsel vm14, $0x41800000, v19;
	v20 =	vsel vm14, $0xC2000000, v20;
	v22 =	vsel vm14, $0x42000000, v22  }
0x10: {  	v23 =	vsel vm14, $0xC2400000, v23;
	v24 =	vsel vm14, $0x42400000, v24;
	v15 =	vsel vm13, $0xBF800000, v15  }
0x11: {  	v16 =	vsel vm13, $0x3F800000, v16;
	v18 =	vsel vm13, $0xC1880000, v18;
	v19 =	vsel vm13, $0x41880000, v19  }
0x12: {  	v20 =	vsel vm13, $0xC2040000, v20;
	v22 =	vsel vm13, $0x42040000, v22;
	v23 =	vsel vm13, $0xC2440000, v23  }
0x13: {  	v24 =	vsel vm13, $0x42440000, v24;
	v15 =	vsel vm12, $0xC0000000, v15;
	v16 =	vsel vm12, $0x40000000, v16  }
0x14: {  	v18 =	vsel vm12, $0xC1900000, v18;
	v19 =	vsel vm12, $0x41900000, v19;
	v20 =	vsel vm12, $0xC2080000, v20  }
0x15: {  	v22 =	vsel vm12, $0x42080000, v22;
	v23 =	vsel vm12, $0xC2480000, v23;
	v24 =	vsel vm12, $0x42480000, v24  }
0x16: {  	v15 =	vsel vm11, $0xC0400000, v15;
	v16 =	vsel vm11, $0x40400000, v16;
	v18 =	vsel vm11, $0xC1980000, v18  }
0x17: {  	v19 =	vsel vm11, $0x41980000, v19;
	v20 =	vsel vm11, $0xC20C0000, v20;
	v22 =	vsel vm11, $0x420C0000, v22  }
0x18: {  	v23 =	vsel vm11, $0xC24C0000, v23;
	v24 =	vsel vm11, $0x424C0000, v24;
	v15 =	vsel vm10, $0xC0800000, v15  }
0x19: {  	v16 =	vsel vm10, $0x40800000, v16;
	v18 =	vsel vm10, $0xC1A00000, v18;
	v19 =	vsel vm10, $0x41A00000, v19  }
0x1a: {  	v20 =	vsel vm10, $0xC2100000, v20;
	v22 =	vsel vm10, $0x42100000, v22;
	v23 =	vsel vm10, $0xC2500000, v23  }
0x1b: {  	v24 =	vsel vm10, $0x42500000, v24;
	v15 =	vsel vm9, $0xC0A00000, v15;
	v16 =	vsel vm9, $0x40A00000, v16  }
0x1c: {  	v18 =	vsel vm9, $0xC1A80000, v18;
	v19 =	vsel vm9, $0x41A80000, v19;
	v20 =	vsel vm9, $0xC2140000, v20  }
0x1d: {  	v22 =	vsel vm9, $0x42140000, v22;
	v23 =	vsel vm9, $0xC2540000, v23;
	v24 =	vsel vm9, $0x42540000, v24  }
0x1e: {  	v15 =	vsel vm7, $0xC0C00000, v15;
	v16 =	vsel vm7, $0x40C00000, v16;
	v18 =	vsel vm7, $0xC1B00000, v18  }
0x1f: {  	v19 =	vsel vm7, $0x41B00000, v19;
	v20 =	vsel vm7, $0xC2180000, v20;
	v22 =	vsel vm7, $0x42180000, v22  }
0x20: {  	v23 =	vsel vm7, $0xC2580000, v23;
	v24 =	vsel vm7, $0x42580000, v24;
	v15 =	vsel vm8, $0xC0E00000, v15  }
0x21: {  	v16 =	vsel vm8, $0x40E00000, v16;
	v18 =	vsel vm8, $0xC1B80000, v18;
	v19 =	vsel vm8, $0x41B80000, v19  }
0x22: {  	v20 =	vsel vm8, $0xC21C0000, v20;
	v22 =	vsel vm8, $0x421C0000, v22;
	v23 =	vsel vm8, $0xC25C0000, v23  }
0x23: {  	v24 =	vsel vm8, $0x425C0000, v24;
	v15 =	vsel vm6, $0xC1000000, v15;
	v16 =	vsel vm6, $0x41000000, v16  }
0x24: {  	v18 =	vsel vm6, $0xC1C00000, v18;
	v19 =	vsel vm6, $0x41C00000, v19;
	v20 =	vsel vm6, $0xC2200000, v20  }
0x25: {  	v22 =	vsel vm6, $0x42200000, v22;
	v23 =	vsel vm6, $0xC2600000, v23;
	v24 =	vsel vm6, $0x42600000, v24  }
0x26: {  	v15 =	vsel vm5, $0xC1100000, v15;
	v16 =	vsel vm5, $0x41100000, v16;
	v18 =	vsel vm5, $0xC1C80000, v18  }
0x27: {  	v19 =	vsel vm5, $0x41C80000, v19;
	v20 =	vsel vm5, $0xC2240000, v20;
	v22 =	vsel vm5, $0x42240000, v22  }
0x28: {  	v23 =	vsel vm5, $0xC2640000, v23;
	v24 =	vsel vm5, $0x42640000, v24;
	v15 =	vsel vm4, $0xC1200000, v15  }
0x29: {  	s4 =	rddreg [dreg:$0x0];
	v16 =	vsel vm4, $0x41200000, v16;
	v18 =	vsel vm4, $0xC1D00000, v18;
	v19 =	vsel vm4, $0x41D00000, v19  }
0x2a: {  	s0 =	srdreg.scid;
	s1 =	stileid.u32;
	v20 =	vsel vm4, $0xC2280000, v20;
	v22 =	vsel vm4, $0x42280000, v22;
	v23 =	vsel vm4, $0xC2680000, v23  }
0x2b: {  	s2 =	simm.s32 $0x0;
	s15 =	simm.s32 $0x300;
	s13 =	simm.s32 $0x380;
	v24 =	vsel vm4, $0x42680000, v24;
	v15 =	vsel vm3, $0xC1300000, v15;
	v16 =	vsel vm3, $0x41300000, v16  }
0x2c: {  	s17 =	simm.s32 $0x400;
	s18 =	simm.s32 $0x480;
	s19 =	simm.s32 $0x500;
	v18 =	vsel vm3, $0xC1D80000, v18;
	v19 =	vsel vm3, $0x41D80000, v19;
	v20 =	vsel vm3, $0xC22C0000, v20  }
0x2d: {  	s20 =	simm.s32 $0x580;
	s0 =	sand.u32 $0x1, s0;
	s1 =	sshll.u32 s1, $0x1;
	v22 =	vsel vm3, $0x422C0000, v22;
	v23 =	vsel vm3, $0xC26C0000, v23;
	v24 =	vsel vm3, $0x426C0000, v24  }
0x2e: {  	s31 =	simm.s32 $0x0;
	[smem:$0x7FF] =	sst s2;
	s5 =	sor.u32 s0, s1;
	v15 =	vsel vm2, $0xC1400000, v15;
	v16 =	vsel vm2, $0x41400000, v16;
	v18 =	vsel vm2, $0xC1E00000, v18  }
0x2f: {  	s0 =	ssub.s32 $0x2, s0;
	_ =	strace $0x80000047;
	s1 =	smul.u32 $0x680, s5;
	v19 =	vsel vm2, $0x41E00000, v19;
	v20 =	vsel vm2, $0xC2300000, v20;
	v22 =	vsel vm2, $0x42300000, v22  }
0x30: {  	[dreg:$0x12] =	wrdreg s31;
	s26 =	smul.u32 $0xD0, s5;
	s3 =	sshrl.u32 s0, $0x1;
	v26 =	vsel vm2, $0xC2700000, v23;
	v24 =	vsel vm2, $0x42700000, v24;
	v15 =	vsel vm1, $0xC1500000, v15  }
0x31: {  	s29 =	sor.u32 $0x40, s5;
	[dreg:$0xc] =	wrdreg s5;
	s30 =	sor.u32 $0x60, s5;
	v16 =	vsel vm1, $0x41500000, v16;
	v18 =	vsel vm1, $0xC1E80000, v18;
	v19 =	vsel vm1, $0x41E80000, v19  }
.Ltmp0:
0x32: {  	s0 =	ssub.s32 s0, s3;
	[dreg:$0xf] =	wrdreg s29;
	v21 =	vsel vm1, $0xC2340000, v20;
	v20 =	vor.u32 $0x20, v2;
	v25 =	vsel vm1, $0x42340000, v22;
	(pc) =	sbr.rel .LBB2_1-.Ltmp0, $4  }
0x33: {  	[dreg:$0x10] =	wrdreg s30;
	s1 =	sshrl.u32 s1, $0x3;
	s2 =	sadd.s32 s4, s26;
	v22 =	vimm.s32 $0x0;
	v15 =	vsel vm0, $0xC1600000, v15;
	v16 =	vsel vm0, $0x41600000, v16  }
0x34: {  	s0 =	smax.u32 s0, $0x1;
	s1 =	sadd.s32 s4, s1;
	[dreg:$0xd] =	wrdreg s2;
	v18 =	vsel vm0, $0xC1F00000, v18;
	v19 =	vsel vm0, $0x41F00000, v19;
	v21 =	vsel vm0, $0xC2380000, v21  }
0x35: {  	s28 =	simm.s32 $0x600;
	[dreg:$0x11] =	wrdreg s0;
	s1 =	sadd.s32 $0x1A00, s1;
	v23 =	vsel vm0, $0x42380000, v25;
	v25 =	vsel vm1, $0xC2740000, v26;
	v26 =	vsel vm1, $0x42740000, v24  }
0x36: {  	s21 =	simm.s32 $0x680;
	s22 =	simm.s32 $0x700;
	[dreg:$0xe] =	wrdreg s1;
	v24 =	vor.u32 $0x30, v2;
	v25 =	vsel vm0, $0xC2780000, v25;
	v26 =	vsel vm0, $0x42780000, v26  }
.LBB2_11:
0x37: {  	s0 =	simm.s32 $0x3  }
0x38: {  	_ =	swait.ge [sflag:s0], $0x6800  }
0x39: {  	[sflag:s0] =	ssyncset.done $0x0  }
0x3a: {  	s1 =	simm.s32 $0x4;
	[sflag:s0] =	ssyncadd.s32 $0xFFFF9800  }
0x3b: {  	_ =	swait.ge [sflag:s1], $0x6800  }
0x3c: {  	s2 =	rddreg [dreg:$0x12]  }
0x3d: {  	s31 =	rddreg [dreg:$0x11];
	s2 =	sadd.s32 $0x1, s2  }
0x3e: {  	p0 =	sne.s32 s2, s31  }
.Ltmp1:
0x3f: {  	_ = 	snop;
	(pc) =	sbr.rel @!p0 .LBB2_12-.Ltmp1, $3  }
0x40: {  	_ =	sdelay $0x1  }
0x41: {  	[sflag:s1] =	ssyncset.done $0x0  }
0x42: {  	[sflag:s1] =	ssyncadd.s32 $0xFFFF9800;
	[dreg:$0x12] =	wrdreg s2  }
.LBB2_1:
0x43: {  	[tilespmem:$0x0] =	vst v0;
	s0 =	rddreg [dreg:$0x1]  }
0x44: {  	[tilespmem:$0x10] =	vst v0;
	s1 =	simm.s32 $0x0;
	s2 =	simm.s32 $0x8;
	s24 =	simm.s32 $0x5  }
0x45: {  	[tilespmem:s2], [sflag:$0x5] =	stream.linear.gather [hbm4b:s0+s1], $0xD, $0x38;
	[tilespmem:$0xE480] =	vst v63  }
0x46: {  	_ =	swait.ge [sflag:s24], $0xD  }
0x47: {  	[sflag:s24] =	ssyncset.done $0x0  }
0x48: {  	[sflag:s24] =	ssyncadd.s32 $0xFFFFFFF3  }
0x49: {  	v27 =	vld [tilespmem:$0x0]  }
0x4a: {  	v28 =	vld [tilespmem:$0x10];
	_ =	sdelay $0x3  }
0x4b: {  	v27 =	vcvt.s32.f32 v27  }
0x4c: {  	v28 =	vcvt.s32.f32 v28  }
0x4d: {  	[tilespmem:$0x80] =	vst v27  }
0x4e: {  	[tilespmem:$0x90] =	vst v28  }
0x4f: {  	v27 =	vld.idx.msk [tilespmem:v1+s1+$0x0], $0xffff  }
0x50: {  	v28 =	vld.idx.msk [tilespmem:v3+s1+$0x0], $0xffff  }
0x51: {  	v29 =	vld.idx.msk [tilespmem:v4+s1+$0x0], $0xffff  }
0x52: {  	v30 =	vld.idx.msk [tilespmem:v5+s1+$0x0], $0xffff  }
0x53: {  	v31 =	vld.idx.msk [tilespmem:v6+s1+$0x0], $0xffff  }
0x54: {  	v32 =	vld.idx.msk [tilespmem:v7+s1+$0x0], $0xffff  }
0x55: {  	vm0 =	vlt.s32 v27, v2;
	vm1 =	vlt.s32 v28, v2;
	v27 =	vld.idx.msk [tilespmem:v8+s1+$0x0], $0xffff  }
0x56: {  	v59 =	vld.idx.msk [tilespmem:v9+s1+$0x0], $0xffff;
	vm14 =	vlt.s32 v29, v2;
	v58 =	vsel vm0, $0x1, v22;
	v33 =	vsel vm1, $0x1, v22  }
0x57: {  	v61 =	vld.idx.msk [tilespmem:v10+s1+$0x0], $0xffff;
	vm15 =	vlt.s32 v30, v2;
	v60 =	vsel vm14, $0x1, v22;
	v28 =	vadd.s32 v58, v33  }
0x58: {  	v63 =	vld.idx.msk [tilespmem:v11+s1+$0x0], $0xffff;
	vm4 =	vlt.s32 v31, v2;
	v62 =	vsel vm15, $0x1, v22;
	v28 =	vadd.s32 v60, v28  }
0x59: {  	v37 =	vld.idx.msk [tilespmem:v12+s1+$0x0], $0xffff;
	vm5 =	vlt.s32 v32, v2;
	v36 =	vsel vm4, $0x1, v22;
	v28 =	vadd.s32 v62, v28  }
0x5a: {  	v38 =	vsel vm5, $0x1, v22;
	v28 =	vadd.s32 v36, v28;
	vm6 =	vlt.s32 v27, v2;
	v27 =	vld.idx.msk [tilespmem:v13+s1+$0x0], $0xffff  }
0x5b: {  	v40 =	vld.idx.msk [tilespmem:v14+s1+$0x0], $0xffff;
	vm7 =	vlt.s32 v59, v2;
	v28 =	vadd.s32 v38, v28;
	v39 =	vsel vm6, $0x1, v22  }
0x5c: {  	vm8 =	vlt.s32 v61, v2;
	v41 =	vsel vm7, $0x1, v22;
	v28 =	vadd.s32 v39, v28  }
0x5d: {  	vm9 =	vlt.s32 v63, v2;
	v30 =	vsel vm8, $0x1, v22;
	v28 =	vadd.s32 v41, v28  }
0x5e: {  	vm10 =	vlt.s32 v37, v2;
	v42 =	vsel vm9, $0x1, v22;
	v28 =	vadd.s32 v30, v28  }
0x5f: {  	v43 =	vsel vm10, $0x1, v22;
	v28 =	vadd.s32 v42, v28;
	vm11 =	vlt.s32 v27, v2  }
0x60: {  	vm12 =	vlt.s32 v40, v2;
	v27 =	vadd.s32 v43, v28;
	v44 =	vsel vm11, $0x1, v22  }
0x61: {  	v45 =	vsel vm12, $0x1, v22;
	v27 =	vadd.s32 v44, v27  }
0x62: {  	v27 =	vadd.s32 v45, v27  }
0x63: {  	v28 =	vmin.u32 v27, $0xC  }
0x64: {  	v46 =	vmax.u32 v28, $0x1;
	v48 =	vadd.s32 $0x8, v28  }
0x65: {  	v47 =	vadd.s32 $0x7, v46;
	_ =	sdelay $0x2  }
0x66: {  	s25 =	simm.s32 $0x80  }
0x67: {  	v49 =	vld.idx.msk [tilespmem:v48+s25+$0x0], $0xffff  }
0x68: {  	v30 =	vld.idx.msk [tilespmem:v47+s25+$0x0], $0xffff;
	_ =	sdelay $0x4  }
0x69: {  	v50 =	vsub.f32 v49, v30;
	_ =	sdelay $0x1  }
0x6a: {  	v33 =	vmax.f32 v50, $1.000000000e+00  }
0x6b: {  	(erf) = vrcp.f32 v33;
	_ =	sdelay $0x2  }
0x6c: {  	v31 =	vld.idx.msk [tilespmem:v48+s1+$0x0], $0xffff;
	_ =	sdelay $0x2  }
0x6d: {  	vm15 =	veq.s32 v27, $0x0  }
0x6e: {  	vm5 =	veq.s32 v27, $0x1;
	vm7 =	veq.s32 v27, $0x2;
	vm9 =	veq.s32 v27, $0x3  }
0x6f: {  	v29 =	vadd.s32 $0xFFFFFFFF, v46;
	v32 =	vadd.f32 v15, v49;
	vm13 =	veq.s32 v31, v2  }
0x70: {  	vm11 =	veq.s32 v27, $0x4;
	v30 =	vsub.f32 v16, v30;
	v28 =	vsel vm13, v28, v29;
	v33 =	vpop (erf)  }
0x71: {  	vm14 =	veq.s32 v28, $0x0;
	vm4 =	veq.s32 v28, $0x1;
	v32 =	vmul.f32 v33, v32  }
0x72: {  	vm6 =	veq.s32 v28, $0x2;
	vm8 =	veq.s32 v28, $0x3;
	v30 =	vmul.f32 v33, v30  }
0x73: {  	vm10 =	veq.s32 v28, $0x4;
	vm12 =	veq.s32 v28, $0x5;
	v51 =	vsel vm13, $0x3F800000, v32  }
0x74: {  	v30 =	vsel vm13, $0x0, v30;
	vm13 =	veq.s32 v27, $0x5;
	v52 =	vnsel vm14, $0x0, v51  }
0x75: {  	v53 =	vnsel vm15, $0x0, v30;
	v54 =	vnsel vm4, $0x0, v51;
	v55 =	vnsel vm5, $0x0, v30  }
0x76: {  	v56 =	vnsel vm6, $0x0, v51;
	v34 =	vnsel vm7, $0x0, v30;
	v57 =	vnsel vm8, $0x0, v51  }
0x77: {  	v35 =	vnsel vm9, $0x0, v30;
	v58 =	vnsel vm10, $0x0, v51;
	v36 =	vnsel vm11, $0x0, v30  }
0x78: {  	v59 =	vnsel vm12, $0x0, v51;
	v37 =	vnsel vm13, $0x0, v30;
	vm14 =	veq.s32 v28, $0x6  }
0x79: {  	vm15 =	veq.s32 v27, $0x6;
	vm4 =	veq.s32 v28, $0x7;
	vm5 =	veq.s32 v27, $0x7  }
0x7a: {  	vm6 =	veq.s32 v28, $0x8;
	vm7 =	veq.s32 v27, $0x8;
	v31 =	vadd.f32 v52, v53  }
0x7b: {  	vm8 =	veq.s32 v28, $0x9;
	vm9 =	veq.s32 v27, $0x9;
	v32 =	vadd.f32 v54, v55  }
0x7c: {  	vm10 =	veq.s32 v28, $0xA;
	vm11 =	veq.s32 v27, $0xA;
	v33 =	vadd.f32 v56, v34;
	[tilespmem:$0x100] =	vst v31  }
0x7d: {  	vm12 =	veq.s32 v28, $0xB;
	vm13 =	veq.s32 v27, $0xB;
	v34 =	vadd.f32 v57, v35;
	[tilespmem:$0x180] =	vst v32  }
0x7e: {  	v35 =	vadd.f32 v58, v36;
	v36 =	vadd.f32 v59, v37;
	v60 =	vnsel vm14, $0x0, v51;
	[tilespmem:$0x200] =	vst v33  }
0x7f: {  	v38 =	vnsel vm15, $0x0, v30;
	v62 =	vnsel vm4, $0x0, v51;
	v63 =	vnsel vm5, $0x0, v30;
	[tilespmem:$0x280] =	vst v34  }
0x80: {  	v45 =	vnsel vm12, $0x0, v51;
	v46 =	vnsel vm13, $0x0, v30;
	v61 =	vadd.f32 v60, v38;
	[tilespmem:$0x300] =	vst v35  }
0x81: {  	v39 =	vnsel vm6, $0x0, v51;
	vm15 =	vgt.u32 v27, $0xB;
	v27 =	vadd.f32 v45, v46;
	[tilespmem:$0x380] =	vst v36  }
0x82: {  	v40 =	vnsel vm7, $0x0, v30;
	v41 =	vnsel vm8, $0x0, v51;
	v32 =	vadd.f32 v62, v63;
	[tilespmem:$0x400] =	vst v61  }
0x83: {  	v42 =	vnsel vm9, $0x0, v30;
	v43 =	vnsel vm10, $0x0, v51;
	v33 =	vadd.f32 v39, v40;
	[tilespmem:$0x680] =	vst v27  }
0x84: {  	v44 =	vnsel vm11, $0x0, v30;
	vm14 =	veq.s32 v28, $0xC;
	v34 =	vadd.f32 v41, v42;
	[tilespmem:$0x480] =	vst v32  }
0x85: {  	v28 =	vnsel vm14, $0x0, v51;
	v47 =	vnsel vm15, $0x0, v30;
	v31 =	vadd.f32 v43, v44;
	[tilespmem:$0x500] =	vst v33  }
0x86: {  	v28 =	vadd.f32 v28, v47;
	[tilespmem:$0x580] =	vst v34  }
0x87: {  	[tilespmem:$0x600] =	vst v31  }
0x88: {  	[tilespmem:$0x700] =	vst v28  }
0x89: {  	v27 =	vld.idx.msk [tilespmem:v1+s1+$0x0], $0xffff  }
0x8a: {  	v28 =	vld.idx.msk [tilespmem:v3+s1+$0x0], $0xffff  }
0x8b: {  	v48 =	vld.idx.msk [tilespmem:v4+s1+$0x0], $0xffff  }
0x8c: {  	v49 =	vld.idx.msk [tilespmem:v5+s1+$0x0], $0xffff  }
0x8d: {  	v31 =	vld.idx.msk [tilespmem:v6+s1+$0x0], $0xffff  }
0x8e: {  	v50 =	vld.idx.msk [tilespmem:v7+s1+$0x0], $0xffff  }
0x8f: {  	vm4 =	vlt.s32 v27, v17;
	vm5 =	vlt.s32 v28, v17;
	v27 =	vld.idx.msk [tilespmem:v8+s1+$0x0], $0xffff  }
0x90: {  	v53 =	vld.idx.msk [tilespmem:v9+s1+$0x0], $0xffff;
	vm6 =	vlt.s32 v48, v17;
	v51 =	vsel vm4, $0x1, v22;
	v52 =	vsel vm5, $0x1, v22  }
0x91: {  	v55 =	vld.idx.msk [tilespmem:v10+s1+$0x0], $0xffff;
	vm7 =	vlt.s32 v49, v17;
	v54 =	vsel vm6, $0x1, v22;
	v28 =	vadd.s32 v51, v52  }
0x92: {  	v57 =	vld.idx.msk [tilespmem:v11+s1+$0x0], $0xffff;
	vm8 =	vlt.s32 v31, v17;
	v56 =	vsel vm7, $0x1, v22;
	v28 =	vadd.s32 v54, v28  }
0x93: {  	v59 =	vld.idx.msk [tilespmem:v12+s1+$0x0], $0xffff;
	vm9 =	vlt.s32 v50, v17;
	v58 =	vsel vm8, $0x1, v22;
	v28 =	vadd.s32 v56, v28  }
0x94: {  	v60 =	vsel vm9, $0x1, v22;
	v28 =	vadd.s32 v58, v28;
	vm10 =	vlt.s32 v27, v17;
	v27 =	vld.idx.msk [tilespmem:v13+s1+$0x0], $0xffff  }
0x95: {  	v62 =	vld.idx.msk [tilespmem:v14+s1+$0x0], $0xffff;
	vm11 =	vlt.s32 v53, v17;
	v28 =	vadd.s32 v60, v28;
	v61 =	vsel vm10, $0x1, v22  }
0x96: {  	vm12 =	vlt.s32 v55, v17;
	v63 =	vsel vm11, $0x1, v22;
	v28 =	vadd.s32 v61, v28  }
0x97: {  	vm13 =	vlt.s32 v57, v17;
	v30 =	vsel vm12, $0x1, v22;
	v28 =	vadd.s32 v63, v28  }
0x98: {  	vm14 =	vlt.s32 v59, v17;
	v34 =	vsel vm13, $0x1, v22;
	v28 =	vadd.s32 v30, v28  }
0x99: {  	v35 =	vsel vm14, $0x1, v22;
	v28 =	vadd.s32 v34, v28;
	vm15 =	vlt.s32 v27, v17  }
0x9a: {  	vm4 =	vlt.s32 v62, v17;
	v27 =	vadd.s32 v35, v28;
	v36 =	vsel vm15, $0x1, v22  }
0x9b: {  	v37 =	vsel vm4, $0x1, v22;
	v27 =	vadd.s32 v36, v27  }
0x9c: {  	v27 =	vadd.s32 v37, v27  }
0x9d: {  	v28 =	vmin.u32 v27, $0xC  }
0x9e: {  	v38 =	vmax.u32 v28, $0x1;
	v40 =	vadd.s32 $0x8, v28  }
0x9f: {  	v39 =	vadd.s32 $0x7, v38;
	_ =	sdelay $0x3  }
0xa0: {  	v41 =	vld.idx.msk [tilespmem:v40+s25+$0x0], $0xffff  }
0xa1: {  	v30 =	vld.idx.msk [tilespmem:v39+s25+$0x0], $0xffff;
	_ =	sdelay $0x4  }
0xa2: {  	v42 =	vsub.f32 v41, v30;
	_ =	sdelay $0x1  }
0xa3: {  	v33 =	vmax.f32 v42, $1.000000000e+00  }
0xa4: {  	(erf) = vrcp.f32 v33;
	_ =	sdelay $0x2  }
0xa5: {  	v31 =	vld.idx.msk [tilespmem:v40+s1+$0x0], $0xffff;
	_ =	sdelay $0x2  }
0xa6: {  	vm7 =	veq.s32 v27, $0x0  }
0xa7: {  	vm9 =	veq.s32 v27, $0x1;
	vm11 =	veq.s32 v27, $0x2;
	vm13 =	veq.s32 v27, $0x3  }
0xa8: {  	v29 =	vadd.s32 $0xFFFFFFFF, v38;
	v32 =	vadd.f32 v18, v41;
	vm5 =	veq.s32 v31, v17  }
0xa9: {  	vm15 =	veq.s32 v27, $0x4;
	v30 =	vsub.f32 v19, v30;
	v28 =	vsel vm5, v28, v29;
	v33 =	vpop (erf)  }
0xaa: {  	vm6 =	veq.s32 v28, $0x0;
	vm8 =	veq.s32 v28, $0x1;
	v32 =	vmul.f32 v33, v32  }
0xab: {  	vm10 =	veq.s32 v28, $0x2;
	vm12 =	veq.s32 v28, $0x3;
	v30 =	vmul.f32 v33, v30  }
0xac: {  	vm14 =	veq.s32 v28, $0x4;
	vm4 =	veq.s32 v28, $0x5;
	v43 =	vsel vm5, $0x3F800000, v32  }
0xad: {  	v30 =	vsel vm5, $0x0, v30;
	vm5 =	veq.s32 v27, $0x5;
	v44 =	vnsel vm6, $0x0, v43  }
0xae: {  	v45 =	vnsel vm7, $0x0, v30;
	v46 =	vnsel vm8, $0x0, v43;
	v47 =	vnsel vm9, $0x0, v30  }
0xaf: {  	v48 =	vnsel vm10, $0x0, v43;
	v49 =	vnsel vm11, $0x0, v30;
	v50 =	vnsel vm12, $0x0, v43  }
0xb0: {  	v51 =	vnsel vm13, $0x0, v30;
	v52 =	vnsel vm14, $0x0, v43;
	v53 =	vnsel vm15, $0x0, v30  }
0xb1: {  	v54 =	vnsel vm4, $0x0, v43;
	v55 =	vnsel vm5, $0x0, v30;
	vm6 =	veq.s32 v28, $0x6  }
0xb2: {  	vm7 =	veq.s32 v27, $0x6;
	vm8 =	veq.s32 v28, $0x7;
	vm9 =	veq.s32 v27, $0x7  }
0xb3: {  	vm10 =	veq.s32 v28, $0x8;
	vm11 =	veq.s32 v27, $0x8;
	v31 =	vadd.f32 v44, v45  }
0xb4: {  	vm12 =	veq.s32 v28, $0x9;
	vm13 =	veq.s32 v27, $0x9;
	v32 =	vadd.f32 v46, v47  }
0xb5: {  	vm14 =	veq.s32 v28, $0xA;
	vm15 =	veq.s32 v27, $0xA;
	v33 =	vadd.f32 v48, v49;
	[tilespmem:$0x110] =	vst v31  }
0xb6: {  	vm4 =	veq.s32 v28, $0xB;
	vm5 =	veq.s32 v27, $0xB;
	v34 =	vadd.f32 v50, v51;
	[tilespmem:$0x190] =	vst v32  }
0xb7: {  	v35 =	vadd.f32 v52, v53;
	v36 =	vadd.f32 v54, v55;
	v56 =	vnsel vm6, $0x0, v43;
	[tilespmem:$0x210] =	vst v33  }
0xb8: {  	v57 =	vnsel vm7, $0x0, v30;
	v59 =	vnsel vm8, $0x0, v43;
	v60 =	vnsel vm9, $0x0, v30;
	[tilespmem:$0x290] =	vst v34  }
0xb9: {  	v40 =	vnsel vm4, $0x0, v43;
	v41 =	vnsel vm5, $0x0, v30;
	v58 =	vadd.f32 v56, v57;
	[tilespmem:$0x310] =	vst v35  }
0xba: {  	v61 =	vnsel vm10, $0x0, v43;
	vm7 =	vgt.u32 v27, $0xB;
	v27 =	vadd.f32 v40, v41;
	[tilespmem:$0x390] =	vst v36  }
0xbb: {  	v62 =	vnsel vm11, $0x0, v30;
	v63 =	vnsel vm12, $0x0, v43;
	v32 =	vadd.f32 v59, v60;
	[tilespmem:$0x410] =	vst v58  }
0xbc: {  	v37 =	vnsel vm13, $0x0, v30;
	v38 =	vnsel vm14, $0x0, v43;
	v33 =	vadd.f32 v61, v62;
	[tilespmem:$0x690] =	vst v27  }
0xbd: {  	v39 =	vnsel vm15, $0x0, v30;
	vm6 =	veq.s32 v28, $0xC;
	v34 =	vadd.f32 v63, v37;
	[tilespmem:$0x490] =	vst v32  }
0xbe: {  	v28 =	vnsel vm6, $0x0, v43;
	v42 =	vnsel vm7, $0x0, v30;
	v31 =	vadd.f32 v38, v39;
	[tilespmem:$0x510] =	vst v33  }
0xbf: {  	v28 =	vadd.f32 v28, v42;
	[tilespmem:$0x590] =	vst v34  }
0xc0: {  	[tilespmem:$0x610] =	vst v31  }
0xc1: {  	[tilespmem:$0x710] =	vst v28  }
0xc2: {  	v27 =	vld.idx.msk [tilespmem:v1+s1+$0x0], $0xffff  }
0xc3: {  	v28 =	vld.idx.msk [tilespmem:v3+s1+$0x0], $0xffff  }
0xc4: {  	v43 =	vld.idx.msk [tilespmem:v4+s1+$0x0], $0xffff  }
0xc5: {  	v44 =	vld.idx.msk [tilespmem:v5+s1+$0x0], $0xffff  }
0xc6: {  	v31 =	vld.idx.msk [tilespmem:v6+s1+$0x0], $0xffff  }
0xc7: {  	v45 =	vld.idx.msk [tilespmem:v7+s1+$0x0], $0xffff  }
0xc8: {  	vm8 =	vlt.s32 v27, v20;
	vm9 =	vlt.s32 v28, v20;
	v27 =	vld.idx.msk [tilespmem:v8+s1+$0x0], $0xffff  }
0xc9: {  	v48 =	vld.idx.msk [tilespmem:v9+s1+$0x0], $0xffff;
	vm10 =	vlt.s32 v43, v20;
	v46 =	vsel vm8, $0x1, v22;
	v47 =	vsel vm9, $0x1, v22  }
0xca: {  	v50 =	vld.idx.msk [tilespmem:v10+s1+$0x0], $0xffff;
	vm11 =	vlt.s32 v44, v20;
	v49 =	vsel vm10, $0x1, v22;
	v28 =	vadd.s32 v46, v47  }
0xcb: {  	v52 =	vld.idx.msk [tilespmem:v11+s1+$0x0], $0xffff;
	vm12 =	vlt.s32 v31, v20;
	v51 =	vsel vm11, $0x1, v22;
	v28 =	vadd.s32 v49, v28  }
0xcc: {  	v54 =	vld.idx.msk [tilespmem:v12+s1+$0x0], $0xffff;
	vm13 =	vlt.s32 v45, v20;
	v53 =	vsel vm12, $0x1, v22;
	v28 =	vadd.s32 v51, v28  }
0xcd: {  	v55 =	vsel vm13, $0x1, v22;
	v28 =	vadd.s32 v53, v28;
	vm14 =	vlt.s32 v27, v20;
	v27 =	vld.idx.msk [tilespmem:v13+s1+$0x0], $0xffff  }
0xce: {  	v57 =	vld.idx.msk [tilespmem:v14+s1+$0x0], $0xffff;
	vm15 =	vlt.s32 v48, v20;
	v28 =	vadd.s32 v55, v28;
	v56 =	vsel vm14, $0x1, v22  }
0xcf: {  	vm4 =	vlt.s32 v50, v20;
	v58 =	vsel vm15, $0x1, v22;
	v28 =	vadd.s32 v56, v28  }
0xd0: {  	vm5 =	vlt.s32 v52, v20;
	v30 =	vsel vm4, $0x1, v22;
	v28 =	vadd.s32 v58, v28  }
0xd1: {  	vm6 =	vlt.s32 v54, v20;
	v59 =	vsel vm5, $0x1, v22;
	v28 =	vadd.s32 v30, v28  }
0xd2: {  	v60 =	vsel vm6, $0x1, v22;
	v28 =	vadd.s32 v59, v28;
	vm7 =	vlt.s32 v27, v20  }
0xd3: {  	vm8 =	vlt.s32 v57, v20;
	v27 =	vadd.s32 v60, v28;
	v61 =	vsel vm7, $0x1, v22  }
0xd4: {  	v62 =	vsel vm8, $0x1, v22;
	v27 =	vadd.s32 v61, v27  }
0xd5: {  	v27 =	vadd.s32 v62, v27  }
0xd6: {  	v28 =	vmin.u32 v27, $0xC  }
0xd7: {  	v63 =	vmax.u32 v28, $0x1;
	v37 =	vadd.s32 $0x8, v28  }
0xd8: {  	v36 =	vadd.s32 $0x7, v63;
	_ =	sdelay $0x3  }
0xd9: {  	v38 =	vld.idx.msk [tilespmem:v37+s25+$0x0], $0xffff  }
0xda: {  	v30 =	vld.idx.msk [tilespmem:v36+s25+$0x0], $0xffff;
	_ =	sdelay $0x4  }
0xdb: {  	v39 =	vsub.f32 v38, v30;
	_ =	sdelay $0x1  }
0xdc: {  	v33 =	vmax.f32 v39, $1.000000000e+00  }
0xdd: {  	(erf) = vrcp.f32 v33;
	_ =	sdelay $0x2  }
0xde: {  	v31 =	vld.idx.msk [tilespmem:v37+s1+$0x0], $0xffff;
	_ =	sdelay $0x2  }
0xdf: {  	vm11 =	veq.s32 v27, $0x0  }
0xe0: {  	vm13 =	veq.s32 v27, $0x1;
	vm15 =	veq.s32 v27, $0x2;
	vm5 =	veq.s32 v27, $0x3  }
0xe1: {  	v29 =	vadd.s32 $0xFFFFFFFF, v63;
	v32 =	vadd.f32 v21, v38;
	vm9 =	veq.s32 v31, v20  }
0xe2: {  	vm7 =	veq.s32 v27, $0x4;
	v30 =	vsub.f32 v23, v30;
	v28 =	vsel vm9, v28, v29;
	v33 =	vpop (erf)  }
0xe3: {  	vm10 =	veq.s32 v28, $0x0;
	vm12 =	veq.s32 v28, $0x1;
	v32 =	vmul.f32 v33, v32  }
0xe4: {  	vm14 =	veq.s32 v28, $0x2;
	vm4 =	veq.s32 v28, $0x3;
	v30 =	vmul.f32 v33, v30  }
0xe5: {  	vm6 =	veq.s32 v28, $0x4;
	vm8 =	veq.s32 v28, $0x5;
	v29 =	vsel vm9, $0x3F800000, v32  }
0xe6: {  	v30 =	vsel vm9, $0x0, v30;
	vm9 =	veq.s32 v27, $0x5;
	v40 =	vnsel vm10, $0x0, v29  }
0xe7: {  	v41 =	vnsel vm11, $0x0, v30;
	v42 =	vnsel vm12, $0x0, v29;
	v43 =	vnsel vm13, $0x0, v30  }
0xe8: {  	v44 =	vnsel vm14, $0x0, v29;
	v45 =	vnsel vm15, $0x0, v30;
	v46 =	vnsel vm4, $0x0, v29  }
0xe9: {  	v47 =	vnsel vm5, $0x0, v30;
	v48 =	vnsel vm6, $0x0, v29;
	v49 =	vnsel vm7, $0x0, v30  }
0xea: {  	v50 =	vnsel vm8, $0x0, v29;
	v51 =	vnsel vm9, $0x0, v30;
	vm10 =	veq.s32 v28, $0x6  }
0xeb: {  	vm11 =	veq.s32 v27, $0x6;
	vm12 =	veq.s32 v28, $0x7;
	vm13 =	veq.s32 v27, $0x7  }
0xec: {  	vm14 =	veq.s32 v28, $0x8;
	vm15 =	veq.s32 v27, $0x8;
	v31 =	vadd.f32 v40, v41  }
0xed: {  	vm4 =	veq.s32 v28, $0x9;
	vm5 =	veq.s32 v27, $0x9;
	v32 =	vadd.f32 v42, v43  }
0xee: {  	vm6 =	veq.s32 v28, $0xA;
	vm7 =	veq.s32 v27, $0xA;
	v33 =	vadd.f32 v44, v45;
	[tilespmem:$0x120] =	vst v31  }
0xef: {  	vm8 =	veq.s32 v28, $0xB;
	vm9 =	veq.s32 v27, $0xB;
	v34 =	vadd.f32 v46, v47;
	[tilespmem:$0x1A0] =	vst v32  }
0xf0: {  	v35 =	vadd.f32 v48, v49;
	v36 =	vadd.f32 v50, v51;
	v52 =	vnsel vm10, $0x0, v29;
	[tilespmem:$0x220] =	vst v33  }
0xf1: {  	v53 =	vnsel vm11, $0x0, v30;
	v55 =	vnsel vm12, $0x0, v29;
	v56 =	vnsel vm13, $0x0, v30;
	[tilespmem:$0x2A0] =	vst v34  }
0xf2: {  	v57 =	vnsel vm14, $0x0, v29;
	v58 =	vnsel vm15, $0x0, v30;
	v54 =	vadd.f32 v52, v53;
	[tilespmem:$0x320] =	vst v35  }
0xf3: {  	v59 =	vnsel vm4, $0x0, v29;
	v60 =	vnsel vm5, $0x0, v30;
	v32 =	vadd.f32 v55, v56;
	[tilespmem:$0x3A0] =	vst v36  }
0xf4: {  	v61 =	vnsel vm6, $0x0, v29;
	v62 =	vnsel vm7, $0x0, v30;
	v33 =	vadd.f32 v57, v58;
	[tilespmem:$0x420] =	vst v54  }
0xf5: {  	vm10 =	veq.s32 v28, $0xC;
	vm11 =	vgt.u32 v27, $0xB;
	v34 =	vadd.f32 v59, v60;
	[tilespmem:$0x4A0] =	vst v32  }
0xf6: {  	v28 =	vnsel vm10, $0x0, v29;
	v37 =	vnsel vm11, $0x0, v30;
	v31 =	vadd.f32 v61, v62;
	[tilespmem:$0x520] =	vst v33  }
0xf7: {  	v63 =	vnsel vm8, $0x0, v29;
	v36 =	vnsel vm9, $0x0, v30;
	v28 =	vadd.f32 v28, v37;
	[tilespmem:$0x5A0] =	vst v34  }
0xf8: {  	v27 =	vadd.f32 v63, v36;
	[tilespmem:$0x620] =	vst v31  }
0xf9: {  	[tilespmem:$0x720] =	vst v28  }
0xfa: {  	[tilespmem:$0x6A0] =	vst v27  }
0xfb: {  	v27 =	vld.idx.msk [tilespmem:v1+s1+$0x0], $0xffff  }
0xfc: {  	v28 =	vld.idx.msk [tilespmem:v3+s1+$0x0], $0xffff  }
0xfd: {  	v38 =	vld.idx.msk [tilespmem:v4+s1+$0x0], $0xffff  }
0xfe: {  	v39 =	vld.idx.msk [tilespmem:v5+s1+$0x0], $0xffff  }
0xff: {  	v31 =	vld.idx.msk [tilespmem:v6+s1+$0x0], $0xffff  }
0x100: {  	v40 =	vld.idx.msk [tilespmem:v7+s1+$0x0], $0xffff  }
0x101: {  	vm12 =	vlt.s32 v27, v24;
	vm13 =	vlt.s32 v28, v24;
	v27 =	vld.idx.msk [tilespmem:v8+s1+$0x0], $0xffff  }
0x102: {  	v43 =	vld.idx.msk [tilespmem:v9+s1+$0x0], $0xffff;
	vm14 =	vlt.s32 v38, v24;
	v41 =	vsel vm12, $0x1, v22;
	v42 =	vsel vm13, $0x1, v22  }
0x103: {  	v45 =	vld.idx.msk [tilespmem:v10+s1+$0x0], $0xffff;
	vm15 =	vlt.s32 v39, v24;
	v44 =	vsel vm14, $0x1, v22;
	v28 =	vadd.s32 v41, v42  }
0x104: {  	v47 =	vld.idx.msk [tilespmem:v11+s1+$0x0], $0xffff;
	vm4 =	vlt.s32 v31, v24;
	v46 =	vsel vm15, $0x1, v22;
	v28 =	vadd.s32 v44, v28  }
0x105: {  	v49 =	vld.idx.msk [tilespmem:v12+s1+$0x0], $0xffff;
	vm5 =	vlt.s32 v40, v24;
	v48 =	vsel vm4, $0x1, v22;
	v28 =	vadd.s32 v46, v28  }
0x106: {  	v50 =	vsel vm5, $0x1, v22;
	v28 =	vadd.s32 v48, v28;
	vm6 =	vlt.s32 v27, v24;
	v27 =	vld.idx.msk [tilespmem:v13+s1+$0x0], $0xffff  }
0x107: {  	v52 =	vld.idx.msk [tilespmem:v14+s1+$0x0], $0xffff;
	vm7 =	vlt.s32 v43, v24;
	v28 =	vadd.s32 v50, v28;
	v51 =	vsel vm6, $0x1, v22  }
0x108: {  	vm8 =	vlt.s32 v45, v24;
	v53 =	vsel vm7, $0x1, v22;
	v28 =	vadd.s32 v51, v28  }
0x109: {  	vm9 =	vlt.s32 v47, v24;
	v30 =	vsel vm8, $0x1, v22;
	v28 =	vadd.s32 v53, v28  }
0x10a: {  	vm10 =	vlt.s32 v49, v24;
	v54 =	vsel vm9, $0x1, v22;
	v28 =	vadd.s32 v30, v28  }
0x10b: {  	v55 =	vsel vm10, $0x1, v22;
	v28 =	vadd.s32 v54, v28;
	vm11 =	vlt.s32 v27, v24  }
0x10c: {  	vm12 =	vlt.s32 v52, v24;
	v27 =	vadd.s32 v55, v28;
	v56 =	vsel vm11, $0x1, v22  }
0x10d: {  	v57 =	vsel vm12, $0x1, v22;
	v27 =	vadd.s32 v56, v27  }
0x10e: {  	v27 =	vadd.s32 v57, v27  }
0x10f: {  	v28 =	vmin.u32 v27, $0xC  }
0x110: {  	v58 =	vmax.u32 v28, $0x1;
	v60 =	vadd.s32 $0x8, v28  }
0x111: {  	v59 =	vadd.s32 $0x7, v58;
	_ =	sdelay $0x3  }
0x112: {  	v61 =	vld.idx.msk [tilespmem:v60+s25+$0x0], $0xffff  }
0x113: {  	v30 =	vld.idx.msk [tilespmem:v59+s25+$0x0], $0xffff;
	_ =	sdelay $0x4  }
0x114: {  	v62 =	vsub.f32 v61, v30;
	_ =	sdelay $0x1  }
0x115: {  	v33 =	vmax.f32 v62, $1.000000000e+00  }
0x116: {  	(erf) = vrcp.f32 v33;
	_ =	sdelay $0x2  }
0x117: {  	v31 =	vld.idx.msk [tilespmem:v60+s1+$0x0], $0xffff;
	_ =	sdelay $0x2  }
0x118: {  	vm15 =	veq.s32 v27, $0x0  }
0x119: {  	vm5 =	veq.s32 v27, $0x1;
	vm7 =	veq.s32 v27, $0x2;
	vm9 =	veq.s32 v27, $0x3  }
0x11a: {  	v29 =	vadd.s32 $0xFFFFFFFF, v58;
	v32 =	vadd.f32 v25, v61;
	vm13 =	veq.s32 v31, v24  }
0x11b: {  	vm11 =	veq.s32 v27, $0x4;
	v30 =	vsub.f32 v26, v30;
	v28 =	vsel vm13, v28, v29;
	v33 =	vpop (erf)  }
0x11c: {  	vm14 =	veq.s32 v28, $0x0;
	vm4 =	veq.s32 v28, $0x1;
	v32 =	vmul.f32 v33, v32  }
0x11d: {  	vm6 =	veq.s32 v28, $0x2;
	vm8 =	veq.s32 v28, $0x3;
	v30 =	vmul.f32 v33, v30  }
0x11e: {  	vm10 =	veq.s32 v28, $0x4;
	vm12 =	veq.s32 v28, $0x5;
	v63 =	vsel vm13, $0x3F800000, v32  }
0x11f: {  	v30 =	vsel vm13, $0x0, v30;
	vm13 =	veq.s32 v27, $0x5;
	v38 =	vnsel vm14, $0x0, v63  }
0x120: {  	v39 =	vnsel vm15, $0x0, v30;
	v40 =	vnsel vm4, $0x0, v63;
	v41 =	vnsel vm5, $0x0, v30  }
0x121: {  	v42 =	vnsel vm6, $0x0, v63;
	v43 =	vnsel vm7, $0x0, v30;
	v44 =	vnsel vm8, $0x0, v63  }
0x122: {  	v45 =	vnsel vm9, $0x0, v30;
	v46 =	vnsel vm10, $0x0, v63;
	v47 =	vnsel vm11, $0x0, v30  }
0x123: {  	v48 =	vnsel vm12, $0x0, v63;
	v49 =	vnsel vm13, $0x0, v30;
	vm14 =	veq.s32 v28, $0x6  }
0x124: {  	vm15 =	veq.s32 v27, $0x6;
	vm4 =	veq.s32 v28, $0x7;
	vm5 =	veq.s32 v27, $0x7  }
0x125: {  	vm6 =	veq.s32 v28, $0x8;
	vm7 =	veq.s32 v27, $0x8;
	v31 =	vadd.f32 v38, v39  }
0x126: {  	vm8 =	veq.s32 v28, $0x9;
	vm9 =	veq.s32 v27, $0x9;
	v32 =	vadd.f32 v40, v41  }
0x127: {  	vm10 =	veq.s32 v28, $0xA;
	vm11 =	veq.s32 v27, $0xA;
	v33 =	vadd.f32 v42, v43;
	[tilespmem:$0x130] =	vst v31  }
0x128: {  	vm12 =	veq.s32 v28, $0xB;
	vm13 =	veq.s32 v27, $0xB;
	v34 =	vadd.f32 v44, v45;
	[tilespmem:$0x1B0] =	vst v32  }
0x129: {  	v35 =	vadd.f32 v46, v47;
	v36 =	vadd.f32 v48, v49;
	v50 =	vnsel vm14, $0x0, v63;
	[tilespmem:$0x230] =	vst v33  }
0x12a: {  	v51 =	vnsel vm15, $0x0, v30;
	v53 =	vnsel vm4, $0x0, v63;
	v54 =	vnsel vm5, $0x0, v30;
	[tilespmem:$0x2B0] =	vst v34  }
0x12b: {  	v61 =	vnsel vm12, $0x0, v63;
	v62 =	vnsel vm13, $0x0, v30;
	v52 =	vadd.f32 v50, v51;
	[tilespmem:$0x330] =	vst v35  }
0x12c: {  	v55 =	vnsel vm6, $0x0, v63;
	vm14 =	veq.s32 v28, $0xC;
	v28 =	vadd.f32 v61, v62;
	[tilespmem:$0x3B0] =	vst v36  }
0x12d: {  	v56 =	vnsel vm7, $0x0, v30;
	v57 =	vnsel vm8, $0x0, v63;
	v32 =	vadd.f32 v53, v54;
	[tilespmem:$0x430] =	vst v52  }
0x12e: {  	v58 =	vnsel vm9, $0x0, v30;
	v59 =	vnsel vm10, $0x0, v63;
	v33 =	vadd.f32 v55, v56;
	[tilespmem:$0x6B0] =	vst v28  }
0x12f: {  	v60 =	vnsel vm11, $0x0, v30;
	vm15 =	vgt.u32 v27, $0xB;
	v34 =	vadd.f32 v57, v58;
	[tilespmem:$0x4B0] =	vst v32  }
0x130: {  	v27 =	vnsel vm14, $0x0, v63;
	v63 =	vnsel vm15, $0x0, v30;
	v31 =	vadd.f32 v59, v60;
	[tilespmem:$0x530] =	vst v33  }
0x131: {  	v27 =	vadd.f32 v27, v63;
	[tilespmem:$0x5B0] =	vst v34  }
0x132: {  	[tilespmem:$0x630] =	vst v31  }
.Ltmp2:
0x133: {  	s29 =	simm.s32 $0x780;
	s26 =	rddreg [dreg:$0xd];
	[tilespmem:$0x730] =	vst v27;
	(pc) =	sbr.rel .LBB2_2-.Ltmp2, $4  }
0x134: {  	[tilespmem:s29], [sflag:$0x1] =	stream.linear.gather [hbm4b:s26+s1], $0x680, $0x38;
	[tilespmem:$0xE480] =	vst v63  }
0x135: {  	s31 =	simm.s32 $0xE00;
	s30 =	rddreg [dreg:$0xe]  }
0x136: {  	[tilespmem:s31], [sflag:$0x2] =	stream.linear.gather [hbm4b:s30+s1], $0x680, $0x38;
	[tilespmem:$0xE480] =	vst v63  }
0x137: {  	s1 =	simm.s32 $0x0  }
.LBB2_10:
0x138: {  	s1 =	sadd.s32 $0x1, s1  }
0x139: {  	p0 =	sne.s32 s1, $0xA  }
.Ltmp3:
0x13a: {  	_ = 	snop;
	(pc) =	sbr.rel @!p0 .LBB2_11-.Ltmp3, $1  }
0x13b: {  	_ =	sdelay $0x3  }
.LBB2_2:
0x13c: {  	s2 =	sshll.u32 s1, $0x6;
	s0 =	rddreg [dreg:$0xc]  }
0x13d: {  	s6 =	sor.u32 s0, s2  }
0x13e: {  	p1 =	sgt.u32 s6, $0x258  }
.Ltmp4:
0x13f: {  	_ = 	snop;
	(pc) =	sbr.rel @p1 .LBB2_6-.Ltmp4, $3  }
0x140: {  	_ =	sdelay $0x1  }
0x141: {  	[dreg:$0x13] =	wrdreg s1  }
0x142: {  	p0 =	seq.s32 s1, $0x0;
	[dreg:$0x14] =	wrdreg s2  }
0x143: {  	[dreg:$0x15] =	wrdreg s6;
	s0 =	simm.s32 $0x1  }
0x144: {  	_ =	swait.ge [sflag:s0], $0x680  }
0x145: {  	[sflag:s0] =	ssyncset.done $0x0  }
0x146: {  	s1 =	simm.s32 $0x0;
	[sflag:s0] =	ssyncadd.s32 $0xFFFFF980;
	s0 =	simm.s32 @!p0 $0x3  }
0x147: {  	s7 =	sand.u32 $0x40, s1;
	s2 =	sand.u32 $0x780, s1;
	_ =	swait.ge @!p0 [sflag:s0], $0x6800  }
0x148: {  	s2 =	sadd.s32 $0x780, s2;
	s12 =	sor.u32 $0x30, s7;
	[sflag:s0] =	ssyncset.done @!p0 $0x0  }
0x149: {  	s25 =	sor.u32 s12, s2;
	[sflag:s0] =	ssyncadd.s32 @!p0 $0xFFFF9800  }
0x14a: {  	s8 =	sor.u32 $0x10, s7;
	v27 =	vld [tilespmem:s25+$0x0]  }
0x14b: {  	s14 =	sor.u32 $0x20, s7;
	s26 =	sor.u32 s8, s2  }
0x14c: {  	s29 =	sor.u32 s14, s2;
	v28 =	vld [tilespmem:s26+$0x0]  }
0x14d: {  	s31 =	simm.s32 $0x780;
	v30 =	vld [tilespmem:s29+$0x0]  }
0x14e: {  	v31 =	vld [tilespmem:s31+$0x0]  }
0x14f: {  	vm0 =	vgt.s32 v27, $0x0  }
0x150: {  	v27 =	vnsel vm0, $0x0, v27  }
0x151: {  	vm10 =	vgt.s32 v28, $0x0;
	v34 =	vmin.u32 v27, $0x3F  }
0x152: {  	vm11 =	vgt.s32 v30, $0x0;
	v27 =	vnsel vm10, $0x0, v28  }
0x153: {  	vm1 =	vgt.s32 v31, $0x0;
	v29 =	vmin.u32 v27, $0x3F;
	v27 =	vnsel vm11, $0x0, v30  }
0x154: {  	v30 =	vnsel vm1, $0x0, v31;
	v28 =	vmin.u32 v27, $0x3F  }
0x155: {  	s30 =	simm.s32 $0x100;
	v27 =	vmin.u32 v30, $0x3F  }
0x156: {  	v30 =	vld.idx.msk [tilespmem:v34+s30+$0x0], $0xffff;
	_ =	sdelay $0x1  }
0x157: {  	s5 =	sand.u32 $0x3C00, s1;
	v31 =	vld.idx.msk [tilespmem:v29+s30+$0x0], $0xffff  }
0x158: {  	s1 =	sadd.s32 $0x1480, s5;
	v32 =	vld.idx.msk [tilespmem:v28+s30+$0x0], $0xffff  }
0x159: {  	s2 =	sor.u32 s12, s1;
	v33 =	vld.idx.msk [tilespmem:v27+s30+$0x0], $0xffff  }
0x15a: {  	s29 =	simm.s32 $0x180;
	[tilespmem:s2+$0x0] =	vst v30  }
0x15b: {  	s4 =	sor.u32 s8, s1;
	v30 =	vld.idx.msk [tilespmem:v34+s29+$0x0], $0xffff  }
0x15c: {  	s3 =	sor.u32 s14, s1;
	[tilespmem:s4+$0x0] =	vst v31  }
0x15d: {  	s0 =	sor.u32 s7, s1;
	v31 =	vld.idx.msk [tilespmem:v29+s29+$0x0], $0xffff;
	[tilespmem:s3+$0x0] =	vst v32  }
0x15e: {  	[tilespmem:s0+$0x0] =	vst v33;
	v32 =	vld.idx.msk [tilespmem:v28+s29+$0x0], $0xffff  }
0x15f: {  	v33 =	vld.idx.msk [tilespmem:v27+s29+$0x0], $0xffff  }
0x160: {  	s25 =	simm.s32 $0x200;
	[tilespmem:s2+$0x80] =	vst v30  }
0x161: {  	v30 =	vld.idx.msk [tilespmem:v34+s25+$0x0], $0xffff  }
0x162: {  	[tilespmem:s4+$0x80] =	vst v31  }
0x163: {  	v31 =	vld.idx.msk [tilespmem:v29+s25+$0x0], $0xffff;
	[tilespmem:s3+$0x80] =	vst v32  }
0x164: {  	[tilespmem:s0+$0x80] =	vst v33;
	v32 =	vld.idx.msk [tilespmem:v28+s25+$0x0], $0xffff  }
0x165: {  	v33 =	vld.idx.msk [tilespmem:v27+s25+$0x0], $0xffff  }
0x166: {  	s26 =	simm.s32 $0x280;
	[tilespmem:s2+$0x100] =	vst v30  }
0x167: {  	v30 =	vld.idx.msk [tilespmem:v34+s26+$0x0], $0xffff  }
0x168: {  	[tilespmem:s4+$0x100] =	vst v31  }
0x169: {  	v31 =	vld.idx.msk [tilespmem:v29+s26+$0x0], $0xffff;
	[tilespmem:s3+$0x100] =	vst v32  }
0x16a: {  	[tilespmem:s0+$0x100] =	vst v33;
	v32 =	vld.idx.msk [tilespmem:v28+s26+$0x0], $0xffff  }
0x16b: {  	v33 =	vld.idx.msk [tilespmem:v27+s26+$0x0], $0xffff  }
0x16c: {  	p1 =	por $0x0, $0x0;
	s1 =	simm.s32 $0x1;
	[tilespmem:s2+$0x180] =	vst v30  }
0x16d: {  	s1 =	simm.s32 @!p1 $0x0;
	v30 =	vld.idx.msk [tilespmem:v34+s15+$0x0], $0xffff  }
0x16e: {  	s1 =	sshll.u32 s1, $0x6;
	[tilespmem:s4+$0x180] =	vst v31  }
0x16f: {  	s1 =	sadd.s32 $0x0, s1;
	v31 =	vld.idx.msk [tilespmem:v29+s15+$0x0], $0xffff;
	[tilespmem:s3+$0x180] =	vst v32  }
0x170: {  	[tilespmem:s0+$0x180] =	vst v33;
	s3 =	sadd.s32 $0x30, s1;
	v32 =	vld.idx.msk [tilespmem:v28+s15+$0x0], $0xffff  }
0x171: {  	v33 =	vld.idx.msk [tilespmem:v27+s15+$0x0], $0xffff;
	s6 =	sor.u32 $0x200, s3  }
0x172: {  	s10 =	sadd.s32 $0x10, s1;
	[tilespmem:s6+$0x1480] =	vst v30  }
0x173: {  	s9 =	simm.s32 $0x7C0;
	s11 =	sor.u32 $0x200, s10;
	s6 =	sadd.s32 $0x20, s1;
	v30 =	vld.idx.msk [tilespmem:v34+s13+$0x0], $0xffff  }
0x174: {  	v35 =	vld [tilespmem:s9+$0x0];
	s9 =	simm.s32 $0x40;
	s4 =	sor.u32 $0x200, s6;
	[tilespmem:s11+$0x1480] =	vst v31  }
0x175: {  	s23 =	sand.u32 $0x780, s9;
	s16 =	sor.u32 $0x200, s1;
	s2 =	sand.u32 $0x40, s9;
	v31 =	vld.idx.msk [tilespmem:v29+s13+$0x0], $0xffff;
	[tilespmem:s4+$0x1480] =	vst v32  }
0x176: {  	s11 =	sadd.s32 $0x780, s23;
	s23 =	sor.u32 $0x30, s2;
	[tilespmem:s16+$0x1480] =	vst v33;
	v32 =	vld.idx.msk [tilespmem:v28+s13+$0x0], $0xffff  }
0x177: {  	s24 =	sor.u32 $0x280, s3;
	s4 =	sor.u32 s23, s11;
	v33 =	vld.idx.msk [tilespmem:v27+s13+$0x0], $0xffff  }
0x178: {  	v36 =	vld [tilespmem:s4+$0x0];
	[tilespmem:s24+$0x1480] =	vst v30;
	s24 =	sor.u32 $0x10, s2  }
0x179: {  	s4 =	sor.u32 $0x20, s2;
	v37 =	vld.idx.msk [tilespmem:v34+s17+$0x0], $0xffff;
	s31 =	sor.u32 s24, s11  }
0x17a: {  	vm12 =	vgt.s32 v35, $0x0;
	s16 =	sor.u32 $0x280, s10;
	s11 =	sor.u32 s4, s11;
	v38 =	vld [tilespmem:s31+$0x0]  }
0x17b: {  	s0 =	sor.u32 $0x280, s6;
	v30 =	vnsel vm12, $0x0, v35;
	[tilespmem:s16+$0x1480] =	vst v31;
	v39 =	vld [tilespmem:s11+$0x0]  }
0x17c: {  	v30 =	vmin.u32 v30, $0x3F;
	[tilespmem:s0+$0x1480] =	vst v32;
	v55 =	vld.idx.msk [tilespmem:v29+s17+$0x0], $0xffff  }
0x17d: {  	s31 =	sor.u32 $0x300, s3;
	vm13 =	vgt.s32 v36, $0x0;
	v56 =	vld.idx.msk [tilespmem:v28+s17+$0x0], $0xffff  }
0x17e: {  	s0 =	sor.u32 $0x280, s1;
	v31 =	vnsel vm13, $0x0, v36;
	[tilespmem:s31+$0x1480] =	vst v37  }
0x17f: {  	[tilespmem:s0+$0x1480] =	vst v33;
	v31 =	vmin.u32 v31, $0x3F;
	vm14 =	vgt.s32 v38, $0x0;
	v57 =	vld.idx.msk [tilespmem:v34+s18+$0x0], $0xffff  }
0x180: {  	s16 =	sor.u32 $0x300, s10;
	v58 =	vld.idx.msk [tilespmem:v27+s17+$0x0], $0xffff;
	vm15 =	vgt.s32 v39, $0x0;
	v59 =	vnsel vm14, $0x0, v38  }
0x181: {  	s31 =	sor.u32 $0x300, s6;
	v61 =	vld.idx.msk [tilespmem:v30+s30+$0x0], $0xffff;
	[tilespmem:s16+$0x1480] =	vst v55;
	v60 =	vnsel vm15, $0x0, v39;
	v33 =	vmin.u32 v59, $0x3F  }
0x182: {  	v62 =	vld.idx.msk [tilespmem:v29+s18+$0x0], $0xffff;
	[tilespmem:s31+$0x1480] =	vst v56;
	v32 =	vmin.u32 v60, $0x3F  }
0x183: {  	s3 =	sor.u32 $0x380, s3;
	v35 =	vld.idx.msk [tilespmem:v28+s18+$0x0], $0xffff  }
0x184: {  	v40 =	vld.idx.msk [tilespmem:v31+s30+$0x0], $0xffff;
	[tilespmem:s3+$0x1480] =	vst v57  }
0x185: {  	s0 =	sor.u32 $0x300, s1;
	s3 =	simm.s32 $0x200;
	v36 =	vld.idx.msk [tilespmem:v34+s19+$0x0], $0xffff  }
0x186: {  	[tilespmem:s0+$0x1480] =	vst v58;
	s16 =	sand.u32 $0x3C00, s3;
	v41 =	vld.idx.msk [tilespmem:v33+s30+$0x0], $0xffff  }
0x187: {  	s10 =	sor.u32 $0x380, s10;
	v63 =	vld.idx.msk [tilespmem:v32+s30+$0x0], $0xffff;
	[dreg:$0x6] =	wrdreg s16  }
0x188: {  	[tilespmem:s10+$0x1480] =	vst v62  }
0x189: {  	s6 =	sor.u32 $0x380, s6;
	s17 =	sadd.s32 $0x1480, s16;
	v42 =	vld.idx.msk [tilespmem:v27+s18+$0x0], $0xffff;
	[dreg:$0x5] =	wrdreg s23  }
0x18a: {  	s11 =	sor.u32 s23, s17;
	s18 =	sadd.s32 $0x4880, s5;
	[tilespmem:s6+$0x1480] =	vst v35  }
0x18b: {  	s23 =	sor.u32 s12, s18;
	v38 =	vld.idx.msk [tilespmem:v29+s19+$0x0], $0xffff;
	[tilespmem:s11+$0x0] =	vst v40  }
0x18c: {  	s6 =	sor.u32 s24, s17;
	v35 =	vld.idx.msk [tilespmem:v28+s19+$0x0], $0xffff;
	[tilespmem:s23+$0x0] =	vst v36  }
0x18d: {  	v40 =	vld.idx.msk [tilespmem:v31+s29+$0x0], $0xffff;
	[tilespmem:s6+$0x0] =	vst v41  }
0x18e: {  	s13 =	sor.u32 s4, s17;
	v36 =	vld.idx.msk [tilespmem:v34+s20+$0x0], $0xffff;
	[dreg:$0x8] =	wrdreg s2  }
0x18f: {  	s17 =	sor.u32 s2, s17;
	v41 =	vld.idx.msk [tilespmem:v33+s29+$0x0], $0xffff;
	[tilespmem:s13+$0x0] =	vst v63  }
0x190: {  	s1 =	sor.u32 $0x380, s1;
	[tilespmem:s17+$0x0] =	vst v61;
	v37 =	vld.idx.msk [tilespmem:v32+s29+$0x0], $0xffff  }
0x191: {  	s31 =	sor.u32 s8, s18;
	[tilespmem:s1+$0x1480] =	vst v42;
	v39 =	vld.idx.msk [tilespmem:v30+s29+$0x0], $0xffff  }
0x192: {  	v42 =	vld.idx.msk [tilespmem:v27+s19+$0x0], $0xffff;
	[tilespmem:s31+$0x0] =	vst v38  }
0x193: {  	s0 =	sadd.s32 $0x4900, s5;
	s16 =	sor.u32 s14, s18;
	[tilespmem:s11+$0x80] =	vst v40;
	v38 =	vld.idx.msk [tilespmem:v29+s20+$0x0], $0xffff  }
0x194: {  	s2 =	sor.u32 s12, s0;
	[tilespmem:s16+$0x0] =	vst v35;
	v40 =	vld.idx.msk [tilespmem:v31+s25+$0x0], $0xffff  }
0x195: {  	[tilespmem:s2+$0x0] =	vst v36;
	v35 =	vld.idx.msk [tilespmem:v28+s20+$0x0], $0xffff  }
0x196: {  	v36 =	vld.idx.msk [tilespmem:v34+s28+$0x0], $0xffff;
	[tilespmem:s6+$0x80] =	vst v41  }
0x197: {  	v41 =	vld.idx.msk [tilespmem:v33+s25+$0x0], $0xffff;
	[tilespmem:s13+$0x80] =	vst v37  }
0x198: {  	s18 =	sor.u32 s7, s18;
	[tilespmem:s17+$0x80] =	vst v39;
	v37 =	vld.idx.msk [tilespmem:v32+s25+$0x0], $0xffff  }
0x199: {  	s10 =	smov.u32 s24;
	s24 =	sor.u32 s8, s0;
	[tilespmem:s18+$0x0] =	vst v42;
	v39 =	vld.idx.msk [tilespmem:v30+s25+$0x0], $0xffff  }
0x19a: {  	v42 =	vld.idx.msk [tilespmem:v27+s20+$0x0], $0xffff;
	[tilespmem:s24+$0x0] =	vst v38  }
0x19b: {  	s18 =	sadd.s32 $0x4980, s5;
	s25 =	sor.u32 s14, s0;
	[tilespmem:s11+$0x100] =	vst v40;
	v44 =	vld.idx.msk [tilespmem:v29+s28+$0x0], $0xffff  }
0x19c: {  	s23 =	sor.u32 s12, s18;
	[tilespmem:s25+$0x0] =	vst v35;
	v40 =	vld.idx.msk [tilespmem:v31+s26+$0x0], $0xffff  }
0x19d: {  	[tilespmem:s23+$0x0] =	vst v36;
	v35 =	vld.idx.msk [tilespmem:v28+s28+$0x0], $0xffff  }
0x19e: {  	v36 =	vld.idx.msk [tilespmem:v34+s21+$0x0], $0xffff;
	[tilespmem:s6+$0x100] =	vst v41  }
0x19f: {  	p1 =	por !p1, !p1;
	v41 =	vld.idx.msk [tilespmem:v33+s26+$0x0], $0xffff;
	[tilespmem:s13+$0x100] =	vst v37  }
0x1a0: {  	s29 =	sadd.s32 $0x4A00, s5;
	s31 =	sor.u32 s7, s0;
	s19 =	simm.s32 $0x1;
	[tilespmem:s17+$0x100] =	vst v39;
	v37 =	vld.idx.msk [tilespmem:v32+s26+$0x0], $0xffff  }
0x1a1: {  	s30 =	sor.u32 s7, s29;
	s0 =	sor.u32 s12, s29;
	s2 =	sor.u32 s8, s18;
	v43 =	vld.idx.msk [tilespmem:v30+s26+$0x0], $0xffff;
	[tilespmem:s11+$0x180] =	vst v40  }
0x1a2: {  	s26 =	sor.u32 s14, s29;
	[tilespmem:s2+$0x0] =	vst v44;
	s11 =	sor.u32 s8, s29;
	s29 =	simm.s32 $0x680;
	v45 =	vld.idx.msk [tilespmem:v31+s15+$0x0], $0xffff  }
0x1a3: {  	s19 =	simm.s32 @!p1 $0x0;
	[tilespmem:s0+$0x0] =	vst v36;
	v36 =	vld.idx.msk [tilespmem:v29+s29+$0x0], $0xffff  }
0x1a4: {  	s1 =	simm.s32 $0x4;
	s19 =	sshll.u32 s19, $0x6;
	s5 =	sadd.s32 $0x4A80, s5;
	v38 =	vld.idx.msk [tilespmem:v34+s22+$0x0], $0xffff;
	[tilespmem:s6+$0x180] =	vst v41  }
0x1a5: {  	s16 =	sor.u32 s7, s18;
	s18 =	sor.u32 s14, s18;
	s20 =	sadd.s32 $0x200, s19;
	[tilespmem:s31+$0x0] =	vst v42;
	v39 =	vld.idx.msk [tilespmem:v33+s15+$0x0], $0xffff  }
0x1a6: {  	s12 =	sor.u32 s12, s5;
	s19 =	sadd.s32 $0x30, s20;
	s24 =	sor.u32 $0x200, s20;
	[tilespmem:s13+$0x180] =	vst v37;
	v37 =	vld.idx.msk [tilespmem:v27+s28+$0x0], $0xffff  }
0x1a7: {  	s21 =	sadd.s32 $0x20, s20;
	s31 =	sor.u32 $0x200, s19;
	s22 =	sadd.s32 $0x10, s20;
	[tilespmem:s17+$0x180] =	vst v43;
	v40 =	vld.idx.msk [tilespmem:v32+s15+$0x0], $0xffff  }
0x1a8: {  	v34 =	vmov v32;
	s25 =	sor.u32 $0x200, s22;
	s17 =	simm.s32 $0x800;
	s28 =	sor.u32 $0x200, s21;
	v41 =	vld.idx.msk [tilespmem:v30+s15+$0x0], $0xffff;
	[tilespmem:s31+$0x1480] =	vst v45  }
.LBB2_4:
0x1a9: {  	_ =	sdelay $0x1  }
0x1aa: {  	s29 =	sor.u32 $0x280, s20;
	[tilespmem:s25+$0x1480] =	vst v39  }
0x1ab: {  	v42 =	vld [tilespmem:s17+$0x0];
	s6 =	smov.u32 s30;
	s30 =	sor.u32 $0x280, s22;
	[tilespmem:s12+$0x0] =	vst v38;
	s12 =	simm.s32 $0x380  }
0x1ac: {  	s31 =	sor.u32 $0x280, s21;
	s0 =	sor.u32 $0x300, s20;
	s15 =	sor.u32 s8, s5;
	[tilespmem:s24+$0x1480] =	vst v41;
	v38 =	vld.idx.msk [tilespmem:v31+s12+$0x0], $0xffff  }
0x1ad: {  	s13 =	rddreg [dreg:$0x8];
	s8 =	smov.u32 s10;
	s9 =	sadd.s32 $0x40, s9;
	[tilespmem:s28+$0x1480] =	vst v40;
	v39 =	vld.idx.msk [tilespmem:v33+s12+$0x0], $0xffff  }
0x1ae: {  	s2 =	smov.u32 s13;
	s13 =	sand.u32 $0x40, s9;
	s10 =	sand.u32 $0x780, s9;
	v40 =	vld.idx.msk [tilespmem:v32+s12+$0x0], $0xffff;
	[tilespmem:s18+$0x0] =	vst v35  }
0x1af: {  	s10 =	sadd.s32 $0x780, s10;
	s24 =	sor.u32 s7, s5;
	v41 =	vld.idx.msk [tilespmem:v30+s12+$0x0], $0xffff;
	[tilespmem:s16+$0x0] =	vst v37;
	s18 =	simm.s32 $0x680  }
0x1b0: {  	s28 =	sor.u32 s14, s5;
	s14 =	rddreg [dreg:$0x5];
	s16 =	sor.u32 $0x280, s19;
	[tilespmem:s11+$0x0] =	vst v36;
	v35 =	vld.idx.msk [tilespmem:v28+s18+$0x0], $0xffff  }
0x1b1: {  	s7 =	simm.s32 $0x400;
	s12 =	smov.u32 s14;
	v37 =	vld.idx.msk [tilespmem:v27+s18+$0x0], $0xffff;
	[tilespmem:s16+$0x1480] =	vst v38;
	s16 =	simm.s32 $0x700  }
0x1b2: {  	s14 =	smov.u32 s4;
	s4 =	rddreg [dreg:$0x6];
	s18 =	sor.u32 $0x30, s13;
	v36 =	vld.idx.msk [tilespmem:v29+s16+$0x0], $0xffff  }
0x1b3: {  	s5 =	smov.u32 s4;
	s4 =	sor.u32 $0x10, s13;
	s11 =	sor.u32 s18, s10;
	[tilespmem:s31+$0x1480] =	vst v40;
	v47 =	vld.idx.msk [tilespmem:v31+s7+$0x0], $0xffff  }
0x1b4: {  	[dreg:$0xa] =	wrdreg s0;
	s0 =	sor.u32 $0x20, s13;
	[tilespmem:s30+$0x1480] =	vst v39;
	s16 =	sor.u32 s4, s10;
	v38 =	vld [tilespmem:s11+$0x0]  }
0x1b5: {  	vm0 =	vgt.s32 v42, $0x0;
	[tilespmem:s29+$0x1480] =	vst v41;
	v29 =	vmov v33;
	s10 =	sor.u32 s0, s10;
	v39 =	vld [tilespmem:s16+$0x0]  }
0x1b6: {  	v48 =	vnsel vm0, $0x0, v42;
	[tilespmem:s6+$0x0] =	vst v37;
	v40 =	vld [tilespmem:s10+$0x0]  }
0x1b7: {  	[tilespmem:s26+$0x0] =	vst v35;
	v35 =	vmin.u32 v48, $0x3F;
	v51 =	vld.idx.msk [tilespmem:v30+s7+$0x0], $0xffff  }
0x1b8: {  	s16 =	simm.s32 $0x700;
	v50 =	vld.idx.msk [tilespmem:v32+s7+$0x0], $0xffff  }
0x1b9: {  	v56 =	vld.idx.msk [tilespmem:v27+s16+$0x0], $0xffff  }
0x1ba: {  	s26 =	sor.u32 $0x300, s19;
	v27 =	vmov v30;
	v49 =	vld.idx.msk [tilespmem:v29+s7+$0x0], $0xffff;
	[tilespmem:s15+$0x0] =	vst v36;
	vm14 =	vgt.s32 v38, $0x0  }
0x1bb: {  	s11 =	simm.s32 $0x100;
	s10 =	rddreg [dreg:$0xa];
	v43 =	vld.idx.msk [tilespmem:v28+s16+$0x0], $0xffff;
	[tilespmem:s26+$0x1480] =	vst v47;
	v52 =	vnsel vm14, $0x0, v38  }
0x1bc: {  	s25 =	sor.u32 $0x300, s21;
	s29 =	simm.s32 $0x480;
	v30 =	vmov v35;
	v35 =	vld.idx.msk [tilespmem:v35+s11+$0x0], $0xffff;
	[tilespmem:s10+$0x1480] =	vst v51;
	v54 =	vmin.u32 v52, $0x3F  }
0x1bd: {  	s3 =	sadd.s32 $0x200, s3;
	vm1 =	vgt.s32 v39, $0x0;
	v53 =	vld.idx.msk [tilespmem:v31+s29+$0x0], $0xffff;
	[tilespmem:s25+$0x1480] =	vst v50  }
0x1be: {  	s23 =	sor.u32 $0x300, s22;
	s15 =	sor.u32 $0x380, s19;
	s19 =	sand.u32 $0x3C00, s3;
	vm15 =	vgt.s32 v40, $0x0;
	v39 =	vnsel vm1, $0x0, v39;
	[tilespmem:s24+$0x0] =	vst v56;
	v37 =	vld.idx.msk [tilespmem:v34+s29+$0x0], $0xffff  }
0x1bf: {  	v55 =	vnsel vm15, $0x0, v40;
	s24 =	sadd.s32 $0x1480, s19;
	v33 =	vmin.u32 v39, $0x3F;
	v61 =	vld.idx.msk [tilespmem:v27+s29+$0x0], $0xffff;
	[tilespmem:s23+$0x1480] =	vst v49  }
0x1c0: {  	v28 =	vmov v32;
	[dreg:$0x6] =	wrdreg s19;
	v32 =	vmin.u32 v55, $0x3F;
	s19 =	sor.u32 s13, s24;
	v57 =	vld.idx.msk [tilespmem:v29+s29+$0x0], $0xffff  }
0x1c1: {  	s23 =	simm.s32 $0x180;
	[tilespmem:s19+$0x0] =	vst v35;
	v58 =	vld.idx.msk [tilespmem:v54+s11+$0x0], $0xffff  }
0x1c2: {  	s16 =	simm.s32 $0x500;
	[tilespmem:s15+$0x1480] =	vst v53;
	v63 =	vld.idx.msk [tilespmem:v30+s23+$0x0], $0xffff  }
0x1c3: {  	v38 =	vld.idx.msk [tilespmem:v31+s16+$0x0], $0xffff  }
0x1c4: {  	s21 =	sor.u32 $0x380, s21;
	[tilespmem:s28+$0x0] =	vst v43;
	v59 =	vld.idx.msk [tilespmem:v33+s11+$0x0], $0xffff  }
0x1c5: {  	s20 =	sor.u32 $0x380, s20;
	v60 =	vld.idx.msk [tilespmem:v32+s11+$0x0], $0xffff;
	[tilespmem:s21+$0x1480] =	vst v37  }
0x1c6: {  	s22 =	sor.u32 $0x380, s22;
	[tilespmem:s20+$0x1480] =	vst v61;
	v37 =	vld.idx.msk [tilespmem:v28+s16+$0x0], $0xffff  }
0x1c7: {  	s6 =	sor.u32 s18, s24;
	v43 =	vld.idx.msk [tilespmem:v27+s16+$0x0], $0xffff;
	[tilespmem:s22+$0x1480] =	vst v57  }
0x1c8: {  	s25 =	sadd.s32 $0x4880, s5;
	v40 =	vld.idx.msk [tilespmem:v29+s16+$0x0], $0xffff;
	[tilespmem:s6+$0x0] =	vst v58  }
0x1c9: {  	s30 =	simm.s32 $0x200;
	s29 =	sor.u32 s12, s25;
	[tilespmem:s19+$0x80] =	vst v63;
	v41 =	vld.idx.msk [tilespmem:v54+s23+$0x0], $0xffff  }
0x1ca: {  	[dreg:$0x5] =	wrdreg s18;
	s18 =	simm.s32 $0x580;
	s22 =	sor.u32 s4, s24;
	[tilespmem:s29+$0x0] =	vst v38;
	v39 =	vld.idx.msk [tilespmem:v30+s30+$0x0], $0xffff  }
0x1cb: {  	s7 =	smov.u32 s2;
	s21 =	sor.u32 s0, s24;
	[tilespmem:s22+$0x0] =	vst v59;
	v38 =	vld.idx.msk [tilespmem:v31+s18+$0x0], $0xffff  }
0x1cc: {  	s10 =	smov.u32 s4;
	s4 =	smov.u32 s0;
	s0 =	sor.u32 s7, s25;
	[tilespmem:s21+$0x0] =	vst v60;
	v42 =	vld.idx.msk [tilespmem:v33+s23+$0x0], $0xffff  }
0x1cd: {  	s2 =	sor.u32 s8, s25;
	v62 =	vld.idx.msk [tilespmem:v32+s23+$0x0], $0xffff;
	[tilespmem:s0+$0x0] =	vst v43  }
0x1ce: {  	s24 =	sadd.s32 $0x4900, s5;
	v43 =	vld.idx.msk [tilespmem:v27+s18+$0x0], $0xffff;
	[tilespmem:s2+$0x0] =	vst v40  }
0x1cf: {  	[dreg:$0x8] =	wrdreg s13;
	s13 =	sor.u32 s14, s25;
	s25 =	sor.u32 s12, s24;
	[tilespmem:s6+$0x80] =	vst v41;
	v40 =	vld.idx.msk [tilespmem:v29+s18+$0x0], $0xffff  }
0x1d0: {  	s2 =	simm.s32 $0x600;
	v41 =	vld.idx.msk [tilespmem:v54+s30+$0x0], $0xffff;
	[tilespmem:s25+$0x0] =	vst v38  }
0x1d1: {  	[tilespmem:s22+$0x80] =	vst v42;
	v38 =	vld.idx.msk [tilespmem:v31+s2+$0x0], $0xffff  }
0x1d2: {  	[tilespmem:s21+$0x80] =	vst v62;
	v42 =	vld.idx.msk [tilespmem:v33+s30+$0x0], $0xffff  }
0x1d3: {  	s31 =	simm.s32 $0x280;
	[tilespmem:s19+$0x100] =	vst v39;
	v35 =	vld.idx.msk [tilespmem:v32+s30+$0x0], $0xffff  }
0x1d4: {  	s26 =	sadd.s32 $0x4980, s5;
	v45 =	vld.idx.msk [tilespmem:v30+s31+$0x0], $0xffff;
	[tilespmem:s13+$0x0] =	vst v37  }
0x1d5: {  	s29 =	sor.u32 s12, s26;
	v37 =	vld.idx.msk [tilespmem:v28+s18+$0x0], $0xffff;
	[tilespmem:s6+$0x100] =	vst v41  }
0x1d6: {  	v41 =	vld.idx.msk [tilespmem:v54+s31+$0x0], $0xffff;
	[tilespmem:s29+$0x0] =	vst v38;
	s29 =	simm.s32 $0x680  }
0x1d7: {  	[tilespmem:s22+$0x100] =	vst v42;
	v38 =	vld.idx.msk [tilespmem:v31+s29+$0x0], $0xffff  }
0x1d8: {  	s20 =	sor.u32 s8, s24;
	[tilespmem:s21+$0x100] =	vst v35;
	v42 =	vld.idx.msk [tilespmem:v33+s31+$0x0], $0xffff  }
0x1d9: {  	s1 =	sadd.s32 $0x4, s1;
	p1 =	por !p1, !p1;
	s11 =	sor.u32 s14, s24;
	v44 =	vld.idx.msk [tilespmem:v32+s31+$0x0], $0xffff;
	[tilespmem:s20+$0x0] =	vst v40  }
0x1da: {  	s17 =	sadd.s32 $0x40, s17;
	p2 =	slt.u32 s1, $0x64;
	s15 =	sor.u32 s8, s26;
	[tilespmem:s11+$0x0] =	vst v37;
	v46 =	vld.idx.msk [tilespmem:v29+s2+$0x0], $0xffff  }
0x1db: {  	s16 =	sor.u32 s7, s26;
	s23 =	sor.u32 s7, s24;
	s24 =	simm.s32 $0x300;
	[tilespmem:s19+$0x180] =	vst v45;
	v35 =	vld.idx.msk [tilespmem:v28+s2+$0x0], $0xffff  }
0x1dc: {  	s0 =	sadd.s32 $0x4A00, s5;
	s5 =	sadd.s32 $0x4A80, s5;
	s20 =	simm.s32 $0x1;
	[tilespmem:s6+$0x180] =	vst v41;
	v41 =	vld.idx.msk [tilespmem:v30+s24+$0x0], $0xffff  }
0x1dd: {  	s25 =	simm.s32 $0x700;
	s20 =	simm.s32 @!p1 $0x0;
	s6 =	sor.u32 s12, s0;
	[tilespmem:s23+$0x0] =	vst v43;
	v47 =	vld.idx.msk [tilespmem:v54+s24+$0x0], $0xffff  }
.Ltmp5:
0x1de: {  	s30 =	sor.u32 s7, s0;
	s20 =	sshll.u32 s20, $0x6;
	[tilespmem:s6+$0x0] =	vst v38;
	v37 =	vld.idx.msk [tilespmem:v27+s2+$0x0], $0xffff;
	(pc) =	sbr.rel @p2 .LBB2_4-.Ltmp5, $4  }
0x1df: {  	s18 =	sor.u32 s14, s26;
	s26 =	sor.u32 s14, s0;
	s20 =	sadd.s32 s20, s3;
	[tilespmem:s22+$0x180] =	vst v42;
	v38 =	vld.idx.msk [tilespmem:v31+s25+$0x0], $0xffff  }
0x1e0: {  	s11 =	sor.u32 s8, s0;
	s19 =	sadd.s32 $0x30, s20;
	s12 =	sor.u32 s12, s5;
	[tilespmem:s21+$0x180] =	vst v44;
	v39 =	vld.idx.msk [tilespmem:v33+s24+$0x0], $0xffff  }
0x1e1: {  	s22 =	sadd.s32 $0x10, s20;
	s21 =	sadd.s32 $0x20, s20;
	s31 =	sor.u32 $0x200, s19;
	v40 =	vld.idx.msk [tilespmem:v32+s24+$0x0], $0xffff;
	[tilespmem:s15+$0x0] =	vst v46  }
0x1e2: {  	v34 =	vmov v32;
	v31 =	vmov v54;
	s25 =	sor.u32 $0x200, s22;
	s24 =	sor.u32 $0x200, s20;
	s28 =	sor.u32 $0x200, s21;
	v36 =	vld.idx.msk [tilespmem:v29+s29+$0x0], $0xffff;
	[tilespmem:s31+$0x1480] =	vst v47  }
0x1e3: {  	_ =	sdelay $0x2  }
0x1e4: {  	s0 =	simm.s32 $0x380  }
0x1e5: {  	[tilespmem:s24+$0x1480] =	vst v41;
	v61 =	vld.idx.msk [tilespmem:v31+s0+$0x0], $0xffff  }
0x1e6: {  	v42 =	vld.idx.msk [tilespmem:v30+s0+$0x0], $0xffff;
	[tilespmem:s25+$0x1480] =	vst v39  }
0x1e7: {  	[tilespmem:s28+$0x1480] =	vst v40;
	v62 =	vld.idx.msk [tilespmem:v33+s0+$0x0], $0xffff  }
0x1e8: {  	v63 =	vld.idx.msk [tilespmem:v32+s0+$0x0], $0xffff  }
0x1e9: {  	s1 =	sor.u32 $0x280, s19  }
0x1ea: {  	s9 =	simm.s32 $0x400;
	s13 =	sor.u32 $0x280, s20;
	[tilespmem:s1+$0x1480] =	vst v61  }
0x1eb: {  	s3 =	sor.u32 $0x280, s22;
	[tilespmem:s13+$0x1480] =	vst v42;
	v39 =	vld.idx.msk [tilespmem:v31+s9+$0x0], $0xffff  }
0x1ec: {  	s6 =	sor.u32 $0x280, s21;
	v42 =	vld.idx.msk [tilespmem:v30+s9+$0x0], $0xffff;
	[tilespmem:s3+$0x1480] =	vst v62  }
0x1ed: {  	[tilespmem:s6+$0x1480] =	vst v63;
	v40 =	vld.idx.msk [tilespmem:v33+s9+$0x0], $0xffff  }
0x1ee: {  	v41 =	vld.idx.msk [tilespmem:v32+s9+$0x0], $0xffff  }
0x1ef: {  	s15 =	sor.u32 $0x300, s19  }
0x1f0: {  	s24 =	simm.s32 $0x480;
	s25 =	sor.u32 $0x300, s20;
	[tilespmem:s15+$0x1480] =	vst v39  }
0x1f1: {  	s17 =	sor.u32 $0x300, s22;
	[tilespmem:s25+$0x1480] =	vst v42;
	v39 =	vld.idx.msk [tilespmem:v31+s24+$0x0], $0xffff  }
0x1f2: {  	s23 =	sor.u32 $0x300, s21;
	v45 =	vld.idx.msk [tilespmem:v30+s24+$0x0], $0xffff;
	[tilespmem:s17+$0x1480] =	vst v40  }
0x1f3: {  	[tilespmem:s23+$0x1480] =	vst v41;
	v40 =	vld.idx.msk [tilespmem:v33+s24+$0x0], $0xffff  }
0x1f4: {  	v34 =	vld.idx.msk [tilespmem:v34+s24+$0x0], $0xffff  }
0x1f5: {  	s29 =	sor.u32 $0x380, s19  }
0x1f6: {  	s3 =	sor.u32 $0x380, s20;
	[tilespmem:s29+$0x1480] =	vst v39  }
0x1f7: {  	s31 =	sor.u32 $0x380, s22;
	s2 =	simm.s32 $0x500;
	[tilespmem:s3+$0x1480] =	vst v45  }
0x1f8: {  	s0 =	sor.u32 $0x380, s21;
	v39 =	vld.idx.msk [tilespmem:v31+s2+$0x0], $0xffff;
	[tilespmem:s31+$0x1480] =	vst v40  }
0x1f9: {  	[tilespmem:s0+$0x1480] =	vst v34;
	v46 =	vld.idx.msk [tilespmem:v33+s2+$0x0], $0xffff  }
0x1fa: {  	v47 =	vld.idx.msk [tilespmem:v32+s2+$0x0], $0xffff;
	s9 =	rddreg [dreg:$0x6];
	[tilespmem:s12+$0x0] =	vst v38  }
0x1fb: {  	s6 =	sadd.s32 $0x4880, s9;
	s0 =	rddreg [dreg:$0x5]  }
0x1fc: {  	s3 =	sor.u32 s0, s6  }
0x1fd: {  	s17 =	simm.s32 $0x580;
	v41 =	vld.idx.msk [tilespmem:v30+s2+$0x0], $0xffff;
	s13 =	sor.u32 s10, s6;
	[tilespmem:s3+$0x0] =	vst v39  }
0x1fe: {  	s15 =	sor.u32 s4, s6;
	[tilespmem:s13+$0x0] =	vst v46;
	v48 =	vld.idx.msk [tilespmem:v31+s17+$0x0], $0xffff  }
0x1ff: {  	[tilespmem:s15+$0x0] =	vst v47;
	v49 =	vld.idx.msk [tilespmem:v33+s17+$0x0], $0xffff  }
0x200: {  	s2 =	rddreg [dreg:$0x8];
	[tilespmem:s18+$0x0] =	vst v35  }
0x201: {  	s21 =	simm.s32 $0x680;
	s19 =	sadd.s32 $0x4900, s9;
	v50 =	vld.idx.msk [tilespmem:v32+s17+$0x0], $0xffff;
	[tilespmem:s16+$0x0] =	vst v37;
	s1 =	sor.u32 s2, s6  }
0x202: {  	s20 =	sor.u32 s0, s19;
	v52 =	vld.idx.msk [tilespmem:v28+s21+$0x0], $0xffff;
	[tilespmem:s1+$0x0] =	vst v41  }
0x203: {  	s22 =	sor.u32 s10, s19;
	s13 =	simm.s32 $0x600;
	v51 =	vld.idx.msk [tilespmem:v30+s17+$0x0], $0xffff;
	[tilespmem:s20+$0x0] =	vst v48  }
0x204: {  	[tilespmem:s22+$0x0] =	vst v49;
	v34 =	vld.idx.msk [tilespmem:v31+s13+$0x0], $0xffff  }
0x205: {  	s23 =	sor.u32 s4, s19;
	[tilespmem:s11+$0x0] =	vst v36;
	v38 =	vld.idx.msk [tilespmem:v33+s13+$0x0], $0xffff  }
0x206: {  	v55 =	vld.idx.msk [tilespmem:v27+s21+$0x0], $0xffff;
	[tilespmem:s23+$0x0] =	vst v50  }
0x207: {  	s24 =	sadd.s32 $0x4980, s9;
	s1 =	sor.u32 s2, s19;
	v53 =	vld.idx.msk [tilespmem:v32+s13+$0x0], $0xffff;
	[tilespmem:s26+$0x0] =	vst v52;
	s26 =	simm.s32 $0x700  }
0x208: {  	s25 =	sor.u32 s0, s24;
	v29 =	vld.idx.msk [tilespmem:v29+s26+$0x0], $0xffff;
	[tilespmem:s1+$0x0] =	vst v51  }
0x209: {  	s29 =	sor.u32 s10, s24;
	v54 =	vld.idx.msk [tilespmem:v30+s13+$0x0], $0xffff;
	[tilespmem:s25+$0x0] =	vst v34  }
0x20a: {  	[tilespmem:s29+$0x0] =	vst v38;
	v34 =	vld.idx.msk [tilespmem:v31+s21+$0x0], $0xffff  }
0x20b: {  	s31 =	sor.u32 s4, s24;
	[tilespmem:s30+$0x0] =	vst v55;
	v56 =	vld.idx.msk [tilespmem:v33+s21+$0x0], $0xffff  }
0x20c: {  	s6 =	sor.u32 s8, s5;
	v59 =	vld.idx.msk [tilespmem:v28+s26+$0x0], $0xffff;
	[tilespmem:s31+$0x0] =	vst v53  }
0x20d: {  	s8 =	sadd.s32 $0x4A00, s9;
	v27 =	vld.idx.msk [tilespmem:v27+s26+$0x0], $0xffff;
	s1 =	sor.u32 s2, s24;
	[tilespmem:s6+$0x0] =	vst v29  }
0x20e: {  	s12 =	sor.u32 s0, s8;
	v57 =	vld.idx.msk [tilespmem:v32+s21+$0x0], $0xffff;
	[tilespmem:s1+$0x0] =	vst v54  }
0x20f: {  	s13 =	sor.u32 s10, s8;
	v58 =	vld.idx.msk [tilespmem:v30+s21+$0x0], $0xffff;
	[tilespmem:s12+$0x0] =	vst v34  }
0x210: {  	s17 =	sor.u32 s14, s5;
	[tilespmem:s13+$0x0] =	vst v56;
	v60 =	vld.idx.msk [tilespmem:v31+s26+$0x0], $0xffff  }
0x211: {  	s18 =	sor.u32 s7, s5;
	[tilespmem:s17+$0x0] =	vst v59;
	v61 =	vld.idx.msk [tilespmem:v33+s26+$0x0], $0xffff  }
0x212: {  	s15 =	sor.u32 s4, s8;
	[tilespmem:s18+$0x0] =	vst v27  }
0x213: {  	s16 =	sor.u32 s2, s8;
	s19 =	sadd.s32 $0x4A80, s9;
	[tilespmem:s15+$0x0] =	vst v57  }
0x214: {  	s20 =	sor.u32 s0, s19;
	[tilespmem:s16+$0x0] =	vst v58  }
0x215: {  	s21 =	sor.u32 s10, s19;
	[tilespmem:s20+$0x0] =	vst v60  }
0x216: {  	s28 =	simm.s32 $0x600;
	v62 =	vld.idx.msk [tilespmem:v32+s26+$0x0], $0xffff;
	[tilespmem:s21+$0x0] =	vst v61  }
0x217: {  	s22 =	sor.u32 s4, s19;
	s30 =	simm.s32 $0x7A1400;
	v63 =	vld.idx.msk [tilespmem:v30+s26+$0x0], $0xffff;
	s6 =	rddreg [dreg:$0x15]  }
0x218: {  	s29 =	simm.s32 $0x3400;
	s31 =	simm.s32 $0x1480;
	s24 =	rddreg [dreg:$0xf]  }
0x219: {  	s17 =	simm.s32 $0x400;
	s18 =	simm.s32 $0x480;
	s25 =	rddreg [dreg:$0x14]  }
0x21a: {  	s1 =	sor.u32 s2, s19;
	s23 =	smul.u32 $0x680, s6;
	s4 =	sadd.s32 s24, s25  }
0x21b: {  	s19 =	simm.s32 $0x500;
	s26 =	rddreg [dreg:$0x2];
	[tilespmem:s22+$0x0] =	vst v62;
	p1 =	sgt.u32 s4, $0x258  }
0x21c: {  	s13 =	simm.s32 $0x380;
	[tilespmem:s1+$0x0] =	vst v63;
	s0 =	sadd.s32 s26, s23;
	s1 =	smul.u32 @!p1 $0xD0, s4  }
0x21d: {  	[hbm4b:s0+s29] =	stream.strided.scatter [tilespmem:s31], [sflag:$0x3], $0x6800, s30, s29, $0x38;
	[tilespmem:$0xE480] =	vst v63  }
0x21e: {  	s15 =	simm.s32 $0x300;
	s20 =	simm.s32 $0x580;
	s0 =	rddreg [dreg:$0x0]  }
0x21f: {  	s2 =	simm.s32 @!p1 $0x780;
	s0 =	sadd.s32 @!p1 s0, s1;
	s1 =	simm.s32 @!p1 $0x0  }
0x220: {  	[tilespmem:s2], [sflag:$0x1] =	stream.linear.gather @!p1 [hbm4b:s0+s1], $0x680, $0x38;
	[tilespmem:$0xE480] =	vst v63  }
0x221: {  	s21 =	simm.s32 $0x680;
	s22 =	simm.s32 $0x700;
	s1 =	rddreg [dreg:$0x13]  }
.LBB2_6:
0x222: {  	s0 =	sor.u32 $0x20, s6  }
0x223: {  	p1 =	sgt.u32 s0, $0x258  }
.Ltmp6:
0x224: {  	_ = 	snop;
	(pc) =	sbr.rel @p1 .LBB2_10-.Ltmp6, $1  }
0x225: {  	_ =	sdelay $0x3  }
0x226: {  	[dreg:$0x16] =	wrdreg s0;
	s25 =	simm.s32 $0x2  }
0x227: {  	_ =	swait.ge [sflag:s25], $0x680  }
0x228: {  	[sflag:s25] =	ssyncset.done $0x0  }
0x229: {  	s0 =	simm.s32 @!p0 $0x4;
	s1 =	simm.s32 $0x0;
	[sflag:s25] =	ssyncadd.s32 $0xFFFFF980  }
0x22a: {  	s7 =	sand.u32 $0x40, s1;
	s2 =	sand.u32 $0x780, s1;
	_ =	swait.ge @!p0 [sflag:s0], $0x6800  }
0x22b: {  	s2 =	sadd.s32 $0xE00, s2;
	s12 =	sor.u32 $0x30, s7;
	[sflag:s0] =	ssyncset.done @!p0 $0x0  }
0x22c: {  	s26 =	sor.u32 s12, s2;
	[sflag:s0] =	ssyncadd.s32 @!p0 $0xFFFF9800  }
0x22d: {  	s8 =	sor.u32 $0x10, s7;
	v27 =	vld [tilespmem:s26+$0x0]  }
0x22e: {  	s14 =	sor.u32 $0x20, s7;
	s29 =	sor.u32 s8, s2  }
0x22f: {  	s30 =	sor.u32 s14, s2;
	v28 =	vld [tilespmem:s29+$0x0]  }
0x230: {  	s31 =	simm.s32 $0xE00;
	v30 =	vld [tilespmem:s30+$0x0]  }
0x231: {  	v31 =	vld [tilespmem:s31+$0x0]  }
0x232: {  	vm0 =	vgt.s32 v27, $0x0  }
0x233: {  	v27 =	vnsel vm0, $0x0, v27  }
0x234: {  	vm10 =	vgt.s32 v28, $0x0;
	v34 =	vmin.u32 v27, $0x3F  }
0x235: {  	vm11 =	vgt.s32 v30, $0x0;
	v27 =	vnsel vm10, $0x0, v28  }
0x236: {  	vm1 =	vgt.s32 v31, $0x0;
	v29 =	vmin.u32 v27, $0x3F;
	v27 =	vnsel vm11, $0x0, v30  }
0x237: {  	v30 =	vnsel vm1, $0x0, v31;
	v28 =	vmin.u32 v27, $0x3F  }
0x238: {  	s30 =	simm.s32 $0x100;
	v27 =	vmin.u32 v30, $0x3F  }
0x239: {  	v30 =	vld.idx.msk [tilespmem:v34+s30+$0x0], $0xffff;
	_ =	sdelay $0x1  }
0x23a: {  	s5 =	sand.u32 $0x3C00, s1;
	v31 =	vld.idx.msk [tilespmem:v29+s30+$0x0], $0xffff  }
0x23b: {  	s1 =	sadd.s32 $0x7C80, s5;
	v32 =	vld.idx.msk [tilespmem:v28+s30+$0x0], $0xffff  }
0x23c: {  	s2 =	sor.u32 s12, s1;
	v33 =	vld.idx.msk [tilespmem:v27+s30+$0x0], $0xffff  }
0x23d: {  	s29 =	simm.s32 $0x180;
	[tilespmem:s2+$0x0] =	vst v30  }
0x23e: {  	s4 =	sor.u32 s8, s1;
	v30 =	vld.idx.msk [tilespmem:v34+s29+$0x0], $0xffff  }
0x23f: {  	s3 =	sor.u32 s14, s1;
	[tilespmem:s4+$0x0] =	vst v31  }
0x240: {  	s0 =	sor.u32 s7, s1;
	v31 =	vld.idx.msk [tilespmem:v29+s29+$0x0], $0xffff;
	[tilespmem:s3+$0x0] =	vst v32  }
0x241: {  	[tilespmem:s0+$0x0] =	vst v33;
	v32 =	vld.idx.msk [tilespmem:v28+s29+$0x0], $0xffff  }
0x242: {  	v33 =	vld.idx.msk [tilespmem:v27+s29+$0x0], $0xffff  }
0x243: {  	s25 =	simm.s32 $0x200;
	[tilespmem:s2+$0x80] =	vst v30  }
0x244: {  	v30 =	vld.idx.msk [tilespmem:v34+s25+$0x0], $0xffff  }
0x245: {  	[tilespmem:s4+$0x80] =	vst v31  }
0x246: {  	v31 =	vld.idx.msk [tilespmem:v29+s25+$0x0], $0xffff;
	[tilespmem:s3+$0x80] =	vst v32  }
0x247: {  	[tilespmem:s0+$0x80] =	vst v33;
	v32 =	vld.idx.msk [tilespmem:v28+s25+$0x0], $0xffff  }
0x248: {  	v33 =	vld.idx.msk [tilespmem:v27+s25+$0x0], $0xffff  }
0x249: {  	s26 =	simm.s32 $0x280;
	[tilespmem:s2+$0x100] =	vst v30  }
0x24a: {  	v30 =	vld.idx.msk [tilespmem:v34+s26+$0x0], $0xffff  }
0x24b: {  	[tilespmem:s4+$0x100] =	vst v31  }
0x24c: {  	v31 =	vld.idx.msk [tilespmem:v29+s26+$0x0], $0xffff;
	[tilespmem:s3+$0x100] =	vst v32  }
0x24d: {  	[tilespmem:s0+$0x100] =	vst v33;
	v32 =	vld.idx.msk [tilespmem:v28+s26+$0x0], $0xffff  }
0x24e: {  	v33 =	vld.idx.msk [tilespmem:v27+s26+$0x0], $0xffff  }
0x24f: {  	p0 =	por $0x0, $0x0;
	s1 =	simm.s32 $0x1;
	[tilespmem:s2+$0x180] =	vst v30  }
0x250: {  	s1 =	simm.s32 @!p0 $0x0;
	v30 =	vld.idx.msk [tilespmem:v34+s15+$0x0], $0xffff  }
0x251: {  	s1 =	sshll.u32 s1, $0x6;
	[tilespmem:s4+$0x180] =	vst v31  }
0x252: {  	s1 =	sadd.s32 $0x0, s1;
	v31 =	vld.idx.msk [tilespmem:v29+s15+$0x0], $0xffff;
	[tilespmem:s3+$0x180] =	vst v32  }
0x253: {  	[tilespmem:s0+$0x180] =	vst v33;
	s3 =	sadd.s32 $0x30, s1;
	v32 =	vld.idx.msk [tilespmem:v28+s15+$0x0], $0xffff  }
0x254: {  	v33 =	vld.idx.msk [tilespmem:v27+s15+$0x0], $0xffff;
	s6 =	sor.u32 $0x200, s3  }
0x255: {  	s10 =	sadd.s32 $0x10, s1;
	[tilespmem:s6+$0x7C80] =	vst v30  }
0x256: {  	s9 =	simm.s32 $0xE40;
	s11 =	sor.u32 $0x200, s10;
	s6 =	sadd.s32 $0x20, s1;
	v30 =	vld.idx.msk [tilespmem:v34+s13+$0x0], $0xffff  }
0x257: {  	v35 =	vld [tilespmem:s9+$0x0];
	s9 =	simm.s32 $0x40;
	s4 =	sor.u32 $0x200, s6;
	[tilespmem:s11+$0x7C80] =	vst v31  }
0x258: {  	s23 =	sand.u32 $0x780, s9;
	s16 =	sor.u32 $0x200, s1;
	s2 =	sand.u32 $0x40, s9;
	v31 =	vld.idx.msk [tilespmem:v29+s13+$0x0], $0xffff;
	[tilespmem:s4+$0x7C80] =	vst v32  }
0x259: {  	s11 =	sadd.s32 $0xE00, s23;
	s23 =	sor.u32 $0x30, s2;
	[tilespmem:s16+$0x7C80] =	vst v33;
	v32 =	vld.idx.msk [tilespmem:v28+s13+$0x0], $0xffff  }
0x25a: {  	s24 =	sor.u32 $0x280, s3;
	s4 =	sor.u32 s23, s11;
	v33 =	vld.idx.msk [tilespmem:v27+s13+$0x0], $0xffff  }
0x25b: {  	v36 =	vld [tilespmem:s4+$0x0];
	[tilespmem:s24+$0x7C80] =	vst v30;
	s24 =	sor.u32 $0x10, s2  }
0x25c: {  	s4 =	sor.u32 $0x20, s2;
	v37 =	vld.idx.msk [tilespmem:v34+s17+$0x0], $0xffff;
	s31 =	sor.u32 s24, s11  }
0x25d: {  	vm12 =	vgt.s32 v35, $0x0;
	s16 =	sor.u32 $0x280, s10;
	s11 =	sor.u32 s4, s11;
	v38 =	vld [tilespmem:s31+$0x0]  }
0x25e: {  	s0 =	sor.u32 $0x280, s6;
	v30 =	vnsel vm12, $0x0, v35;
	[tilespmem:s16+$0x7C80] =	vst v31;
	v39 =	vld [tilespmem:s11+$0x0]  }
0x25f: {  	v30 =	vmin.u32 v30, $0x3F;
	[tilespmem:s0+$0x7C80] =	vst v32;
	v55 =	vld.idx.msk [tilespmem:v29+s17+$0x0], $0xffff  }
0x260: {  	s13 =	sor.u32 $0x300, s3;
	vm13 =	vgt.s32 v36, $0x0;
	v56 =	vld.idx.msk [tilespmem:v28+s17+$0x0], $0xffff  }
0x261: {  	s16 =	sor.u32 $0x280, s1;
	v31 =	vnsel vm13, $0x0, v36;
	[tilespmem:s13+$0x7C80] =	vst v37  }
0x262: {  	[tilespmem:s16+$0x7C80] =	vst v33;
	v31 =	vmin.u32 v31, $0x3F;
	vm14 =	vgt.s32 v38, $0x0;
	v57 =	vld.idx.msk [tilespmem:v34+s18+$0x0], $0xffff  }
0x263: {  	s31 =	sor.u32 $0x300, s10;
	v58 =	vld.idx.msk [tilespmem:v27+s17+$0x0], $0xffff;
	vm15 =	vgt.s32 v39, $0x0;
	v59 =	vnsel vm14, $0x0, v38  }
0x264: {  	s0 =	sor.u32 $0x300, s6;
	v61 =	vld.idx.msk [tilespmem:v30+s30+$0x0], $0xffff;
	[tilespmem:s31+$0x7C80] =	vst v55;
	v60 =	vnsel vm15, $0x0, v39;
	v33 =	vmin.u32 v59, $0x3F  }
0x265: {  	v62 =	vld.idx.msk [tilespmem:v29+s18+$0x0], $0xffff;
	[tilespmem:s0+$0x7C80] =	vst v56;
	v32 =	vmin.u32 v60, $0x3F  }
0x266: {  	s3 =	sor.u32 $0x380, s3;
	v35 =	vld.idx.msk [tilespmem:v28+s18+$0x0], $0xffff  }
0x267: {  	v40 =	vld.idx.msk [tilespmem:v31+s30+$0x0], $0xffff;
	[tilespmem:s3+$0x7C80] =	vst v57  }
0x268: {  	s13 =	sor.u32 $0x300, s1;
	s3 =	simm.s32 $0x200;
	v36 =	vld.idx.msk [tilespmem:v34+s19+$0x0], $0xffff  }
0x269: {  	[tilespmem:s13+$0x7C80] =	vst v58;
	s17 =	sand.u32 $0x3C00, s3;
	v41 =	vld.idx.msk [tilespmem:v33+s30+$0x0], $0xffff  }
0x26a: {  	s16 =	sor.u32 $0x380, s10;
	v63 =	vld.idx.msk [tilespmem:v32+s30+$0x0], $0xffff;
	[dreg:$0x7] =	wrdreg s17  }
0x26b: {  	[tilespmem:s16+$0x7C80] =	vst v62  }
0x26c: {  	s6 =	sor.u32 $0x380, s6;
	s31 =	sadd.s32 $0x7C80, s17;
	v42 =	vld.idx.msk [tilespmem:v27+s18+$0x0], $0xffff;
	[dreg:$0x4] =	wrdreg s23  }
0x26d: {  	s0 =	sadd.s32 $0xB080, s5;
	s11 =	sor.u32 s23, s31;
	[tilespmem:s6+$0x7C80] =	vst v35  }
0x26e: {  	s23 =	sor.u32 s12, s0;
	v38 =	vld.idx.msk [tilespmem:v29+s19+$0x0], $0xffff;
	[tilespmem:s11+$0x0] =	vst v40  }
0x26f: {  	s6 =	sor.u32 s24, s31;
	v35 =	vld.idx.msk [tilespmem:v28+s19+$0x0], $0xffff;
	[tilespmem:s23+$0x0] =	vst v36  }
0x270: {  	v40 =	vld.idx.msk [tilespmem:v31+s29+$0x0], $0xffff;
	[tilespmem:s6+$0x0] =	vst v41  }
0x271: {  	s13 =	sor.u32 s4, s31;
	v36 =	vld.idx.msk [tilespmem:v34+s20+$0x0], $0xffff;
	[dreg:$0x9] =	wrdreg s2  }
0x272: {  	s17 =	sor.u32 s2, s31;
	[tilespmem:s13+$0x0] =	vst v63  }
0x273: {  	s1 =	sor.u32 $0x380, s1;
	v41 =	vld.idx.msk [tilespmem:v33+s29+$0x0], $0xffff;
	[tilespmem:s17+$0x0] =	vst v61  }
0x274: {  	s10 =	smov.u32 s24;
	s24 =	sor.u32 s8, s0;
	[tilespmem:s1+$0x7C80] =	vst v42;
	v37 =	vld.idx.msk [tilespmem:v32+s29+$0x0], $0xffff  }
0x275: {  	v39 =	vld.idx.msk [tilespmem:v30+s29+$0x0], $0xffff;
	[tilespmem:s24+$0x0] =	vst v38  }
0x276: {  	s31 =	sor.u32 s14, s0;
	v42 =	vld.idx.msk [tilespmem:v27+s19+$0x0], $0xffff;
	s29 =	sadd.s32 $0xB100, s5;
	[tilespmem:s11+$0x80] =	vst v40  }
0x277: {  	v38 =	vld.idx.msk [tilespmem:v29+s20+$0x0], $0xffff;
	s30 =	sor.u32 s12, s29;
	[tilespmem:s31+$0x0] =	vst v35  }
0x278: {  	v40 =	vld.idx.msk [tilespmem:v31+s25+$0x0], $0xffff;
	[tilespmem:s30+$0x0] =	vst v36  }
0x279: {  	v35 =	vld.idx.msk [tilespmem:v28+s20+$0x0], $0xffff;
	[tilespmem:s6+$0x80] =	vst v41  }
0x27a: {  	v36 =	vld.idx.msk [tilespmem:v34+s28+$0x0], $0xffff;
	[tilespmem:s13+$0x80] =	vst v37  }
0x27b: {  	s0 =	sor.u32 s7, s0;
	v41 =	vld.idx.msk [tilespmem:v33+s25+$0x0], $0xffff;
	[tilespmem:s17+$0x80] =	vst v39  }
0x27c: {  	[tilespmem:s0+$0x0] =	vst v42;
	v37 =	vld.idx.msk [tilespmem:v32+s25+$0x0], $0xffff  }
0x27d: {  	s2 =	sadd.s32 $0xB180, s5;
	s23 =	sor.u32 s14, s29;
	v39 =	vld.idx.msk [tilespmem:v30+s25+$0x0], $0xffff;
	[tilespmem:s11+$0x100] =	vst v40  }
0x27e: {  	v42 =	vld.idx.msk [tilespmem:v27+s20+$0x0], $0xffff;
	s20 =	sor.u32 s12, s2;
	[tilespmem:s23+$0x0] =	vst v35  }
0x27f: {  	v40 =	vld.idx.msk [tilespmem:v31+s26+$0x0], $0xffff;
	[tilespmem:s20+$0x0] =	vst v36  }
0x280: {  	v36 =	vld.idx.msk [tilespmem:v34+s21+$0x0], $0xffff;
	s21 =	sor.u32 s8, s29;
	[tilespmem:s6+$0x100] =	vst v41  }
0x281: {  	v35 =	vld.idx.msk [tilespmem:v28+s28+$0x0], $0xffff;
	[tilespmem:s21+$0x0] =	vst v38  }
0x282: {  	v41 =	vld.idx.msk [tilespmem:v33+s26+$0x0], $0xffff;
	[tilespmem:s13+$0x100] =	vst v37  }
0x283: {  	s25 =	sor.u32 s7, s29;
	[tilespmem:s17+$0x100] =	vst v39;
	v44 =	vld.idx.msk [tilespmem:v29+s28+$0x0], $0xffff  }
0x284: {  	p0 =	por !p0, !p0;
	s24 =	sadd.s32 $0xB200, s5;
	s19 =	simm.s32 $0x1;
	[tilespmem:s25+$0x0] =	vst v42;
	v37 =	vld.idx.msk [tilespmem:v32+s26+$0x0], $0xffff  }
0x285: {  	s19 =	simm.s32 @!p0 $0x0;
	v43 =	vld.idx.msk [tilespmem:v30+s26+$0x0], $0xffff;
	s26 =	sor.u32 s12, s24;
	[tilespmem:s11+$0x180] =	vst v40  }
0x286: {  	s1 =	simm.s32 $0x4;
	s19 =	sshll.u32 s19, $0x6;
	v45 =	vld.idx.msk [tilespmem:v31+s15+$0x0], $0xffff;
	[tilespmem:s26+$0x0] =	vst v36  }
0x287: {  	s16 =	sor.u32 s7, s2;
	s20 =	sadd.s32 $0x200, s19;
	s29 =	sor.u32 s8, s2;
	v38 =	vld.idx.msk [tilespmem:v34+s22+$0x0], $0xffff;
	[tilespmem:s6+$0x180] =	vst v41  }
0x288: {  	s18 =	sor.u32 s14, s2;
	s5 =	sadd.s32 $0xB280, s5;
	s19 =	sadd.s32 $0x30, s20;
	[tilespmem:s29+$0x0] =	vst v44;
	v39 =	vld.idx.msk [tilespmem:v33+s15+$0x0], $0xffff  }
0x289: {  	s30 =	simm.s32 $0x680;
	s21 =	sadd.s32 $0x20, s20;
	s31 =	sor.u32 $0x200, s19;
	[tilespmem:s13+$0x180] =	vst v37;
	v37 =	vld.idx.msk [tilespmem:v27+s28+$0x0], $0xffff  }
0x28a: {  	s12 =	sor.u32 s12, s5;
	s11 =	sor.u32 s8, s24;
	s22 =	sadd.s32 $0x10, s20;
	v36 =	vld.idx.msk [tilespmem:v29+s30+$0x0], $0xffff  }
0x28b: {  	s26 =	sor.u32 s7, s24;
	s6 =	sor.u32 s14, s24;
	s25 =	sor.u32 $0x200, s22;
	[tilespmem:s17+$0x180] =	vst v43;
	v40 =	vld.idx.msk [tilespmem:v32+s15+$0x0], $0xffff  }
0x28c: {  	v34 =	vmov v32;
	s24 =	sor.u32 $0x200, s20;
	s17 =	simm.s32 $0xE80;
	s28 =	sor.u32 $0x200, s21;
	v41 =	vld.idx.msk [tilespmem:v30+s15+$0x0], $0xffff;
	[tilespmem:s31+$0x7C80] =	vst v45  }
.LBB2_8:
0x28d: {  	_ =	sdelay $0x2  }
0x28e: {  	v42 =	vld [tilespmem:s17+$0x0];
	[tilespmem:s12+$0x0] =	vst v38;
	s12 =	simm.s32 $0x380  }
0x28f: {  	s30 =	sor.u32 $0x280, s22;
	s15 =	sor.u32 s8, s5;
	[tilespmem:s25+$0x7C80] =	vst v39;
	v38 =	vld.idx.msk [tilespmem:v31+s12+$0x0], $0xffff  }
0x290: {  	s13 =	rddreg [dreg:$0x9];
	s8 =	smov.u32 s10;
	s9 =	sadd.s32 $0x40, s9;
	[tilespmem:s28+$0x7C80] =	vst v40;
	v39 =	vld.idx.msk [tilespmem:v33+s12+$0x0], $0xffff  }
0x291: {  	s2 =	smov.u32 s13;
	s13 =	sand.u32 $0x40, s9;
	s10 =	sand.u32 $0x780, s9;
	[tilespmem:s24+$0x7C80] =	vst v41;
	v40 =	vld.idx.msk [tilespmem:v32+s12+$0x0], $0xffff  }
0x292: {  	s10 =	sadd.s32 $0xE00, s10;
	s24 =	sor.u32 s7, s5;
	v41 =	vld.idx.msk [tilespmem:v30+s12+$0x0], $0xffff;
	[tilespmem:s18+$0x0] =	vst v35;
	s18 =	simm.s32 $0x680  }
0x293: {  	s28 =	sor.u32 s14, s5;
	s14 =	rddreg [dreg:$0x4];
	[tilespmem:s11+$0x0] =	vst v36;
	s11 =	simm.s32 $0x700;
	v35 =	vld.idx.msk [tilespmem:v28+s18+$0x0], $0xffff  }
0x294: {  	s7 =	simm.s32 $0x400;
	s12 =	smov.u32 s14;
	[tilespmem:s16+$0x0] =	vst v37;
	s16 =	sor.u32 $0x280, s19;
	v36 =	vld.idx.msk [tilespmem:v29+s11+$0x0], $0xffff;
	v29 =	vmov v33  }
0x295: {  	s14 =	smov.u32 s4;
	s4 =	rddreg [dreg:$0x7];
	v37 =	vld.idx.msk [tilespmem:v27+s18+$0x0], $0xffff;
	s18 =	sor.u32 $0x30, s13;
	[tilespmem:s16+$0x7C80] =	vst v38  }
0x296: {  	s5 =	smov.u32 s4;
	s4 =	sor.u32 $0x10, s13;
	s11 =	sor.u32 s18, s10;
	v47 =	vld.idx.msk [tilespmem:v31+s7+$0x0], $0xffff  }
0x297: {  	s31 =	sor.u32 $0x280, s21;
	[tilespmem:s30+$0x7C80] =	vst v39;
	s16 =	sor.u32 s4, s10;
	v38 =	vld [tilespmem:s11+$0x0]  }
0x298: {  	s29 =	sor.u32 $0x280, s20;
	s30 =	sor.u32 $0x20, s13;
	[tilespmem:s31+$0x7C80] =	vst v40;
	v39 =	vld [tilespmem:s16+$0x0]  }
0x299: {  	vm0 =	vgt.s32 v42, $0x0;
	[tilespmem:s29+$0x7C80] =	vst v41;
	s10 =	sor.u32 s30, s10;
	v49 =	vld.idx.msk [tilespmem:v29+s7+$0x0], $0xffff  }
0x29a: {  	v48 =	vnsel vm0, $0x0, v42;
	[tilespmem:s26+$0x0] =	vst v37;
	v40 =	vld [tilespmem:s10+$0x0]  }
0x29b: {  	s16 =	sor.u32 $0x300, s19;
	[tilespmem:s6+$0x0] =	vst v35;
	v35 =	vmin.u32 v48, $0x3F;
	v51 =	vld.idx.msk [tilespmem:v30+s7+$0x0], $0xffff  }
0x29c: {  	s26 =	simm.s32 $0x480;
	v50 =	vld.idx.msk [tilespmem:v32+s7+$0x0], $0xffff;
	vm14 =	vgt.s32 v38, $0x0;
	[tilespmem:s16+$0x7C80] =	vst v47  }
0x29d: {  	vm1 =	vgt.s32 v39, $0x0;
	s16 =	simm.s32 $0x700;
	v52 =	vnsel vm14, $0x0, v38;
	v53 =	vld.idx.msk [tilespmem:v31+s26+$0x0], $0xffff  }
0x29e: {  	v39 =	vnsel vm1, $0x0, v39;
	v43 =	vld.idx.msk [tilespmem:v28+s16+$0x0], $0xffff;
	v54 =	vmin.u32 v52, $0x3F  }
0x29f: {  	s23 =	sor.u32 $0x300, s22;
	s11 =	simm.s32 $0x100;
	[tilespmem:s15+$0x0] =	vst v36;
	v56 =	vld.idx.msk [tilespmem:v27+s16+$0x0], $0xffff;
	v33 =	vmin.u32 v39, $0x3F  }
0x2a0: {  	s0 =	sor.u32 $0x300, s20;
	s25 =	sor.u32 $0x300, s21;
	[tilespmem:s23+$0x7C80] =	vst v49;
	vm15 =	vgt.s32 v40, $0x0;
	v27 =	vmov v30;
	v30 =	vmov v35;
	v35 =	vld.idx.msk [tilespmem:v35+s11+$0x0], $0xffff  }
0x2a1: {  	[dreg:$0xb] =	wrdreg s0;
	v57 =	vld.idx.msk [tilespmem:v29+s26+$0x0], $0xffff;
	v55 =	vnsel vm15, $0x0, v40;
	[tilespmem:s25+$0x7C80] =	vst v50  }
0x2a2: {  	s10 =	rddreg [dreg:$0xb];
	v28 =	vmov v32;
	v32 =	vmin.u32 v55, $0x3F;
	v37 =	vld.idx.msk [tilespmem:v34+s26+$0x0], $0xffff  }
0x2a3: {  	[tilespmem:s10+$0x7C80] =	vst v51;
	v58 =	vld.idx.msk [tilespmem:v54+s11+$0x0], $0xffff  }
0x2a4: {  	s15 =	sor.u32 $0x380, s19;
	[tilespmem:s24+$0x0] =	vst v56;
	v59 =	vld.idx.msk [tilespmem:v33+s11+$0x0], $0xffff  }
0x2a5: {  	s3 =	sadd.s32 $0x200, s3;
	s16 =	simm.s32 $0x500;
	[tilespmem:s15+$0x7C80] =	vst v53;
	v61 =	vld.idx.msk [tilespmem:v27+s26+$0x0], $0xffff  }
0x2a6: {  	s22 =	sor.u32 $0x380, s22;
	s19 =	sand.u32 $0x3C00, s3;
	[tilespmem:s28+$0x0] =	vst v43;
	v38 =	vld.idx.msk [tilespmem:v31+s16+$0x0], $0xffff  }
0x2a7: {  	s21 =	sor.u32 $0x380, s21;
	s24 =	sadd.s32 $0x7C80, s19;
	[tilespmem:s22+$0x7C80] =	vst v57;
	v60 =	vld.idx.msk [tilespmem:v32+s11+$0x0], $0xffff  }
0x2a8: {  	[dreg:$0x7] =	wrdreg s19;
	s19 =	sor.u32 s13, s24;
	v40 =	vld.idx.msk [tilespmem:v29+s16+$0x0], $0xffff;
	[tilespmem:s21+$0x7C80] =	vst v37  }
0x2a9: {  	s23 =	simm.s32 $0x180;
	s6 =	sor.u32 s18, s24;
	[tilespmem:s19+$0x0] =	vst v35;
	v37 =	vld.idx.msk [tilespmem:v28+s16+$0x0], $0xffff  }
0x2aa: {  	s22 =	sor.u32 s4, s24;
	v63 =	vld.idx.msk [tilespmem:v30+s23+$0x0], $0xffff;
	[tilespmem:s6+$0x0] =	vst v58  }
0x2ab: {  	s20 =	sor.u32 $0x380, s20;
	s10 =	smov.u32 s4;
	s25 =	sadd.s32 $0xB080, s5;
	[tilespmem:s22+$0x0] =	vst v59;
	v41 =	vld.idx.msk [tilespmem:v54+s23+$0x0], $0xffff  }
0x2ac: {  	s4 =	smov.u32 s30;
	s21 =	sor.u32 s30, s24;
	s30 =	sor.u32 s12, s25;
	[tilespmem:s20+$0x7C80] =	vst v61;
	v42 =	vld.idx.msk [tilespmem:v33+s23+$0x0], $0xffff  }
0x2ad: {  	s24 =	simm.s32 $0x580;
	[tilespmem:s30+$0x0] =	vst v38;
	v43 =	vld.idx.msk [tilespmem:v27+s16+$0x0], $0xffff  }
0x2ae: {  	[dreg:$0x4] =	wrdreg s18;
	s18 =	sor.u32 s8, s25;
	[tilespmem:s21+$0x0] =	vst v60;
	v38 =	vld.idx.msk [tilespmem:v31+s24+$0x0], $0xffff  }
0x2af: {  	[tilespmem:s18+$0x0] =	vst v40;
	v62 =	vld.idx.msk [tilespmem:v32+s23+$0x0], $0xffff  }
0x2b0: {  	s0 =	simm.s32 $0x200;
	v40 =	vld.idx.msk [tilespmem:v29+s24+$0x0], $0xffff;
	[tilespmem:s19+$0x80] =	vst v63  }
0x2b1: {  	[dreg:$0x9] =	wrdreg s13;
	s7 =	smov.u32 s2;
	v39 =	vld.idx.msk [tilespmem:v30+s0+$0x0], $0xffff;
	[tilespmem:s6+$0x80] =	vst v41  }
0x2b2: {  	s2 =	sor.u32 s7, s25;
	s13 =	sor.u32 s14, s25;
	s25 =	sadd.s32 $0xB100, s5;
	[tilespmem:s22+$0x80] =	vst v42;
	v41 =	vld.idx.msk [tilespmem:v54+s0+$0x0], $0xffff  }
0x2b3: {  	s30 =	sor.u32 s12, s25;
	[tilespmem:s2+$0x0] =	vst v43;
	v42 =	vld.idx.msk [tilespmem:v33+s0+$0x0], $0xffff  }
0x2b4: {  	s28 =	simm.s32 $0x600;
	[tilespmem:s30+$0x0] =	vst v38;
	v43 =	vld.idx.msk [tilespmem:v27+s24+$0x0], $0xffff  }
0x2b5: {  	[tilespmem:s21+$0x80] =	vst v62;
	v38 =	vld.idx.msk [tilespmem:v31+s28+$0x0], $0xffff  }
0x2b6: {  	v35 =	vld.idx.msk [tilespmem:v32+s0+$0x0], $0xffff;
	[tilespmem:s13+$0x0] =	vst v37  }
0x2b7: {  	s31 =	simm.s32 $0x280;
	[tilespmem:s19+$0x100] =	vst v39;
	v37 =	vld.idx.msk [tilespmem:v28+s24+$0x0], $0xffff  }
0x2b8: {  	s0 =	sadd.s32 $0xB180, s5;
	v45 =	vld.idx.msk [tilespmem:v30+s31+$0x0], $0xffff;
	[tilespmem:s6+$0x100] =	vst v41  }
0x2b9: {  	s2 =	sor.u32 s12, s0;
	[tilespmem:s22+$0x100] =	vst v42;
	v41 =	vld.idx.msk [tilespmem:v54+s31+$0x0], $0xffff  }
0x2ba: {  	[tilespmem:s2+$0x0] =	vst v38;
	s2 =	simm.s32 $0x680;
	v42 =	vld.idx.msk [tilespmem:v33+s31+$0x0], $0xffff  }
0x2bb: {  	s26 =	sor.u32 s8, s25;
	[tilespmem:s21+$0x100] =	vst v35;
	v38 =	vld.idx.msk [tilespmem:v31+s2+$0x0], $0xffff  }
0x2bc: {  	p0 =	por !p0, !p0;
	s11 =	sor.u32 s14, s25;
	s20 =	simm.s32 $0x1;
	[tilespmem:s26+$0x0] =	vst v40;
	v44 =	vld.idx.msk [tilespmem:v32+s31+$0x0], $0xffff  }
0x2bd: {  	s1 =	sadd.s32 $0x4, s1;
	s17 =	sadd.s32 $0x40, s17;
	s20 =	simm.s32 @!p0 $0x0;
	v46 =	vld.idx.msk [tilespmem:v29+s28+$0x0], $0xffff;
	[tilespmem:s11+$0x0] =	vst v37  }
0x2be: {  	p1 =	slt.u32 s1, $0x64;
	s20 =	sshll.u32 s20, $0x6;
	s30 =	simm.s32 $0x300;
	[tilespmem:s19+$0x180] =	vst v45;
	v35 =	vld.idx.msk [tilespmem:v28+s28+$0x0], $0xffff  }
0x2bf: {  	s29 =	simm.s32 $0x700;
	s23 =	sor.u32 s7, s25;
	s20 =	sadd.s32 s20, s3;
	[tilespmem:s6+$0x180] =	vst v41;
	v41 =	vld.idx.msk [tilespmem:v30+s30+$0x0], $0xffff  }
0x2c0: {  	s16 =	sor.u32 s7, s0;
	s15 =	sor.u32 s8, s0;
	s24 =	sadd.s32 $0xB200, s5;
	[tilespmem:s22+$0x180] =	vst v42;
	v47 =	vld.idx.msk [tilespmem:v54+s30+$0x0], $0xffff  }
.Ltmp7:
0x2c1: {  	s5 =	sadd.s32 $0xB280, s5;
	s25 =	sor.u32 s12, s24;
	[tilespmem:s23+$0x0] =	vst v43;
	v39 =	vld.idx.msk [tilespmem:v33+s30+$0x0], $0xffff;
	(pc) =	sbr.rel @p1 .LBB2_8-.Ltmp7, $4  }
0x2c2: {  	s18 =	sor.u32 s14, s0;
	s12 =	sor.u32 s12, s5;
	s19 =	sadd.s32 $0x30, s20;
	[tilespmem:s25+$0x0] =	vst v38;
	v37 =	vld.idx.msk [tilespmem:v27+s28+$0x0], $0xffff  }
0x2c3: {  	s26 =	sor.u32 s7, s24;
	s11 =	sor.u32 s8, s24;
	s31 =	sor.u32 $0x200, s19;
	[tilespmem:s21+$0x180] =	vst v44;
	v38 =	vld.idx.msk [tilespmem:v31+s29+$0x0], $0xffff  }
0x2c4: {  	s6 =	sor.u32 s14, s24;
	s22 =	sadd.s32 $0x10, s20;
	s21 =	sadd.s32 $0x20, s20;
	[tilespmem:s15+$0x0] =	vst v46;
	v40 =	vld.idx.msk [tilespmem:v32+s30+$0x0], $0xffff  }
0x2c5: {  	v34 =	vmov v32;
	s24 =	sor.u32 $0x200, s20;
	s25 =	sor.u32 $0x200, s22;
	v31 =	vmov v54;
	s28 =	sor.u32 $0x200, s21;
	v36 =	vld.idx.msk [tilespmem:v29+s2+$0x0], $0xffff;
	[tilespmem:s31+$0x7C80] =	vst v47  }
0x2c6: {  	_ =	sdelay $0x2  }
0x2c7: {  	s0 =	simm.s32 $0x380  }
0x2c8: {  	[tilespmem:s25+$0x7C80] =	vst v39;
	v61 =	vld.idx.msk [tilespmem:v31+s0+$0x0], $0xffff  }
0x2c9: {  	[tilespmem:s24+$0x7C80] =	vst v41;
	v62 =	vld.idx.msk [tilespmem:v33+s0+$0x0], $0xffff  }
0x2ca: {  	v42 =	vld.idx.msk [tilespmem:v30+s0+$0x0], $0xffff;
	[tilespmem:s28+$0x7C80] =	vst v40  }
0x2cb: {  	v63 =	vld.idx.msk [tilespmem:v32+s0+$0x0], $0xffff  }
0x2cc: {  	s1 =	sor.u32 $0x280, s19  }
0x2cd: {  	s29 =	sor.u32 $0x280, s22;
	s31 =	simm.s32 $0x400;
	[tilespmem:s1+$0x7C80] =	vst v61  }
0x2ce: {  	s2 =	sor.u32 $0x280, s20;
	[tilespmem:s29+$0x7C80] =	vst v62;
	v39 =	vld.idx.msk [tilespmem:v31+s31+$0x0], $0xffff  }
0x2cf: {  	s30 =	sor.u32 $0x280, s21;
	[tilespmem:s2+$0x7C80] =	vst v42;
	v40 =	vld.idx.msk [tilespmem:v33+s31+$0x0], $0xffff  }
0x2d0: {  	v42 =	vld.idx.msk [tilespmem:v30+s31+$0x0], $0xffff;
	[tilespmem:s30+$0x7C80] =	vst v63  }
0x2d1: {  	v41 =	vld.idx.msk [tilespmem:v32+s31+$0x0], $0xffff  }
0x2d2: {  	s3 =	sor.u32 $0x300, s19  }
0x2d3: {  	s9 =	sor.u32 $0x300, s22;
	s15 =	simm.s32 $0x480;
	[tilespmem:s3+$0x7C80] =	vst v39  }
0x2d4: {  	s17 =	sor.u32 $0x300, s20;
	[tilespmem:s9+$0x7C80] =	vst v40;
	v39 =	vld.idx.msk [tilespmem:v31+s15+$0x0], $0xffff  }
0x2d5: {  	s13 =	sor.u32 $0x300, s21;
	[tilespmem:s17+$0x7C80] =	vst v42;
	v40 =	vld.idx.msk [tilespmem:v33+s15+$0x0], $0xffff  }
0x2d6: {  	v45 =	vld.idx.msk [tilespmem:v30+s15+$0x0], $0xffff;
	[tilespmem:s13+$0x7C80] =	vst v41  }
0x2d7: {  	v34 =	vld.idx.msk [tilespmem:v34+s15+$0x0], $0xffff  }
0x2d8: {  	s23 =	sor.u32 $0x380, s19  }
0x2d9: {  	s24 =	sor.u32 $0x380, s22;
	[tilespmem:s23+$0x7C80] =	vst v39  }
0x2da: {  	s29 =	simm.s32 $0x500;
	s30 =	sor.u32 $0x380, s20;
	[tilespmem:s24+$0x7C80] =	vst v40  }
0x2db: {  	s25 =	sor.u32 $0x380, s21;
	[tilespmem:s30+$0x7C80] =	vst v45;
	v39 =	vld.idx.msk [tilespmem:v31+s29+$0x0], $0xffff  }
0x2dc: {  	v46 =	vld.idx.msk [tilespmem:v33+s29+$0x0], $0xffff;
	[tilespmem:s25+$0x7C80] =	vst v34  }
0x2dd: {  	v47 =	vld.idx.msk [tilespmem:v32+s29+$0x0], $0xffff;
	s9 =	rddreg [dreg:$0x7];
	[tilespmem:s12+$0x0] =	vst v38  }
0x2de: {  	s31 =	sadd.s32 $0xB080, s9;
	s0 =	rddreg [dreg:$0x4]  }
0x2df: {  	s3 =	sor.u32 s0, s31  }
0x2e0: {  	s17 =	simm.s32 $0x580;
	v41 =	vld.idx.msk [tilespmem:v30+s29+$0x0], $0xffff;
	s13 =	sor.u32 s10, s31;
	[tilespmem:s3+$0x0] =	vst v39  }
0x2e1: {  	s15 =	sor.u32 s4, s31;
	[tilespmem:s13+$0x0] =	vst v46;
	v48 =	vld.idx.msk [tilespmem:v31+s17+$0x0], $0xffff  }
0x2e2: {  	v49 =	vld.idx.msk [tilespmem:v33+s17+$0x0], $0xffff;
	[tilespmem:s15+$0x0] =	vst v47  }
0x2e3: {  	s2 =	rddreg [dreg:$0x9];
	[tilespmem:s18+$0x0] =	vst v35  }
0x2e4: {  	s21 =	simm.s32 $0x680;
	s19 =	sadd.s32 $0xB100, s9;
	v50 =	vld.idx.msk [tilespmem:v32+s17+$0x0], $0xffff;
	[tilespmem:s16+$0x0] =	vst v37;
	s1 =	sor.u32 s2, s31  }
0x2e5: {  	s20 =	sor.u32 s0, s19;
	v52 =	vld.idx.msk [tilespmem:v28+s21+$0x0], $0xffff;
	[tilespmem:s1+$0x0] =	vst v41  }
0x2e6: {  	s22 =	sor.u32 s10, s19;
	s13 =	simm.s32 $0x600;
	v51 =	vld.idx.msk [tilespmem:v30+s17+$0x0], $0xffff;
	[tilespmem:s20+$0x0] =	vst v48  }
0x2e7: {  	[tilespmem:s22+$0x0] =	vst v49;
	v34 =	vld.idx.msk [tilespmem:v31+s13+$0x0], $0xffff  }
0x2e8: {  	s23 =	sor.u32 s4, s19;
	[tilespmem:s11+$0x0] =	vst v36;
	v38 =	vld.idx.msk [tilespmem:v33+s13+$0x0], $0xffff  }
0x2e9: {  	s29 =	simm.s32 $0x700;
	v55 =	vld.idx.msk [tilespmem:v27+s21+$0x0], $0xffff;
	[tilespmem:s23+$0x0] =	vst v50  }
0x2ea: {  	s24 =	sadd.s32 $0xB180, s9;
	v29 =	vld.idx.msk [tilespmem:v29+s29+$0x0], $0xffff;
	s1 =	sor.u32 s2, s19;
	[tilespmem:s6+$0x0] =	vst v52  }
0x2eb: {  	s25 =	sor.u32 s0, s24;
	v53 =	vld.idx.msk [tilespmem:v32+s13+$0x0], $0xffff;
	[tilespmem:s1+$0x0] =	vst v51  }
0x2ec: {  	s30 =	sor.u32 s10, s24;
	v54 =	vld.idx.msk [tilespmem:v30+s13+$0x0], $0xffff;
	[tilespmem:s25+$0x0] =	vst v34  }
0x2ed: {  	[tilespmem:s30+$0x0] =	vst v38;
	v34 =	vld.idx.msk [tilespmem:v31+s21+$0x0], $0xffff  }
0x2ee: {  	s6 =	sor.u32 s8, s5;
	[tilespmem:s26+$0x0] =	vst v55;
	v56 =	vld.idx.msk [tilespmem:v33+s21+$0x0], $0xffff  }
0x2ef: {  	s31 =	sor.u32 s4, s24;
	[tilespmem:s6+$0x0] =	vst v29;
	v59 =	vld.idx.msk [tilespmem:v28+s29+$0x0], $0xffff  }
0x2f0: {  	s8 =	sadd.s32 $0xB200, s9;
	v27 =	vld.idx.msk [tilespmem:v27+s29+$0x0], $0xffff;
	s1 =	sor.u32 s2, s24;
	[tilespmem:s31+$0x0] =	vst v53  }
0x2f1: {  	s13 =	sor.u32 s0, s8;
	v57 =	vld.idx.msk [tilespmem:v32+s21+$0x0], $0xffff;
	[tilespmem:s1+$0x0] =	vst v54  }
0x2f2: {  	s15 =	sor.u32 s10, s8;
	v58 =	vld.idx.msk [tilespmem:v30+s21+$0x0], $0xffff;
	[tilespmem:s13+$0x0] =	vst v34  }
0x2f3: {  	s18 =	sor.u32 s14, s5;
	[tilespmem:s15+$0x0] =	vst v56;
	v60 =	vld.idx.msk [tilespmem:v31+s29+$0x0], $0xffff  }
0x2f4: {  	s19 =	sor.u32 s7, s5;
	[tilespmem:s18+$0x0] =	vst v59;
	v61 =	vld.idx.msk [tilespmem:v33+s29+$0x0], $0xffff  }
0x2f5: {  	s16 =	sor.u32 s4, s8;
	[tilespmem:s19+$0x0] =	vst v27  }
0x2f6: {  	s20 =	sadd.s32 $0xB280, s9;
	s17 =	sor.u32 s2, s8;
	[tilespmem:s16+$0x0] =	vst v57  }
0x2f7: {  	s21 =	sor.u32 s0, s20;
	[tilespmem:s17+$0x0] =	vst v58  }
0x2f8: {  	s22 =	sor.u32 s10, s20;
	[tilespmem:s21+$0x0] =	vst v60  }
0x2f9: {  	s26 =	rddreg [dreg:$0x2];
	v62 =	vld.idx.msk [tilespmem:v32+s29+$0x0], $0xffff;
	[tilespmem:s22+$0x0] =	vst v61  }
0x2fa: {  	v63 =	vld.idx.msk [tilespmem:v30+s29+$0x0], $0xffff;
	s3 =	rddreg [dreg:$0x16]  }
0x2fb: {  	s28 =	simm.s32 $0x600;
	s23 =	sor.u32 s4, s20;
	s24 =	rddreg [dreg:$0x10]  }
0x2fc: {  	s30 =	simm.s32 $0x7A1400;
	s31 =	simm.s32 $0x7C80;
	s25 =	rddreg [dreg:$0x14]  }
0x2fd: {  	s18 =	simm.s32 $0x480;
	s3 =	smul.u32 $0x680, s3;
	s4 =	sadd.s32 s24, s25  }
0x2fe: {  	s19 =	simm.s32 $0x500;
	s1 =	sor.u32 s2, s20;
	[tilespmem:s23+$0x0] =	vst v62;
	p0 =	sgt.u32 s4, $0x258  }
0x2ff: {  	s29 =	simm.s32 $0x3400;
	s0 =	sadd.s32 s26, s3;
	[tilespmem:s1+$0x0] =	vst v63;
	s1 =	smul.u32 @!p0 $0xD0, s4  }
0x300: {  	[hbm4b:s0+s29] =	stream.strided.scatter [tilespmem:s31], [sflag:$0x4], $0x6800, s30, s29, $0x38;
	[tilespmem:$0xE480] =	vst v63  }
.Ltmp8:
0x301: {  	s15 =	simm.s32 $0x300;
	s13 =	simm.s32 $0x380;
	(pc) =	sbr.rel .LBB2_10-.Ltmp8, $4  }
0x302: {  	s20 =	simm.s32 $0x580;
	s17 =	simm.s32 $0x400;
	s0 =	rddreg [dreg:$0x0]  }
0x303: {  	s2 =	simm.s32 @!p0 $0xE00;
	s0 =	sadd.s32 @!p0 s0, s1;
	s1 =	simm.s32 @!p0 $0x0  }
0x304: {  	[tilespmem:s2], [sflag:$0x2] =	stream.linear.gather @!p0 [hbm4b:s0+s1], $0x680, $0x38;
	[tilespmem:$0xE480] =	vst v63  }
0x305: {  	s21 =	simm.s32 $0x680;
	s22 =	simm.s32 $0x700;
	s1 =	rddreg [dreg:$0x13]  }
.LBB2_12:
0x306: {  	_ =	sfence.sel $0x180000  }
0x307: {  	[bflag:$0x0] =	sbarrier.arrive $0xFFFF  }
0x308: {  	_ =	strace $0x90000047  }
0x309: {  	s0 =	stileid.u32;
	[bflag:$0x2] =	sbarrier.arrive $0xFFFF  }
0x30a: {  	p0 =	sne.s32 s0, $0x0;
	s0 =	rddreg [dreg:$0x3]  }
0x30b: {  	s0 =	sadd.s32 @!p0 $0x100000, s0  }
0x30c: {  	[sflag:s0] =	ssyncadd.tile.s32 @!p0 $0x1;
	_ =	shalt  }
.Lfunc_end2:
_tile_overlayer_lowered:
.L_overlay_start_2:
0x30d: {  	(tag) =	ssettag $0x2  }
0x30e: {  	s0 =	rddreg [dreg:$0x0];
	s2 =	stileid.u32  }
0x30f: {  	s1 =	rddreg [dreg:$0x1];
	p0 =	sne.s32 s2, $0x0  }
0x310: {  	s3 =	rddreg [dreg:$0x2];
	[bflag:$0x3] =	sbarrier.arrive $0xFFFF;
	s2 =	simm.s32 @!p0 $0x1C05  }
0x311: {  	[timem:s3], [sflag:s2] =	dma.local @!p0 [hbm:s0], s1  }
0x312: {  	s0 =	simm.s32 @!p0 $0x5  }
0x313: {  	_ =	swait.ge @!p0 [sflag:s0], s1  }
0x314: {  	s1 =	ssub.s32 @!p0 $0x0, s1;
	[sflag:s0] =	ssyncset.done @!p0 $0x0  }
0x315: {  	[sflag:s0] =	ssyncadd.s32 @!p0 s1  }
0x316: {  	[bflag:$0x3] =	sbarrier.arrive $0xFFFF  }
0x317: {  	_ =	shalt  }

</sc_bundles>
